<compile_context>
chip_gen: v7x
topology: tpu7x:2x2x1
jax: 0.10.2.dev20260603
libtpu: 0.0.44.dev20260713+nightly
codegen_flags: <defaults>
</compile_context>

<pallas_src>
import jax
import jax.numpy as jnp
from jax import lax
from jax.experimental import pallas as pl
from jax.experimental.pallas import tpu as pltpu
from jax.experimental.pallas import tpu_sc as plsc

_L = 16
_CHUNK = 64


def _lane_sum16(v):
    lanes = lax.iota(jnp.int32, _L)
    dnums = lax.GatherDimensionNumbers(
        offset_dims=(), collapsed_slice_dims=(0,), start_index_map=(0,))
    for k in (8, 4, 2, 1):
        shuf = lax.gather(
            v, (lanes ^ k)[:, None], dimension_numbers=dnums, slice_sizes=(1,),
            mode=lax.GatherScatterMode.PROMISE_IN_BOUNDS)
        v = v + shuf
    return v


def _rsqrt16(v):
    s = (v + 1.0) * 0.5
    for _ in range(26):
        s = (s + v / s) * 0.5
    return 1.0 / s


def kernel(x, pos_table, gamma, beta):
    B, S, D = x.shape
    N = B * S
    n_lane_slices = D // _L

    info = plsc.get_sparse_core_info()
    nw = info.num_cores * info.num_subcores
    rows_per_w = N // nw
    n_chunks = rows_per_w // _CHUNK

    x_flat = x.reshape(N * D)
    pos_flat = pos_table.reshape(S * D)

    mesh = plsc.VectorSubcoreMesh(core_axis_name="c", subcore_axis_name="s")

    @pl.kernel(
        mesh=mesh,
        out_type=jax.ShapeDtypeStruct((N * D,), jnp.float32),
        scratch_types=[
            pltpu.VMEM((_CHUNK * D,), jnp.float32),
            pltpu.VMEM((_CHUNK * D,), jnp.float32),
            pltpu.VMEM((D,), jnp.float32),
            pltpu.VMEM((D,), jnp.float32),
        ],
    )
    def sc_k(x_hbm, pos_hbm, gamma_hbm, beta_hbm, out_hbm, xbuf, pbuf, gbuf, bbuf):
        wid = lax.axis_index("s") * info.num_cores + lax.axis_index("c")
        pltpu.sync_copy(gamma_hbm, gbuf)
        pltpu.sync_copy(beta_hbm, bbuf)

        def chunk_body(c, _):
            row0 = wid * rows_per_w + c * _CHUNK
            prow0 = lax.rem(row0, S)
            pltpu.sync_copy(x_hbm.at[pl.ds(row0 * D, _CHUNK * D)], xbuf)
            pltpu.sync_copy(pos_hbm.at[pl.ds(prow0 * D, _CHUNK * D)], pbuf)

            def row_body(r, _):
                base = r * D
                acc = jnp.zeros((_L,), jnp.float32)
                accsq = jnp.zeros((_L,), jnp.float32)
                for i in range(n_lane_slices):
                    sl = pl.ds(base + i * _L, _L)
                    e = xbuf[sl] + pbuf[sl]
                    xbuf[sl] = e
                    acc = acc + e
                    accsq = accsq + e * e
                mean16 = _lane_sum16(acc) * (1.0 / D)
                meansq16 = _lane_sum16(accsq) * (1.0 / D)
                var16 = meansq16 - mean16 * mean16
                inv16 = _rsqrt16(var16 + 1e-12)
                for i in range(n_lane_slices):
                    sl = pl.ds(base + i * _L, _L)
                    gsl = pl.ds(i * _L, _L)
                    xbuf[sl] = (xbuf[sl] - mean16) * (inv16 * gbuf[gsl]) + bbuf[gsl]
                return 0

            lax.fori_loop(0, _CHUNK, row_body, 0)
            pltpu.sync_copy(xbuf, out_hbm.at[pl.ds(row0 * D, _CHUNK * D)])
            return 0

        lax.fori_loop(0, n_chunks, chunk_body, 0)

    out = sc_k(x_flat, pos_flat, gamma, beta)
    return out.reshape(B, S, D)

# --- scband reference (transcript-rebuilt; emitter-appended) ---
"""Pipeline reference for scband-absolute-position-embedding-54674933678245 (READ-ONLY COPY).

The authoritative reference and input builder live on the scoring server;
editing this copy changes nothing except your own understanding.
"""

import jax, jax.numpy as jnp
import numpy as np

SEQ_LEN = 8192
D = 768
B = 4
EPS = 1e-12

def setup_inputs(seed: int = 0) -> dict:
    key = jax.random.key(seed)
    k1, k2 = jax.random.split(key)
    x = jax.random.normal(k1, (B, SEQ_LEN, D), dtype=jnp.float32)
    pos_table = jax.random.normal(k2, (SEQ_LEN, D), dtype=jnp.float32) * 0.02
    gamma = jnp.ones((D,), dtype=jnp.float32)
    beta = jnp.zeros((D,), dtype=jnp.float32)
    return {"x": x, "pos_table": pos_table, "gamma": gamma, "beta": beta}

def reference(x, pos_table, gamma, beta):
    # position_ids = arange(seq_len) expanded to (1, seq_len)
    position_ids = jnp.arange(SEQ_LEN)[None, :]
    # embedding lookup (gather)
    position_embeddings = jnp.take(pos_table, position_ids, axis=0)  # (1, S, D)
    embeddings = x + position_embeddings
    # LayerNorm over last dim
    mean = jnp.mean(embeddings, axis=-1, keepdims=True)
    var = jnp.var(embeddings, axis=-1, keepdims=True)
    normed = (embeddings - mean) / jnp.sqrt(var + EPS)
    out = normed * gamma + beta
    # dropout is identity in eval mode
    return out

if __name__ == "__main__":
    import jax
    _d = setup_inputs()
    print(jax.jit(kernel)(*tuple(_d.values())))

</pallas_src>

<mosaic_0001>
#map = affine_map<(d0, d1) -> (0)>
module attributes {stable_mosaic.version = 14 : i64} {
  func.func @sc_k(%arg0: i32, %arg1: i32, %arg2: memref<25165824xf32, #tpu.memory_space<hbm>>, %arg3: memref<6291456xf32, #tpu.memory_space<hbm>>, %arg4: memref<768xf32, #tpu.memory_space<hbm>>, %arg5: memref<768xf32, #tpu.memory_space<hbm>>, %arg6: memref<25165824xf32, #tpu.memory_space<hbm>>, %arg7: memref<49152xf32, #tpu.memory_space<vmem>>, %arg8: memref<49152xf32, #tpu.memory_space<vmem>>, %arg9: memref<768xf32, #tpu.memory_space<vmem>>, %arg10: memref<768xf32, #tpu.memory_space<vmem>>) attributes {dimension_semantics = [#tpu.dimension_semantics<core_parallel>, #tpu.dimension_semantics<subcore_parallel>], iteration_bounds = array<i64: 2, 16>, scalar_prefetch = 0 : i64, scratch_operands = 4 : i64, tpu.core_type = #tpu.core_type<sc_vector_subcore>, window_params = [{transform_indices = #map}, {transform_indices = #map}, {transform_indices = #map}, {transform_indices = #map}, {transform_indices = #map}]} {
    %mul3A = arith.constant 2 : i32
    %mul3A_0 = arith.muli %arg1, %mul3A : i32
    %add3A = arith.addi %mul3A_0, %arg0 : i32
    "tpu.region"() ({
      %run_scoped3A = tpu.sem_alloc : memref<!tpu.dma_semaphore, #tpu.memory_space<semaphore_mem>>
      tpu.enqueue_dma source(%arg4 : memref<768xf32, #tpu.memory_space<hbm>>) target(%arg9 : memref<768xf32, #tpu.memory_space<vmem>>) target_semaphore(%run_scoped3A : memref<!tpu.dma_semaphore, #tpu.memory_space<semaphore_mem>>)
      tpu.wait_dma2 semaphore(%run_scoped3A : memref<!tpu.dma_semaphore, #tpu.memory_space<semaphore_mem>>) src(%arg4 : memref<768xf32, #tpu.memory_space<hbm>>) dst(%arg9 : memref<768xf32, #tpu.memory_space<vmem>>)
      tpu.yield
    }) : () -> ()
    "tpu.region"() ({
      %run_scoped3A = tpu.sem_alloc : memref<!tpu.dma_semaphore, #tpu.memory_space<semaphore_mem>>
      tpu.enqueue_dma source(%arg5 : memref<768xf32, #tpu.memory_space<hbm>>) target(%arg10 : memref<768xf32, #tpu.memory_space<vmem>>) target_semaphore(%run_scoped3A : memref<!tpu.dma_semaphore, #tpu.memory_space<semaphore_mem>>)
      tpu.wait_dma2 semaphore(%run_scoped3A : memref<!tpu.dma_semaphore, #tpu.memory_space<semaphore_mem>>) src(%arg5 : memref<768xf32, #tpu.memory_space<hbm>>) dst(%arg10 : memref<768xf32, #tpu.memory_space<vmem>>)
      tpu.yield
    }) : () -> ()
    %scan3A = arith.constant 0 : i32
    %scan3A_1 = arith.constant 0 : i32
    %scan3A_2 = arith.constant 16 : i32
    %scan3A_3 = arith.addi %scan3A_1, %scan3A_2 : i32
    %scan3A_4 = arith.constant 1 : i32
    %scan3A_5 = scf.for %scan3A_7 = %scan3A_1 to %scan3A_3 step %scan3A_4 iter_args(%scan3A_8 = %scan3A) -> (i32)  : i32 {
      %mul3A_9 = arith.constant 1024 : i32
      %mul3A_10 = arith.muli %add3A, %mul3A_9 : i32
      %mul3A_11 = arith.constant 64 : i32
      %mul3A_12 = arith.muli %scan3A_7, %mul3A_11 : i32
      %add3A_13 = arith.addi %mul3A_10, %mul3A_12 : i32
      %rem3A = arith.constant 8192 : i32
      %rem3A_14 = arith.remsi %add3A_13, %rem3A : i32
      %mul3A_15 = arith.constant 768 : i32
      %mul3A_16 = arith.muli %add3A_13, %mul3A_15 : i32
      "tpu.region"() ({
        %run_scoped3A = tpu.sem_alloc : memref<!tpu.dma_semaphore, #tpu.memory_space<semaphore_mem>>
        %dma_start3A = tpu.memref_slice %arg2[%mul3A_16] : memref<25165824xf32, #tpu.memory_space<hbm>> -> memref<49152xf32, #tpu.memory_space<hbm>>
        %dma_start3A_29 = tpu.memref_slice %arg2[%mul3A_16] : memref<25165824xf32, #tpu.memory_space<hbm>> -> memref<49152xf32, #tpu.memory_space<hbm>>
        tpu.enqueue_dma source(%dma_start3A_29 : memref<49152xf32, #tpu.memory_space<hbm>>) target(%arg7 : memref<49152xf32, #tpu.memory_space<vmem>>) target_semaphore(%run_scoped3A : memref<!tpu.dma_semaphore, #tpu.memory_space<semaphore_mem>>)
        %dma_wait3A = tpu.memref_slice %arg2[%mul3A_16] : memref<25165824xf32, #tpu.memory_space<hbm>> -> memref<49152xf32, #tpu.memory_space<hbm>>
        %dma_wait3A_30 = tpu.memref_slice %arg2[%mul3A_16] : memref<25165824xf32, #tpu.memory_space<hbm>> -> memref<49152xf32, #tpu.memory_space<hbm>>
        tpu.wait_dma2 semaphore(%run_scoped3A : memref<!tpu.dma_semaphore, #tpu.memory_space<semaphore_mem>>) src(%dma_wait3A_30 : memref<49152xf32, #tpu.memory_space<hbm>>) dst(%arg7 : memref<49152xf32, #tpu.memory_space<vmem>>)
        tpu.yield
      }) : () -> ()
      %mul3A_17 = arith.constant 768 : i32
      %mul3A_18 = arith.muli %rem3A_14, %mul3A_17 : i32
      "tpu.region"() ({
        %run_scoped3A = tpu.sem_alloc : memref<!tpu.dma_semaphore, #tpu.memory_space<semaphore_mem>>
        %dma_start3A = tpu.memref_slice %arg3[%mul3A_18] : memref<6291456xf32, #tpu.memory_space<hbm>> -> memref<49152xf32, #tpu.memory_space<hbm>>
        %dma_start3A_29 = tpu.memref_slice %arg3[%mul3A_18] : memref<6291456xf32, #tpu.memory_space<hbm>> -> memref<49152xf32, #tpu.memory_space<hbm>>
        tpu.enqueue_dma source(%dma_start3A_29 : memref<49152xf32, #tpu.memory_space<hbm>>) target(%arg8 : memref<49152xf32, #tpu.memory_space<vmem>>) target_semaphore(%run_scoped3A : memref<!tpu.dma_semaphore, #tpu.memory_space<semaphore_mem>>)
        %dma_wait3A = tpu.memref_slice %arg3[%mul3A_18] : memref<6291456xf32, #tpu.memory_space<hbm>> -> memref<49152xf32, #tpu.memory_space<hbm>>
        %dma_wait3A_30 = tpu.memref_slice %arg3[%mul3A_18] : memref<6291456xf32, #tpu.memory_space<hbm>> -> memref<49152xf32, #tpu.memory_space<hbm>>
        tpu.wait_dma2 semaphore(%run_scoped3A : memref<!tpu.dma_semaphore, #tpu.memory_space<semaphore_mem>>) src(%dma_wait3A_30 : memref<49152xf32, #tpu.memory_space<hbm>>) dst(%arg8 : memref<49152xf32, #tpu.memory_space<vmem>>)
        tpu.yield
      }) : () -> ()
      %scan3A_19 = arith.constant 0 : i32
      %scan3A_20 = arith.constant 0 : i32
      %scan3A_21 = arith.constant 64 : i32
      %scan3A_22 = arith.addi %scan3A_20, %scan3A_21 : i32
      %scan3A_23 = arith.constant 1 : i32
      %scan3A_24 = scf.for %scan3A_29 = %scan3A_20 to %scan3A_22 step %scan3A_23 iter_args(%scan3A_30 = %scan3A_19) -> (i32)  : i32 {
        %mul3A_31 = arith.constant 768 : i32
        %mul3A_32 = arith.muli %scan3A_29, %mul3A_31 : i32
        %broadcast_in_dim3A = arith.constant 0.000000e+00 : f32
        %broadcast_in_dim3A_33 = vector.broadcast %broadcast_in_dim3A : f32 to vector<16xf32>
        %broadcast_in_dim3A_34 = arith.constant 0.000000e+00 : f32
        %broadcast_in_dim3A_35 = vector.broadcast %broadcast_in_dim3A_34 : f32 to vector<16xf32>
        %add3A_36 = arith.constant 0 : i32
        %add3A_37 = arith.addi %mul3A_32, %add3A_36 : i32
        %get3A = arith.index_cast %add3A_37 : i32 to index
        %get3A_38 = tpu.vector_load %arg7[%get3A] {strides = array<i32>} : memref<49152xf32, #tpu.memory_space<vmem>>, vector<16xf32>,
        %get3A_39 = vector.shape_cast %get3A_38 : vector<16xf32> to vector<16xf32>
        %get3A_40 = arith.index_cast %add3A_37 : i32 to index
        %get3A_41 = tpu.vector_load %arg8[%get3A_40] {strides = array<i32>} : memref<49152xf32, #tpu.memory_space<vmem>>, vector<16xf32>,
        %get3A_42 = vector.shape_cast %get3A_41 : vector<16xf32> to vector<16xf32>
        %add3A_43 = arith.addf %get3A_39, %get3A_42 : vector<16xf32>
        %swap3A = arith.index_cast %add3A_37 : i32 to index
        %swap3A_44 = tpu.vector_load %arg7[%swap3A] {strides = array<i32>} : memref<49152xf32, #tpu.memory_space<vmem>>, vector<16xf32>,
        %swap3A_45 = vector.shape_cast %swap3A_44 : vector<16xf32> to vector<16xf32>
        %swap3A_46 = vector.shape_cast %add3A_43 : vector<16xf32> to vector<16xf32>
        tpu.vector_store %arg7[%swap3A], %swap3A_46 {strides = array<i32>} : memref<49152xf32, #tpu.memory_space<vmem>>, vector<16xf32>,
        %add3A_47 = arith.addf %broadcast_in_dim3A_33, %add3A_43 : vector<16xf32>
        %mul3A_48 = arith.mulf %add3A_43, %add3A_43 : vector<16xf32>
        %add3A_49 = arith.addf %broadcast_in_dim3A_35, %mul3A_48 : vector<16xf32>
        %add3A_50 = arith.constant 16 : i32
        %add3A_51 = arith.addi %mul3A_32, %add3A_50 : i32
        %get3A_52 = arith.index_cast %add3A_51 : i32 to index
        %get3A_53 = tpu.vector_load %arg7[%get3A_52] {strides = array<i32>} : memref<49152xf32, #tpu.memory_space<vmem>>, vector<16xf32>,
        %get3A_54 = vector.shape_cast %get3A_53 : vector<16xf32> to vector<16xf32>
        %get3A_55 = arith.index_cast %add3A_51 : i32 to index
        %get3A_56 = tpu.vector_load %arg8[%get3A_55] {strides = array<i32>} : memref<49152xf32, #tpu.memory_space<vmem>>, vector<16xf32>,
        %get3A_57 = vector.shape_cast %get3A_56 : vector<16xf32> to vector<16xf32>
        %add3A_58 = arith.addf %get3A_54, %get3A_57 : vector<16xf32>
        %swap3A_59 = arith.index_cast %add3A_51 : i32 to index
        %swap3A_60 = tpu.vector_load %arg7[%swap3A_59] {strides = array<i32>} : memref<49152xf32, #tpu.memory_space<vmem>>, vector<16xf32>,
        %swap3A_61 = vector.shape_cast %swap3A_60 : vector<16xf32> to vector<16xf32>
        %swap3A_62 = vector.shape_cast %add3A_58 : vector<16xf32> to vector<16xf32>
        tpu.vector_store %arg7[%swap3A_59], %swap3A_62 {strides = array<i32>} : memref<49152xf32, #tpu.memory_space<vmem>>, vector<16xf32>,
        %add3A_63 = arith.addf %add3A_47, %add3A_58 : vector<16xf32>
        %mul3A_64 = arith.mulf %add3A_58, %add3A_58 : vector<16xf32>
        %add3A_65 = arith.addf %add3A_49, %mul3A_64 : vector<16xf32>
        %add3A_66 = arith.constant 32 : i32
        %add3A_67 = arith.addi %mul3A_32, %add3A_66 : i32
        %get3A_68 = arith.index_cast %add3A_67 : i32 to index
        %get3A_69 = tpu.vector_load %arg7[%get3A_68] {strides = array<i32>} : memref<49152xf32, #tpu.memory_space<vmem>>, vector<16xf32>,
        %get3A_70 = vector.shape_cast %get3A_69 : vector<16xf32> to vector<16xf32>
        %get3A_71 = arith.index_cast %add3A_67 : i32 to index
        %get3A_72 = tpu.vector_load %arg8[%get3A_71] {strides = array<i32>} : memref<49152xf32, #tpu.memory_space<vmem>>, vector<16xf32>,
        %get3A_73 = vector.shape_cast %get3A_72 : vector<16xf32> to vector<16xf32>
        %add3A_74 = arith.addf %get3A_70, %get3A_73 : vector<16xf32>
        %swap3A_75 = arith.index_cast %add3A_67 : i32 to index
        %swap3A_76 = tpu.vector_load %arg7[%swap3A_75] {strides = array<i32>} : memref<49152xf32, #tpu.memory_space<vmem>>, vector<16xf32>,
        %swap3A_77 = vector.shape_cast %swap3A_76 : vector<16xf32> to vector<16xf32>
        %swap3A_78 = vector.shape_cast %add3A_74 : vector<16xf32> to vector<16xf32>
        tpu.vector_store %arg7[%swap3A_75], %swap3A_78 {strides = array<i32>} : memref<49152xf32, #tpu.memory_space<vmem>>, vector<16xf32>,
        %add3A_79 = arith.addf %add3A_63, %add3A_74 : vector<16xf32>
        %mul3A_80 = arith.mulf %add3A_74, %add3A_74 : vector<16xf32>
        %add3A_81 = arith.addf %add3A_65, %mul3A_80 : vector<16xf32>
        %add3A_82 = arith.constant 48 : i32
        %add3A_83 = arith.addi %mul3A_32, %add3A_82 : i32
        %get3A_84 = arith.index_cast %add3A_83 : i32 to index
        %get3A_85 = tpu.vector_load %arg7[%get3A_84] {strides = array<i32>} : memref<49152xf32, #tpu.memory_space<vmem>>, vector<16xf32>,
        %get3A_86 = vector.shape_cast %get3A_85 : vector<16xf32> to vector<16xf32>
        %get3A_87 = arith.index_cast %add3A_83 : i32 to index
        %get3A_88 = tpu.vector_load %arg8[%get3A_87] {strides = array<i32>} : memref<49152xf32, #tpu.memory_space<vmem>>, vector<16xf32>,
        %get3A_89 = vector.shape_cast %get3A_88 : vector<16xf32> to vector<16xf32>
        %add3A_90 = arith.addf %get3A_86, %get3A_89 : vector<16xf32>
        %swap3A_91 = arith.index_cast %add3A_83 : i32 to index
        %swap3A_92 = tpu.vector_load %arg7[%swap3A_91] {strides = array<i32>} : memref<49152xf32, #tpu.memory_space<vmem>>, vector<16xf32>,
        %swap3A_93 = vector.shape_cast %swap3A_92 : vector<16xf32> to vector<16xf32>
        %swap3A_94 = vector.shape_cast %add3A_90 : vector<16xf32> to vector<16xf32>
        tpu.vector_store %arg7[%swap3A_91], %swap3A_94 {strides = array<i32>} : memref<49152xf32, #tpu.memory_space<vmem>>, vector<16xf32>,
        %add3A_95 = arith.addf %add3A_79, %add3A_90 : vector<16xf32>
        %mul3A_96 = arith.mulf %add3A_90, %add3A_90 : vector<16xf32>
        %add3A_97 = arith.addf %add3A_81, %mul3A_96 : vector<16xf32>
        %add3A_98 = arith.constant 64 : i32
        %add3A_99 = arith.addi %mul3A_32, %add3A_98 : i32
        %get3A_100 = arith.index_cast %add3A_99 : i32 to index
        %get3A_101 = tpu.vector_load %arg7[%get3A_100] {strides = array<i32>} : memref<49152xf32, #tpu.memory_space<vmem>>, vector<16xf32>,
        %get3A_102 = vector.shape_cast %get3A_101 : vector<16xf32> to vector<16xf32>
        %get3A_103 = arith.index_cast %add3A_99 : i32 to index
        %get3A_104 = tpu.vector_load %arg8[%get3A_103] {strides = array<i32>} : memref<49152xf32, #tpu.memory_space<vmem>>, vector<16xf32>,
        %get3A_105 = vector.shape_cast %get3A_104 : vector<16xf32> to vector<16xf32>
        %add3A_106 = arith.addf %get3A_102, %get3A_105 : vector<16xf32>
        %swap3A_107 = arith.index_cast %add3A_99 : i32 to index
        %swap3A_108 = tpu.vector_load %arg7[%swap3A_107] {strides = array<i32>} : memref<49152xf32, #tpu.memory_space<vmem>>, vector<16xf32>,
        %swap3A_109 = vector.shape_cast %swap3A_108 : vector<16xf32> to vector<16xf32>
        %swap3A_110 = vector.shape_cast %add3A_106 : vector<16xf32> to vector<16xf32>
        tpu.vector_store %arg7[%swap3A_107], %swap3A_110 {strides = array<i32>} : memref<49152xf32, #tpu.memory_space<vmem>>, vector<16xf32>,
        %add3A_111 = arith.addf %add3A_95, %add3A_106 : vector<16xf32>
        %mul3A_112 = arith.mulf %add3A_106, %add3A_106 : vector<16xf32>
        %add3A_113 = arith.addf %add3A_97, %mul3A_112 : vector<16xf32>
        %add3A_114 = arith.constant 80 : i32
        %add3A_115 = arith.addi %mul3A_32, %add3A_114 : i32
        %get3A_116 = arith.index_cast %add3A_115 : i32 to index
        %get3A_117 = tpu.vector_load %arg7[%get3A_116] {strides = array<i32>} : memref<49152xf32, #tpu.memory_space<vmem>>, vector<16xf32>,
        %get3A_118 = vector.shape_cast %get3A_117 : vector<16xf32> to vector<16xf32>
        %get3A_119 = arith.index_cast %add3A_115 : i32 to index
        %get3A_120 = tpu.vector_load %arg8[%get3A_119] {strides = array<i32>} : memref<49152xf32, #tpu.memory_space<vmem>>, vector<16xf32>,
        %get3A_121 = vector.shape_cast %get3A_120 : vector<16xf32> to vector<16xf32>
        %add3A_122 = arith.addf %get3A_118, %get3A_121 : vector<16xf32>
        %swap3A_123 = arith.index_cast %add3A_115 : i32 to index
        %swap3A_124 = tpu.vector_load %arg7[%swap3A_123] {strides = array<i32>} : memref<49152xf32, #tpu.memory_space<vmem>>, vector<16xf32>,
        %swap3A_125 = vector.shape_cast %swap3A_124 : vector<16xf32> to vector<16xf32>
        %swap3A_126 = vector.shape_cast %add3A_122 : vector<16xf32> to vector<16xf32>
        tpu.vector_store %arg7[%swap3A_123], %swap3A_126 {strides = array<i32>} : memref<49152xf32, #tpu.memory_space<vmem>>, vector<16xf32>,
        %add3A_127 = arith.addf %add3A_111, %add3A_122 : vector<16xf32>
        %mul3A_128 = arith.mulf %add3A_122, %add3A_122 : vector<16xf32>
        %add3A_129 = arith.addf %add3A_113, %mul3A_128 : vector<16xf32>
        %add3A_130 = arith.constant 96 : i32
        %add3A_131 = arith.addi %mul3A_32, %add3A_130 : i32
        %get3A_132 = arith.index_cast %add3A_131 : i32 to index
        %get3A_133 = tpu.vector_load %arg7[%get3A_132] {strides = array<i32>} : memref<49152xf32, #tpu.memory_space<vmem>>, vector<16xf32>,
        %get3A_134 = vector.shape_cast %get3A_133 : vector<16xf32> to vector<16xf32>
        %get3A_135 = arith.index_cast %add3A_131 : i32 to index
        %get3A_136 = tpu.vector_load %arg8[%get3A_135] {strides = array<i32>} : memref<49152xf32, #tpu.memory_space<vmem>>, vector<16xf32>,
        %get3A_137 = vector.shape_cast %get3A_136 : vector<16xf32> to vector<16xf32>
        %add3A_138 = arith.addf %get3A_134, %get3A_137 : vector<16xf32>
        %swap3A_139 = arith.index_cast %add3A_131 : i32 to index
        %swap3A_140 = tpu.vector_load %arg7[%swap3A_139] {strides = array<i32>} : memref<49152xf32, #tpu.memory_space<vmem>>, vector<16xf32>,
        %swap3A_141 = vector.shape_cast %swap3A_140 : vector<16xf32> to vector<16xf32>
        %swap3A_142 = vector.shape_cast %add3A_138 : vector<16xf32> to vector<16xf32>
        tpu.vector_store %arg7[%swap3A_139], %swap3A_142 {strides = array<i32>} : memref<49152xf32, #tpu.memory_space<vmem>>, vector<16xf32>,
        %add3A_143 = arith.addf %add3A_127, %add3A_138 : vector<16xf32>
        %mul3A_144 = arith.mulf %add3A_138, %add3A_138 : vector<16xf32>
        %add3A_145 = arith.addf %add3A_129, %mul3A_144 : vector<16xf32>
        %add3A_146 = arith.constant 112 : i32
        %add3A_147 = arith.addi %mul3A_32, %add3A_146 : i32
        %get3A_148 = arith.index_cast %add3A_147 : i32 to index
        %get3A_149 = tpu.vector_load %arg7[%get3A_148] {strides = array<i32>} : memref<49152xf32, #tpu.memory_space<vmem>>, vector<16xf32>,
        %get3A_150 = vector.shape_cast %get3A_149 : vector<16xf32> to vector<16xf32>
        %get3A_151 = arith.index_cast %add3A_147 : i32 to index
        %get3A_152 = tpu.vector_load %arg8[%get3A_151] {strides = array<i32>} : memref<49152xf32, #tpu.memory_space<vmem>>, vector<16xf32>,
        %get3A_153 = vector.shape_cast %get3A_152 : vector<16xf32> to vector<16xf32>
        %add3A_154 = arith.addf %get3A_150, %get3A_153 : vector<16xf32>
        %swap3A_155 = arith.index_cast %add3A_147 : i32 to index
        %swap3A_156 = tpu.vector_load %arg7[%swap3A_155] {strides = array<i32>} : memref<49152xf32, #tpu.memory_space<vmem>>, vector<16xf32>,
        %swap3A_157 = vector.shape_cast %swap3A_156 : vector<16xf32> to vector<16xf32>
        %swap3A_158 = vector.shape_cast %add3A_154 : vector<16xf32> to vector<16xf32>
        tpu.vector_store %arg7[%swap3A_155], %swap3A_158 {strides = array<i32>} : memref<49152xf32, #tpu.memory_space<vmem>>, vector<16xf32>,
        %add3A_159 = arith.addf %add3A_143, %add3A_154 : vector<16xf32>
        %mul3A_160 = arith.mulf %add3A_154, %add3A_154 : vector<16xf32>
        %add3A_161 = arith.addf %add3A_145, %mul3A_160 : vector<16xf32>
        %add3A_162 = arith.constant 128 : i32
        %add3A_163 = arith.addi %mul3A_32, %add3A_162 : i32
        %get3A_164 = arith.index_cast %add3A_163 : i32 to index
        %get3A_165 = tpu.vector_load %arg7[%get3A_164] {strides = array<i32>} : memref<49152xf32, #tpu.memory_space<vmem>>, vector<16xf32>,
        %get3A_166 = vector.shape_cast %get3A_165 : vector<16xf32> to vector<16xf32>
        %get3A_167 = arith.index_cast %add3A_163 : i32 to index
        %get3A_168 = tpu.vector_load %arg8[%get3A_167] {strides = array<i32>} : memref<49152xf32, #tpu.memory_space<vmem>>, vector<16xf32>,
        %get3A_169 = vector.shape_cast %get3A_168 : vector<16xf32> to vector<16xf32>
        %add3A_170 = arith.addf %get3A_166, %get3A_169 : vector<16xf32>
        %swap3A_171 = arith.index_cast %add3A_163 : i32 to index
        %swap3A_172 = tpu.vector_load %arg7[%swap3A_171] {strides = array<i32>} : memref<49152xf32, #tpu.memory_space<vmem>>, vector<16xf32>,
        %swap3A_173 = vector.shape_cast %swap3A_172 : vector<16xf32> to vector<16xf32>
        %swap3A_174 = vector.shape_cast %add3A_170 : vector<16xf32> to vector<16xf32>
        tpu.vector_store %arg7[%swap3A_171], %swap3A_174 {strides = array<i32>} : memref<49152xf32, #tpu.memory_space<vmem>>, vector<16xf32>,
        %add3A_175 = arith.addf %add3A_159, %add3A_170 : vector<16xf32>
        %mul3A_176 = arith.mulf %add3A_170, %add3A_170 : vector<16xf32>
        %add3A_177 = arith.addf %add3A_161, %mul3A_176 : vector<16xf32>
        %add3A_178 = arith.constant 144 : i32
        %add3A_179 = arith.addi %mul3A_32, %add3A_178 : i32
        %get3A_180 = arith.index_cast %add3A_179 : i32 to index
        %get3A_181 = tpu.vector_load %arg7[%get3A_180] {strides = array<i32>} : memref<49152xf32, #tpu.memory_space<vmem>>, vector<16xf32>,
        %get3A_182 = vector.shape_cast %get3A_181 : vector<16xf32> to vector<16xf32>
        %get3A_183 = arith.index_cast %add3A_179 : i32 to index
        %get3A_184 = tpu.vector_load %arg8[%get3A_183] {strides = array<i32>} : memref<49152xf32, #tpu.memory_space<vmem>>, vector<16xf32>,
        %get3A_185 = vector.shape_cast %get3A_184 : vector<16xf32> to vector<16xf32>
        %add3A_186 = arith.addf %get3A_182, %get3A_185 : vector<16xf32>
        %swap3A_187 = arith.index_cast %add3A_179 : i32 to index
        %swap3A_188 = tpu.vector_load %arg7[%swap3A_187] {strides = array<i32>} : memref<49152xf32, #tpu.memory_space<vmem>>, vector<16xf32>,
        %swap3A_189 = vector.shape_cast %swap3A_188 : vector<16xf32> to vector<16xf32>
        %swap3A_190 = vector.shape_cast %add3A_186 : vector<16xf32> to vector<16xf32>
        tpu.vector_store %arg7[%swap3A_187], %swap3A_190 {strides = array<i32>} : memref<49152xf32, #tpu.memory_space<vmem>>, vector<16xf32>,
        %add3A_191 = arith.addf %add3A_175, %add3A_186 : vector<16xf32>
        %mul3A_192 = arith.mulf %add3A_186, %add3A_186 : vector<16xf32>
        %add3A_193 = arith.addf %add3A_177, %mul3A_192 : vector<16xf32>
        %add3A_194 = arith.constant 160 : i32
        %add3A_195 = arith.addi %mul3A_32, %add3A_194 : i32
        %get3A_196 = arith.index_cast %add3A_195 : i32 to index
        %get3A_197 = tpu.vector_load %arg7[%get3A_196] {strides = array<i32>} : memref<49152xf32, #tpu.memory_space<vmem>>, vector<16xf32>,
        %get3A_198 = vector.shape_cast %get3A_197 : vector<16xf32> to vector<16xf32>
        %get3A_199 = arith.index_cast %add3A_195 : i32 to index
        %get3A_200 = tpu.vector_load %arg8[%get3A_199] {strides = array<i32>} : memref<49152xf32, #tpu.memory_space<vmem>>, vector<16xf32>,
        %get3A_201 = vector.shape_cast %get3A_200 : vector<16xf32> to vector<16xf32>
        %add3A_202 = arith.addf %get3A_198, %get3A_201 : vector<16xf32>
        %swap3A_203 = arith.index_cast %add3A_195 : i32 to index
        %swap3A_204 = tpu.vector_load %arg7[%swap3A_203] {strides = array<i32>} : memref<49152xf32, #tpu.memory_space<vmem>>, vector<16xf32>,
        %swap3A_205 = vector.shape_cast %swap3A_204 : vector<16xf32> to vector<16xf32>
        %swap3A_206 = vector.shape_cast %add3A_202 : vector<16xf32> to vector<16xf32>
        tpu.vector_store %arg7[%swap3A_203], %swap3A_206 {strides = array<i32>} : memref<49152xf32, #tpu.memory_space<vmem>>, vector<16xf32>,
        %add3A_207 = arith.addf %add3A_191, %add3A_202 : vector<16xf32>
        %mul3A_208 = arith.mulf %add3A_202, %add3A_202 : vector<16xf32>
        %add3A_209 = arith.addf %add3A_193, %mul3A_208 : vector<16xf32>
        %add3A_210 = arith.constant 176 : i32
        %add3A_211 = arith.addi %mul3A_32, %add3A_210 : i32
        %get3A_212 = arith.index_cast %add3A_211 : i32 to index
        %get3A_213 = tpu.vector_load %arg7[%get3A_212] {strides = array<i32>} : memref<49152xf32, #tpu.memory_space<vmem>>, vector<16xf32>,
        %get3A_214 = vector.shape_cast %get3A_213 : vector<16xf32> to vector<16xf32>
        %get3A_215 = arith.index_cast %add3A_211 : i32 to index
        %get3A_216 = tpu.vector_load %arg8[%get3A_215] {strides = array<i32>} : memref<49152xf32, #tpu.memory_space<vmem>>, vector<16xf32>,
        %get3A_217 = vector.shape_cast %get3A_216 : vector<16xf32> to vector<16xf32>
        %add3A_218 = arith.addf %get3A_214, %get3A_217 : vector<16xf32>
        %swap3A_219 = arith.index_cast %add3A_211 : i32 to index
        %swap3A_220 = tpu.vector_load %arg7[%swap3A_219] {strides = array<i32>} : memref<49152xf32, #tpu.memory_space<vmem>>, vector<16xf32>,
        %swap3A_221 = vector.shape_cast %swap3A_220 : vector<16xf32> to vector<16xf32>
        %swap3A_222 = vector.shape_cast %add3A_218 : vector<16xf32> to vector<16xf32>
        tpu.vector_store %arg7[%swap3A_219], %swap3A_222 {strides = array<i32>} : memref<49152xf32, #tpu.memory_space<vmem>>, vector<16xf32>,
        %add3A_223 = arith.addf %add3A_207, %add3A_218 : vector<16xf32>
        %mul3A_224 = arith.mulf %add3A_218, %add3A_218 : vector<16xf32>
        %add3A_225 = arith.addf %add3A_209, %mul3A_224 : vector<16xf32>
        %add3A_226 = arith.constant 192 : i32
        %add3A_227 = arith.addi %mul3A_32, %add3A_226 : i32
        %get3A_228 = arith.index_cast %add3A_227 : i32 to index
        %get3A_229 = tpu.vector_load %arg7[%get3A_228] {strides = array<i32>} : memref<49152xf32, #tpu.memory_space<vmem>>, vector<16xf32>,
        %get3A_230 = vector.shape_cast %get3A_229 : vector<16xf32> to vector<16xf32>
        %get3A_231 = arith.index_cast %add3A_227 : i32 to index
        %get3A_232 = tpu.vector_load %arg8[%get3A_231] {strides = array<i32>} : memref<49152xf32, #tpu.memory_space<vmem>>, vector<16xf32>,
        %get3A_233 = vector.shape_cast %get3A_232 : vector<16xf32> to vector<16xf32>
        %add3A_234 = arith.addf %get3A_230, %get3A_233 : vector<16xf32>
        %swap3A_235 = arith.index_cast %add3A_227 : i32 to index
        %swap3A_236 = tpu.vector_load %arg7[%swap3A_235] {strides = array<i32>} : memref<49152xf32, #tpu.memory_space<vmem>>, vector<16xf32>,
        %swap3A_237 = vector.shape_cast %swap3A_236 : vector<16xf32> to vector<16xf32>
        %swap3A_238 = vector.shape_cast %add3A_234 : vector<16xf32> to vector<16xf32>
        tpu.vector_store %arg7[%swap3A_235], %swap3A_238 {strides = array<i32>} : memref<49152xf32, #tpu.memory_space<vmem>>, vector<16xf32>,
        %add3A_239 = arith.addf %add3A_223, %add3A_234 : vector<16xf32>
        %mul3A_240 = arith.mulf %add3A_234, %add3A_234 : vector<16xf32>
        %add3A_241 = arith.addf %add3A_225, %mul3A_240 : vector<16xf32>
        %add3A_242 = arith.constant 208 : i32
        %add3A_243 = arith.addi %mul3A_32, %add3A_242 : i32
        %get3A_244 = arith.index_cast %add3A_243 : i32 to index
        %get3A_245 = tpu.vector_load %arg7[%get3A_244] {strides = array<i32>} : memref<49152xf32, #tpu.memory_space<vmem>>, vector<16xf32>,
        %get3A_246 = vector.shape_cast %get3A_245 : vector<16xf32> to vector<16xf32>
        %get3A_247 = arith.index_cast %add3A_243 : i32 to index
        %get3A_248 = tpu.vector_load %arg8[%get3A_247] {strides = array<i32>} : memref<49152xf32, #tpu.memory_space<vmem>>, vector<16xf32>,
        %get3A_249 = vector.shape_cast %get3A_248 : vector<16xf32> to vector<16xf32>
        %add3A_250 = arith.addf %get3A_246, %get3A_249 : vector<16xf32>
        %swap3A_251 = arith.index_cast %add3A_243 : i32 to index
        %swap3A_252 = tpu.vector_load %arg7[%swap3A_251] {strides = array<i32>} : memref<49152xf32, #tpu.memory_space<vmem>>, vector<16xf32>,
        %swap3A_253 = vector.shape_cast %swap3A_252 : vector<16xf32> to vector<16xf32>
        %swap3A_254 = vector.shape_cast %add3A_250 : vector<16xf32> to vector<16xf32>
        tpu.vector_store %arg7[%swap3A_251], %swap3A_254 {strides = array<i32>} : memref<49152xf32, #tpu.memory_space<vmem>>, vector<16xf32>,
        %add3A_255 = arith.addf %add3A_239, %add3A_250 : vector<16xf32>
        %mul3A_256 = arith.mulf %add3A_250, %add3A_250 : vector<16xf32>
        %add3A_257 = arith.addf %add3A_241, %mul3A_256 : vector<16xf32>
        %add3A_258 = arith.constant 224 : i32
        %add3A_259 = arith.addi %mul3A_32, %add3A_258 : i32
        %get3A_260 = arith.index_cast %add3A_259 : i32 to index
        %get3A_261 = tpu.vector_load %arg7[%get3A_260] {strides = array<i32>} : memref<49152xf32, #tpu.memory_space<vmem>>, vector<16xf32>,
        %get3A_262 = vector.shape_cast %get3A_261 : vector<16xf32> to vector<16xf32>
        %get3A_263 = arith.index_cast %add3A_259 : i32 to index
        %get3A_264 = tpu.vector_load %arg8[%get3A_263] {strides = array<i32>} : memref<49152xf32, #tpu.memory_space<vmem>>, vector<16xf32>,
        %get3A_265 = vector.shape_cast %get3A_264 : vector<16xf32> to vector<16xf32>
        %add3A_266 = arith.addf %get3A_262, %get3A_265 : vector<16xf32>
        %swap3A_267 = arith.index_cast %add3A_259 : i32 to index
        %swap3A_268 = tpu.vector_load %arg7[%swap3A_267] {strides = array<i32>} : memref<49152xf32, #tpu.memory_space<vmem>>, vector<16xf32>,
        %swap3A_269 = vector.shape_cast %swap3A_268 : vector<16xf32> to vector<16xf32>
        %swap3A_270 = vector.shape_cast %add3A_266 : vector<16xf32> to vector<16xf32>
        tpu.vector_store %arg7[%swap3A_267], %swap3A_270 {strides = array<i32>} : memref<49152xf32, #tpu.memory_space<vmem>>, vector<16xf32>,
        %add3A_271 = arith.addf %add3A_255, %add3A_266 : vector<16xf32>
        %mul3A_272 = arith.mulf %add3A_266, %add3A_266 : vector<16xf32>
        %add3A_273 = arith.addf %add3A_257, %mul3A_272 : vector<16xf32>
        %add3A_274 = arith.constant 240 : i32
        %add3A_275 = arith.addi %mul3A_32, %add3A_274 : i32
        %get3A_276 = arith.index_cast %add3A_275 : i32 to index
        %get3A_277 = tpu.vector_load %arg7[%get3A_276] {strides = array<i32>} : memref<49152xf32, #tpu.memory_space<vmem>>, vector<16xf32>,
        %get3A_278 = vector.shape_cast %get3A_277 : vector<16xf32> to vector<16xf32>
        %get3A_279 = arith.index_cast %add3A_275 : i32 to index
        %get3A_280 = tpu.vector_load %arg8[%get3A_279] {strides = array<i32>} : memref<49152xf32, #tpu.memory_space<vmem>>, vector<16xf32>,
        %get3A_281 = vector.shape_cast %get3A_280 : vector<16xf32> to vector<16xf32>
        %add3A_282 = arith.addf %get3A_278, %get3A_281 : vector<16xf32>
        %swap3A_283 = arith.index_cast %add3A_275 : i32 to index
        %swap3A_284 = tpu.vector_load %arg7[%swap3A_283] {strides = array<i32>} : memref<49152xf32, #tpu.memory_space<vmem>>, vector<16xf32>,
        %swap3A_285 = vector.shape_cast %swap3A_284 : vector<16xf32> to vector<16xf32>
        %swap3A_286 = vector.shape_cast %add3A_282 : vector<16xf32> to vector<16xf32>
        tpu.vector_store %arg7[%swap3A_283], %swap3A_286 {strides = array<i32>} : memref<49152xf32, #tpu.memory_space<vmem>>, vector<16xf32>,
        %add3A_287 = arith.addf %add3A_271, %add3A_282 : vector<16xf32>
        %mul3A_288 = arith.mulf %add3A_282, %add3A_282 : vector<16xf32>
        %add3A_289 = arith.addf %add3A_273, %mul3A_288 : vector<16xf32>
        %add3A_290 = arith.constant 256 : i32
        %add3A_291 = arith.addi %mul3A_32, %add3A_290 : i32
        %get3A_292 = arith.index_cast %add3A_291 : i32 to index
        %get3A_293 = tpu.vector_load %arg7[%get3A_292] {strides = array<i32>} : memref<49152xf32, #tpu.memory_space<vmem>>, vector<16xf32>,
        %get3A_294 = vector.shape_cast %get3A_293 : vector<16xf32> to vector<16xf32>
        %get3A_295 = arith.index_cast %add3A_291 : i32 to index
        %get3A_296 = tpu.vector_load %arg8[%get3A_295] {strides = array<i32>} : memref<49152xf32, #tpu.memory_space<vmem>>, vector<16xf32>,
        %get3A_297 = vector.shape_cast %get3A_296 : vector<16xf32> to vector<16xf32>
        %add3A_298 = arith.addf %get3A_294, %get3A_297 : vector<16xf32>
        %swap3A_299 = arith.index_cast %add3A_291 : i32 to index
        %swap3A_300 = tpu.vector_load %arg7[%swap3A_299] {strides = array<i32>} : memref<49152xf32, #tpu.memory_space<vmem>>, vector<16xf32>,
        %swap3A_301 = vector.shape_cast %swap3A_300 : vector<16xf32> to vector<16xf32>
        %swap3A_302 = vector.shape_cast %add3A_298 : vector<16xf32> to vector<16xf32>
        tpu.vector_store %arg7[%swap3A_299], %swap3A_302 {strides = array<i32>} : memref<49152xf32, #tpu.memory_space<vmem>>, vector<16xf32>,
        %add3A_303 = arith.addf %add3A_287, %add3A_298 : vector<16xf32>
        %mul3A_304 = arith.mulf %add3A_298, %add3A_298 : vector<16xf32>
        %add3A_305 = arith.addf %add3A_289, %mul3A_304 : vector<16xf32>
        %add3A_306 = arith.constant 272 : i32
        %add3A_307 = arith.addi %mul3A_32, %add3A_306 : i32
        %get3A_308 = arith.index_cast %add3A_307 : i32 to index
        %get3A_309 = tpu.vector_load %arg7[%get3A_308] {strides = array<i32>} : memref<49152xf32, #tpu.memory_space<vmem>>, vector<16xf32>,
        %get3A_310 = vector.shape_cast %get3A_309 : vector<16xf32> to vector<16xf32>
        %get3A_311 = arith.index_cast %add3A_307 : i32 to index
        %get3A_312 = tpu.vector_load %arg8[%get3A_311] {strides = array<i32>} : memref<49152xf32, #tpu.memory_space<vmem>>, vector<16xf32>,
        %get3A_313 = vector.shape_cast %get3A_312 : vector<16xf32> to vector<16xf32>
        %add3A_314 = arith.addf %get3A_310, %get3A_313 : vector<16xf32>
        %swap3A_315 = arith.index_cast %add3A_307 : i32 to index
        %swap3A_316 = tpu.vector_load %arg7[%swap3A_315] {strides = array<i32>} : memref<49152xf32, #tpu.memory_space<vmem>>, vector<16xf32>,
        %swap3A_317 = vector.shape_cast %swap3A_316 : vector<16xf32> to vector<16xf32>
        %swap3A_318 = vector.shape_cast %add3A_314 : vector<16xf32> to vector<16xf32>
        tpu.vector_store %arg7[%swap3A_315], %swap3A_318 {strides = array<i32>} : memref<49152xf32, #tpu.memory_space<vmem>>, vector<16xf32>,
        %add3A_319 = arith.addf %add3A_303, %add3A_314 : vector<16xf32>
        %mul3A_320 = arith.mulf %add3A_314, %add3A_314 : vector<16xf32>
        %add3A_321 = arith.addf %add3A_305, %mul3A_320 : vector<16xf32>
        %add3A_322 = arith.constant 288 : i32
        %add3A_323 = arith.addi %mul3A_32, %add3A_322 : i32
        %get3A_324 = arith.index_cast %add3A_323 : i32 to index
        %get3A_325 = tpu.vector_load %arg7[%get3A_324] {strides = array<i32>} : memref<49152xf32, #tpu.memory_space<vmem>>, vector<16xf32>,
        %get3A_326 = vector.shape_cast %get3A_325 : vector<16xf32> to vector<16xf32>
        %get3A_327 = arith.index_cast %add3A_323 : i32 to index
        %get3A_328 = tpu.vector_load %arg8[%get3A_327] {strides = array<i32>} : memref<49152xf32, #tpu.memory_space<vmem>>, vector<16xf32>,
        %get3A_329 = vector.shape_cast %get3A_328 : vector<16xf32> to vector<16xf32>
        %add3A_330 = arith.addf %get3A_326, %get3A_329 : vector<16xf32>
        %swap3A_331 = arith.index_cast %add3A_323 : i32 to index
        %swap3A_332 = tpu.vector_load %arg7[%swap3A_331] {strides = array<i32>} : memref<49152xf32, #tpu.memory_space<vmem>>, vector<16xf32>,
        %swap3A_333 = vector.shape_cast %swap3A_332 : vector<16xf32> to vector<16xf32>
        %swap3A_334 = vector.shape_cast %add3A_330 : vector<16xf32> to vector<16xf32>
        tpu.vector_store %arg7[%swap3A_331], %swap3A_334 {strides = array<i32>} : memref<49152xf32, #tpu.memory_space<vmem>>, vector<16xf32>,
        %add3A_335 = arith.addf %add3A_319, %add3A_330 : vector<16xf32>
        %mul3A_336 = arith.mulf %add3A_330, %add3A_330 : vector<16xf32>
        %add3A_337 = arith.addf %add3A_321, %mul3A_336 : vector<16xf32>
        %add3A_338 = arith.constant 304 : i32
        %add3A_339 = arith.addi %mul3A_32, %add3A_338 : i32
        %get3A_340 = arith.index_cast %add3A_339 : i32 to index
        %get3A_341 = tpu.vector_load %arg7[%get3A_340] {strides = array<i32>} : memref<49152xf32, #tpu.memory_space<vmem>>, vector<16xf32>,
        %get3A_342 = vector.shape_cast %get3A_341 : vector<16xf32> to vector<16xf32>
        %get3A_343 = arith.index_cast %add3A_339 : i32 to index
        %get3A_344 = tpu.vector_load %arg8[%get3A_343] {strides = array<i32>} : memref<49152xf32, #tpu.memory_space<vmem>>, vector<16xf32>,
        %get3A_345 = vector.shape_cast %get3A_344 : vector<16xf32> to vector<16xf32>
        %add3A_346 = arith.addf %get3A_342, %get3A_345 : vector<16xf32>
        %swap3A_347 = arith.index_cast %add3A_339 : i32 to index
        %swap3A_348 = tpu.vector_load %arg7[%swap3A_347] {strides = array<i32>} : memref<49152xf32, #tpu.memory_space<vmem>>, vector<16xf32>,
        %swap3A_349 = vector.shape_cast %swap3A_348 : vector<16xf32> to vector<16xf32>
        %swap3A_350 = vector.shape_cast %add3A_346 : vector<16xf32> to vector<16xf32>
        tpu.vector_store %arg7[%swap3A_347], %swap3A_350 {strides = array<i32>} : memref<49152xf32, #tpu.memory_space<vmem>>, vector<16xf32>,
        %add3A_351 = arith.addf %add3A_335, %add3A_346 : vector<16xf32>
        %mul3A_352 = arith.mulf %add3A_346, %add3A_346 : vector<16xf32>
        %add3A_353 = arith.addf %add3A_337, %mul3A_352 : vector<16xf32>
        %add3A_354 = arith.constant 320 : i32
        %add3A_355 = arith.addi %mul3A_32, %add3A_354 : i32
        %get3A_356 = arith.index_cast %add3A_355 : i32 to index
        %get3A_357 = tpu.vector_load %arg7[%get3A_356] {strides = array<i32>} : memref<49152xf32, #tpu.memory_space<vmem>>, vector<16xf32>,
        %get3A_358 = vector.shape_cast %get3A_357 : vector<16xf32> to vector<16xf32>
        %get3A_359 = arith.index_cast %add3A_355 : i32 to index
        %get3A_360 = tpu.vector_load %arg8[%get3A_359] {strides = array<i32>} : memref<49152xf32, #tpu.memory_space<vmem>>, vector<16xf32>,
        %get3A_361 = vector.shape_cast %get3A_360 : vector<16xf32> to vector<16xf32>
        %add3A_362 = arith.addf %get3A_358, %get3A_361 : vector<16xf32>
        %swap3A_363 = arith.index_cast %add3A_355 : i32 to index
        %swap3A_364 = tpu.vector_load %arg7[%swap3A_363] {strides = array<i32>} : memref<49152xf32, #tpu.memory_space<vmem>>, vector<16xf32>,
        %swap3A_365 = vector.shape_cast %swap3A_364 : vector<16xf32> to vector<16xf32>
        %swap3A_366 = vector.shape_cast %add3A_362 : vector<16xf32> to vector<16xf32>
        tpu.vector_store %arg7[%swap3A_363], %swap3A_366 {strides = array<i32>} : memref<49152xf32, #tpu.memory_space<vmem>>, vector<16xf32>,
        %add3A_367 = arith.addf %add3A_351, %add3A_362 : vector<16xf32>
        %mul3A_368 = arith.mulf %add3A_362, %add3A_362 : vector<16xf32>
        %add3A_369 = arith.addf %add3A_353, %mul3A_368 : vector<16xf32>
        %add3A_370 = arith.constant 336 : i32
        %add3A_371 = arith.addi %mul3A_32, %add3A_370 : i32
        %get3A_372 = arith.index_cast %add3A_371 : i32 to index
        %get3A_373 = tpu.vector_load %arg7[%get3A_372] {strides = array<i32>} : memref<49152xf32, #tpu.memory_space<vmem>>, vector<16xf32>,
        %get3A_374 = vector.shape_cast %get3A_373 : vector<16xf32> to vector<16xf32>
        %get3A_375 = arith.index_cast %add3A_371 : i32 to index
        %get3A_376 = tpu.vector_load %arg8[%get3A_375] {strides = array<i32>} : memref<49152xf32, #tpu.memory_space<vmem>>, vector<16xf32>,
        %get3A_377 = vector.shape_cast %get3A_376 : vector<16xf32> to vector<16xf32>
        %add3A_378 = arith.addf %get3A_374, %get3A_377 : vector<16xf32>
        %swap3A_379 = arith.index_cast %add3A_371 : i32 to index
        %swap3A_380 = tpu.vector_load %arg7[%swap3A_379] {strides = array<i32>} : memref<49152xf32, #tpu.memory_space<vmem>>, vector<16xf32>,
        %swap3A_381 = vector.shape_cast %swap3A_380 : vector<16xf32> to vector<16xf32>
        %swap3A_382 = vector.shape_cast %add3A_378 : vector<16xf32> to vector<16xf32>
        tpu.vector_store %arg7[%swap3A_379], %swap3A_382 {strides = array<i32>} : memref<49152xf32, #tpu.memory_space<vmem>>, vector<16xf32>,
        %add3A_383 = arith.addf %add3A_367, %add3A_378 : vector<16xf32>
        %mul3A_384 = arith.mulf %add3A_378, %add3A_378 : vector<16xf32>
        %add3A_385 = arith.addf %add3A_369, %mul3A_384 : vector<16xf32>
        %add3A_386 = arith.constant 352 : i32
        %add3A_387 = arith.addi %mul3A_32, %add3A_386 : i32
        %get3A_388 = arith.index_cast %add3A_387 : i32 to index
        %get3A_389 = tpu.vector_load %arg7[%get3A_388] {strides = array<i32>} : memref<49152xf32, #tpu.memory_space<vmem>>, vector<16xf32>,
        %get3A_390 = vector.shape_cast %get3A_389 : vector<16xf32> to vector<16xf32>
        %get3A_391 = arith.index_cast %add3A_387 : i32 to index
        %get3A_392 = tpu.vector_load %arg8[%get3A_391] {strides = array<i32>} : memref<49152xf32, #tpu.memory_space<vmem>>, vector<16xf32>,
        %get3A_393 = vector.shape_cast %get3A_392 : vector<16xf32> to vector<16xf32>
        %add3A_394 = arith.addf %get3A_390, %get3A_393 : vector<16xf32>
        %swap3A_395 = arith.index_cast %add3A_387 : i32 to index
        %swap3A_396 = tpu.vector_load %arg7[%swap3A_395] {strides = array<i32>} : memref<49152xf32, #tpu.memory_space<vmem>>, vector<16xf32>,
        %swap3A_397 = vector.shape_cast %swap3A_396 : vector<16xf32> to vector<16xf32>
        %swap3A_398 = vector.shape_cast %add3A_394 : vector<16xf32> to vector<16xf32>
        tpu.vector_store %arg7[%swap3A_395], %swap3A_398 {strides = array<i32>} : memref<49152xf32, #tpu.memory_space<vmem>>, vector<16xf32>,
        %add3A_399 = arith.addf %add3A_383, %add3A_394 : vector<16xf32>
        %mul3A_400 = arith.mulf %add3A_394, %add3A_394 : vector<16xf32>
        %add3A_401 = arith.addf %add3A_385, %mul3A_400 : vector<16xf32>
        %add3A_402 = arith.constant 368 : i32
        %add3A_403 = arith.addi %mul3A_32, %add3A_402 : i32
        %get3A_404 = arith.index_cast %add3A_403 : i32 to index
        %get3A_405 = tpu.vector_load %arg7[%get3A_404] {strides = array<i32>} : memref<49152xf32, #tpu.memory_space<vmem>>, vector<16xf32>,
        %get3A_406 = vector.shape_cast %get3A_405 : vector<16xf32> to vector<16xf32>
        %get3A_407 = arith.index_cast %add3A_403 : i32 to index
        %get3A_408 = tpu.vector_load %arg8[%get3A_407] {strides = array<i32>} : memref<49152xf32, #tpu.memory_space<vmem>>, vector<16xf32>,
        %get3A_409 = vector.shape_cast %get3A_408 : vector<16xf32> to vector<16xf32>
        %add3A_410 = arith.addf %get3A_406, %get3A_409 : vector<16xf32>
        %swap3A_411 = arith.index_cast %add3A_403 : i32 to index
        %swap3A_412 = tpu.vector_load %arg7[%swap3A_411] {strides = array<i32>} : memref<49152xf32, #tpu.memory_space<vmem>>, vector<16xf32>,
        %swap3A_413 = vector.shape_cast %swap3A_412 : vector<16xf32> to vector<16xf32>
        %swap3A_414 = vector.shape_cast %add3A_410 : vector<16xf32> to vector<16xf32>
        tpu.vector_store %arg7[%swap3A_411], %swap3A_414 {strides = array<i32>} : memref<49152xf32, #tpu.memory_space<vmem>>, vector<16xf32>,
        %add3A_415 = arith.addf %add3A_399, %add3A_410 : vector<16xf32>
        %mul3A_416 = arith.mulf %add3A_410, %add3A_410 : vector<16xf32>
        %add3A_417 = arith.addf %add3A_401, %mul3A_416 : vector<16xf32>
        %add3A_418 = arith.constant 384 : i32
        %add3A_419 = arith.addi %mul3A_32, %add3A_418 : i32
        %get3A_420 = arith.index_cast %add3A_419 : i32 to index
        %get3A_421 = tpu.vector_load %arg7[%get3A_420] {strides = array<i32>} : memref<49152xf32, #tpu.memory_space<vmem>>, vector<16xf32>,
        %get3A_422 = vector.shape_cast %get3A_421 : vector<16xf32> to vector<16xf32>
        %get3A_423 = arith.index_cast %add3A_419 : i32 to index
        %get3A_424 = tpu.vector_load %arg8[%get3A_423] {strides = array<i32>} : memref<49152xf32, #tpu.memory_space<vmem>>, vector<16xf32>,
        %get3A_425 = vector.shape_cast %get3A_424 : vector<16xf32> to vector<16xf32>
        %add3A_426 = arith.addf %get3A_422, %get3A_425 : vector<16xf32>
        %swap3A_427 = arith.index_cast %add3A_419 : i32 to index
        %swap3A_428 = tpu.vector_load %arg7[%swap3A_427] {strides = array<i32>} : memref<49152xf32, #tpu.memory_space<vmem>>, vector<16xf32>,
        %swap3A_429 = vector.shape_cast %swap3A_428 : vector<16xf32> to vector<16xf32>
        %swap3A_430 = vector.shape_cast %add3A_426 : vector<16xf32> to vector<16xf32>
        tpu.vector_store %arg7[%swap3A_427], %swap3A_430 {strides = array<i32>} : memref<49152xf32, #tpu.memory_space<vmem>>, vector<16xf32>,
        %add3A_431 = arith.addf %add3A_415, %add3A_426 : vector<16xf32>
        %mul3A_432 = arith.mulf %add3A_426, %add3A_426 : vector<16xf32>
        %add3A_433 = arith.addf %add3A_417, %mul3A_432 : vector<16xf32>
        %add3A_434 = arith.constant 400 : i32
        %add3A_435 = arith.addi %mul3A_32, %add3A_434 : i32
        %get3A_436 = arith.index_cast %add3A_435 : i32 to index
        %get3A_437 = tpu.vector_load %arg7[%get3A_436] {strides = array<i32>} : memref<49152xf32, #tpu.memory_space<vmem>>, vector<16xf32>,
        %get3A_438 = vector.shape_cast %get3A_437 : vector<16xf32> to vector<16xf32>
        %get3A_439 = arith.index_cast %add3A_435 : i32 to index
        %get3A_440 = tpu.vector_load %arg8[%get3A_439] {strides = array<i32>} : memref<49152xf32, #tpu.memory_space<vmem>>, vector<16xf32>,
        %get3A_441 = vector.shape_cast %get3A_440 : vector<16xf32> to vector<16xf32>
        %add3A_442 = arith.addf %get3A_438, %get3A_441 : vector<16xf32>
        %swap3A_443 = arith.index_cast %add3A_435 : i32 to index
        %swap3A_444 = tpu.vector_load %arg7[%swap3A_443] {strides = array<i32>} : memref<49152xf32, #tpu.memory_space<vmem>>, vector<16xf32>,
        %swap3A_445 = vector.shape_cast %swap3A_444 : vector<16xf32> to vector<16xf32>
        %swap3A_446 = vector.shape_cast %add3A_442 : vector<16xf32> to vector<16xf32>
        tpu.vector_store %arg7[%swap3A_443], %swap3A_446 {strides = array<i32>} : memref<49152xf32, #tpu.memory_space<vmem>>, vector<16xf32>,
        %add3A_447 = arith.addf %add3A_431, %add3A_442 : vector<16xf32>
        %mul3A_448 = arith.mulf %add3A_442, %add3A_442 : vector<16xf32>
        %add3A_449 = arith.addf %add3A_433, %mul3A_448 : vector<16xf32>
        %add3A_450 = arith.constant 416 : i32
        %add3A_451 = arith.addi %mul3A_32, %add3A_450 : i32
        %get3A_452 = arith.index_cast %add3A_451 : i32 to index
        %get3A_453 = tpu.vector_load %arg7[%get3A_452] {strides = array<i32>} : memref<49152xf32, #tpu.memory_space<vmem>>, vector<16xf32>,
        %get3A_454 = vector.shape_cast %get3A_453 : vector<16xf32> to vector<16xf32>
        %get3A_455 = arith.index_cast %add3A_451 : i32 to index
        %get3A_456 = tpu.vector_load %arg8[%get3A_455] {strides = array<i32>} : memref<49152xf32, #tpu.memory_space<vmem>>, vector<16xf32>,
        %get3A_457 = vector.shape_cast %get3A_456 : vector<16xf32> to vector<16xf32>
        %add3A_458 = arith.addf %get3A_454, %get3A_457 : vector<16xf32>
        %swap3A_459 = arith.index_cast %add3A_451 : i32 to index
        %swap3A_460 = tpu.vector_load %arg7[%swap3A_459] {strides = array<i32>} : memref<49152xf32, #tpu.memory_space<vmem>>, vector<16xf32>,
        %swap3A_461 = vector.shape_cast %swap3A_460 : vector<16xf32> to vector<16xf32>
        %swap3A_462 = vector.shape_cast %add3A_458 : vector<16xf32> to vector<16xf32>
        tpu.vector_store %arg7[%swap3A_459], %swap3A_462 {strides = array<i32>} : memref<49152xf32, #tpu.memory_space<vmem>>, vector<16xf32>,
        %add3A_463 = arith.addf %add3A_447, %add3A_458 : vector<16xf32>
        %mul3A_464 = arith.mulf %add3A_458, %add3A_458 : vector<16xf32>
        %add3A_465 = arith.addf %add3A_449, %mul3A_464 : vector<16xf32>
        %add3A_466 = arith.constant 432 : i32
        %add3A_467 = arith.addi %mul3A_32, %add3A_466 : i32
        %get3A_468 = arith.index_cast %add3A_467 : i32 to index
        %get3A_469 = tpu.vector_load %arg7[%get3A_468] {strides = array<i32>} : memref<49152xf32, #tpu.memory_space<vmem>>, vector<16xf32>,
        %get3A_470 = vector.shape_cast %get3A_469 : vector<16xf32> to vector<16xf32>
        %get3A_471 = arith.index_cast %add3A_467 : i32 to index
        %get3A_472 = tpu.vector_load %arg8[%get3A_471] {strides = array<i32>} : memref<49152xf32, #tpu.memory_space<vmem>>, vector<16xf32>,
        %get3A_473 = vector.shape_cast %get3A_472 : vector<16xf32> to vector<16xf32>
        %add3A_474 = arith.addf %get3A_470, %get3A_473 : vector<16xf32>
        %swap3A_475 = arith.index_cast %add3A_467 : i32 to index
        %swap3A_476 = tpu.vector_load %arg7[%swap3A_475] {strides = array<i32>} : memref<49152xf32, #tpu.memory_space<vmem>>, vector<16xf32>,
        %swap3A_477 = vector.shape_cast %swap3A_476 : vector<16xf32> to vector<16xf32>
        %swap3A_478 = vector.shape_cast %add3A_474 : vector<16xf32> to vector<16xf32>
        tpu.vector_store %arg7[%swap3A_475], %swap3A_478 {strides = array<i32>} : memref<49152xf32, #tpu.memory_space<vmem>>, vector<16xf32>,
        %add3A_479 = arith.addf %add3A_463, %add3A_474 : vector<16xf32>
        %mul3A_480 = arith.mulf %add3A_474, %add3A_474 : vector<16xf32>
        %add3A_481 = arith.addf %add3A_465, %mul3A_480 : vector<16xf32>
        %add3A_482 = arith.constant 448 : i32
        %add3A_483 = arith.addi %mul3A_32, %add3A_482 : i32
        %get3A_484 = arith.index_cast %add3A_483 : i32 to index
        %get3A_485 = tpu.vector_load %arg7[%get3A_484] {strides = array<i32>} : memref<49152xf32, #tpu.memory_space<vmem>>, vector<16xf32>,
        %get3A_486 = vector.shape_cast %get3A_485 : vector<16xf32> to vector<16xf32>
        %get3A_487 = arith.index_cast %add3A_483 : i32 to index
        %get3A_488 = tpu.vector_load %arg8[%get3A_487] {strides = array<i32>} : memref<49152xf32, #tpu.memory_space<vmem>>, vector<16xf32>,
        %get3A_489 = vector.shape_cast %get3A_488 : vector<16xf32> to vector<16xf32>
        %add3A_490 = arith.addf %get3A_486, %get3A_489 : vector<16xf32>
        %swap3A_491 = arith.index_cast %add3A_483 : i32 to index
        %swap3A_492 = tpu.vector_load %arg7[%swap3A_491] {strides = array<i32>} : memref<49152xf32, #tpu.memory_space<vmem>>, vector<16xf32>,
        %swap3A_493 = vector.shape_cast %swap3A_492 : vector<16xf32> to vector<16xf32>
        %swap3A_494 = vector.shape_cast %add3A_490 : vector<16xf32> to vector<16xf32>
        tpu.vector_store %arg7[%swap3A_491], %swap3A_494 {strides = array<i32>} : memref<49152xf32, #tpu.memory_space<vmem>>, vector<16xf32>,
        %add3A_495 = arith.addf %add3A_479, %add3A_490 : vector<16xf32>
        %mul3A_496 = arith.mulf %add3A_490, %add3A_490 : vector<16xf32>
        %add3A_497 = arith.addf %add3A_481, %mul3A_496 : vector<16xf32>
        %add3A_498 = arith.constant 464 : i32
        %add3A_499 = arith.addi %mul3A_32, %add3A_498 : i32
        %get3A_500 = arith.index_cast %add3A_499 : i32 to index
        %get3A_501 = tpu.vector_load %arg7[%get3A_500] {strides = array<i32>} : memref<49152xf32, #tpu.memory_space<vmem>>, vector<16xf32>,
        %get3A_502 = vector.shape_cast %get3A_501 : vector<16xf32> to vector<16xf32>
        %get3A_503 = arith.index_cast %add3A_499 : i32 to index
        %get3A_504 = tpu.vector_load %arg8[%get3A_503] {strides = array<i32>} : memref<49152xf32, #tpu.memory_space<vmem>>, vector<16xf32>,
        %get3A_505 = vector.shape_cast %get3A_504 : vector<16xf32> to vector<16xf32>
        %add3A_506 = arith.addf %get3A_502, %get3A_505 : vector<16xf32>
        %swap3A_507 = arith.index_cast %add3A_499 : i32 to index
        %swap3A_508 = tpu.vector_load %arg7[%swap3A_507] {strides = array<i32>} : memref<49152xf32, #tpu.memory_space<vmem>>, vector<16xf32>,
        %swap3A_509 = vector.shape_cast %swap3A_508 : vector<16xf32> to vector<16xf32>
        %swap3A_510 = vector.shape_cast %add3A_506 : vector<16xf32> to vector<16xf32>
        tpu.vector_store %arg7[%swap3A_507], %swap3A_510 {strides = array<i32>} : memref<49152xf32, #tpu.memory_space<vmem>>, vector<16xf32>,
        %add3A_511 = arith.addf %add3A_495, %add3A_506 : vector<16xf32>
        %mul3A_512 = arith.mulf %add3A_506, %add3A_506 : vector<16xf32>
        %add3A_513 = arith.addf %add3A_497, %mul3A_512 : vector<16xf32>
        %add3A_514 = arith.constant 480 : i32
        %add3A_515 = arith.addi %mul3A_32, %add3A_514 : i32
        %get3A_516 = arith.index_cast %add3A_515 : i32 to index
        %get3A_517 = tpu.vector_load %arg7[%get3A_516] {strides = array<i32>} : memref<49152xf32, #tpu.memory_space<vmem>>, vector<16xf32>,
        %get3A_518 = vector.shape_cast %get3A_517 : vector<16xf32> to vector<16xf32>
        %get3A_519 = arith.index_cast %add3A_515 : i32 to index
        %get3A_520 = tpu.vector_load %arg8[%get3A_519] {strides = array<i32>} : memref<49152xf32, #tpu.memory_space<vmem>>, vector<16xf32>,
        %get3A_521 = vector.shape_cast %get3A_520 : vector<16xf32> to vector<16xf32>
        %add3A_522 = arith.addf %get3A_518, %get3A_521 : vector<16xf32>
        %swap3A_523 = arith.index_cast %add3A_515 : i32 to index
        %swap3A_524 = tpu.vector_load %arg7[%swap3A_523] {strides = array<i32>} : memref<49152xf32, #tpu.memory_space<vmem>>, vector<16xf32>,
        %swap3A_525 = vector.shape_cast %swap3A_524 : vector<16xf32> to vector<16xf32>
        %swap3A_526 = vector.shape_cast %add3A_522 : vector<16xf32> to vector<16xf32>
        tpu.vector_store %arg7[%swap3A_523], %swap3A_526 {strides = array<i32>} : memref<49152xf32, #tpu.memory_space<vmem>>, vector<16xf32>,
        %add3A_527 = arith.addf %add3A_511, %add3A_522 : vector<16xf32>
        %mul3A_528 = arith.mulf %add3A_522, %add3A_522 : vector<16xf32>
        %add3A_529 = arith.addf %add3A_513, %mul3A_528 : vector<16xf32>
        %add3A_530 = arith.constant 496 : i32
        %add3A_531 = arith.addi %mul3A_32, %add3A_530 : i32
        %get3A_532 = arith.index_cast %add3A_531 : i32 to index
        %get3A_533 = tpu.vector_load %arg7[%get3A_532] {strides = array<i32>} : memref<49152xf32, #tpu.memory_space<vmem>>, vector<16xf32>,
        %get3A_534 = vector.shape_cast %get3A_533 : vector<16xf32> to vector<16xf32>
        %get3A_535 = arith.index_cast %add3A_531 : i32 to index
        %get3A_536 = tpu.vector_load %arg8[%get3A_535] {strides = array<i32>} : memref<49152xf32, #tpu.memory_space<vmem>>, vector<16xf32>,
        %get3A_537 = vector.shape_cast %get3A_536 : vector<16xf32> to vector<16xf32>
        %add3A_538 = arith.addf %get3A_534, %get3A_537 : vector<16xf32>
        %swap3A_539 = arith.index_cast %add3A_531 : i32 to index
        %swap3A_540 = tpu.vector_load %arg7[%swap3A_539] {strides = array<i32>} : memref<49152xf32, #tpu.memory_space<vmem>>, vector<16xf32>,
        %swap3A_541 = vector.shape_cast %swap3A_540 : vector<16xf32> to vector<16xf32>
        %swap3A_542 = vector.shape_cast %add3A_538 : vector<16xf32> to vector<16xf32>
        tpu.vector_store %arg7[%swap3A_539], %swap3A_542 {strides = array<i32>} : memref<49152xf32, #tpu.memory_space<vmem>>, vector<16xf32>,
        %add3A_543 = arith.addf %add3A_527, %add3A_538 : vector<16xf32>
        %mul3A_544 = arith.mulf %add3A_538, %add3A_538 : vector<16xf32>
        %add3A_545 = arith.addf %add3A_529, %mul3A_544 : vector<16xf32>
        %add3A_546 = arith.constant 512 : i32
        %add3A_547 = arith.addi %mul3A_32, %add3A_546 : i32
        %get3A_548 = arith.index_cast %add3A_547 : i32 to index
        %get3A_549 = tpu.vector_load %arg7[%get3A_548] {strides = array<i32>} : memref<49152xf32, #tpu.memory_space<vmem>>, vector<16xf32>,
        %get3A_550 = vector.shape_cast %get3A_549 : vector<16xf32> to vector<16xf32>
        %get3A_551 = arith.index_cast %add3A_547 : i32 to index
        %get3A_552 = tpu.vector_load %arg8[%get3A_551] {strides = array<i32>} : memref<49152xf32, #tpu.memory_space<vmem>>, vector<16xf32>,
        %get3A_553 = vector.shape_cast %get3A_552 : vector<16xf32> to vector<16xf32>
        %add3A_554 = arith.addf %get3A_550, %get3A_553 : vector<16xf32>
        %swap3A_555 = arith.index_cast %add3A_547 : i32 to index
        %swap3A_556 = tpu.vector_load %arg7[%swap3A_555] {strides = array<i32>} : memref<49152xf32, #tpu.memory_space<vmem>>, vector<16xf32>,
        %swap3A_557 = vector.shape_cast %swap3A_556 : vector<16xf32> to vector<16xf32>
        %swap3A_558 = vector.shape_cast %add3A_554 : vector<16xf32> to vector<16xf32>
        tpu.vector_store %arg7[%swap3A_555], %swap3A_558 {strides = array<i32>} : memref<49152xf32, #tpu.memory_space<vmem>>, vector<16xf32>,
        %add3A_559 = arith.addf %add3A_543, %add3A_554 : vector<16xf32>
        %mul3A_560 = arith.mulf %add3A_554, %add3A_554 : vector<16xf32>
        %add3A_561 = arith.addf %add3A_545, %mul3A_560 : vector<16xf32>
        %add3A_562 = arith.constant 528 : i32
        %add3A_563 = arith.addi %mul3A_32, %add3A_562 : i32
        %get3A_564 = arith.index_cast %add3A_563 : i32 to index
        %get3A_565 = tpu.vector_load %arg7[%get3A_564] {strides = array<i32>} : memref<49152xf32, #tpu.memory_space<vmem>>, vector<16xf32>,
        %get3A_566 = vector.shape_cast %get3A_565 : vector<16xf32> to vector<16xf32>
        %get3A_567 = arith.index_cast %add3A_563 : i32 to index
        %get3A_568 = tpu.vector_load %arg8[%get3A_567] {strides = array<i32>} : memref<49152xf32, #tpu.memory_space<vmem>>, vector<16xf32>,
        %get3A_569 = vector.shape_cast %get3A_568 : vector<16xf32> to vector<16xf32>
        %add3A_570 = arith.addf %get3A_566, %get3A_569 : vector<16xf32>
        %swap3A_571 = arith.index_cast %add3A_563 : i32 to index
        %swap3A_572 = tpu.vector_load %arg7[%swap3A_571] {strides = array<i32>} : memref<49152xf32, #tpu.memory_space<vmem>>, vector<16xf32>,
        %swap3A_573 = vector.shape_cast %swap3A_572 : vector<16xf32> to vector<16xf32>
        %swap3A_574 = vector.shape_cast %add3A_570 : vector<16xf32> to vector<16xf32>
        tpu.vector_store %arg7[%swap3A_571], %swap3A_574 {strides = array<i32>} : memref<49152xf32, #tpu.memory_space<vmem>>, vector<16xf32>,
        %add3A_575 = arith.addf %add3A_559, %add3A_570 : vector<16xf32>
        %mul3A_576 = arith.mulf %add3A_570, %add3A_570 : vector<16xf32>
        %add3A_577 = arith.addf %add3A_561, %mul3A_576 : vector<16xf32>
        %add3A_578 = arith.constant 544 : i32
        %add3A_579 = arith.addi %mul3A_32, %add3A_578 : i32
        %get3A_580 = arith.index_cast %add3A_579 : i32 to index
        %get3A_581 = tpu.vector_load %arg7[%get3A_580] {strides = array<i32>} : memref<49152xf32, #tpu.memory_space<vmem>>, vector<16xf32>,
        %get3A_582 = vector.shape_cast %get3A_581 : vector<16xf32> to vector<16xf32>
        %get3A_583 = arith.index_cast %add3A_579 : i32 to index
        %get3A_584 = tpu.vector_load %arg8[%get3A_583] {strides = array<i32>} : memref<49152xf32, #tpu.memory_space<vmem>>, vector<16xf32>,
        %get3A_585 = vector.shape_cast %get3A_584 : vector<16xf32> to vector<16xf32>
        %add3A_586 = arith.addf %get3A_582, %get3A_585 : vector<16xf32>
        %swap3A_587 = arith.index_cast %add3A_579 : i32 to index
        %swap3A_588 = tpu.vector_load %arg7[%swap3A_587] {strides = array<i32>} : memref<49152xf32, #tpu.memory_space<vmem>>, vector<16xf32>,
        %swap3A_589 = vector.shape_cast %swap3A_588 : vector<16xf32> to vector<16xf32>
        %swap3A_590 = vector.shape_cast %add3A_586 : vector<16xf32> to vector<16xf32>
        tpu.vector_store %arg7[%swap3A_587], %swap3A_590 {strides = array<i32>} : memref<49152xf32, #tpu.memory_space<vmem>>, vector<16xf32>,
        %add3A_591 = arith.addf %add3A_575, %add3A_586 : vector<16xf32>
        %mul3A_592 = arith.mulf %add3A_586, %add3A_586 : vector<16xf32>
        %add3A_593 = arith.addf %add3A_577, %mul3A_592 : vector<16xf32>
        %add3A_594 = arith.constant 560 : i32
        %add3A_595 = arith.addi %mul3A_32, %add3A_594 : i32
        %get3A_596 = arith.index_cast %add3A_595 : i32 to index
        %get3A_597 = tpu.vector_load %arg7[%get3A_596] {strides = array<i32>} : memref<49152xf32, #tpu.memory_space<vmem>>, vector<16xf32>,
        %get3A_598 = vector.shape_cast %get3A_597 : vector<16xf32> to vector<16xf32>
        %get3A_599 = arith.index_cast %add3A_595 : i32 to index
        %get3A_600 = tpu.vector_load %arg8[%get3A_599] {strides = array<i32>} : memref<49152xf32, #tpu.memory_space<vmem>>, vector<16xf32>,
        %get3A_601 = vector.shape_cast %get3A_600 : vector<16xf32> to vector<16xf32>
        %add3A_602 = arith.addf %get3A_598, %get3A_601 : vector<16xf32>
        %swap3A_603 = arith.index_cast %add3A_595 : i32 to index
        %swap3A_604 = tpu.vector_load %arg7[%swap3A_603] {strides = array<i32>} : memref<49152xf32, #tpu.memory_space<vmem>>, vector<16xf32>,
        %swap3A_605 = vector.shape_cast %swap3A_604 : vector<16xf32> to vector<16xf32>
        %swap3A_606 = vector.shape_cast %add3A_602 : vector<16xf32> to vector<16xf32>
        tpu.vector_store %arg7[%swap3A_603], %swap3A_606 {strides = array<i32>} : memref<49152xf32, #tpu.memory_space<vmem>>, vector<16xf32>,
        %add3A_607 = arith.addf %add3A_591, %add3A_602 : vector<16xf32>
        %mul3A_608 = arith.mulf %add3A_602, %add3A_602 : vector<16xf32>
        %add3A_609 = arith.addf %add3A_593, %mul3A_608 : vector<16xf32>
        %add3A_610 = arith.constant 576 : i32
        %add3A_611 = arith.addi %mul3A_32, %add3A_610 : i32
        %get3A_612 = arith.index_cast %add3A_611 : i32 to index
        %get3A_613 = tpu.vector_load %arg7[%get3A_612] {strides = array<i32>} : memref<49152xf32, #tpu.memory_space<vmem>>, vector<16xf32>,
        %get3A_614 = vector.shape_cast %get3A_613 : vector<16xf32> to vector<16xf32>
        %get3A_615 = arith.index_cast %add3A_611 : i32 to index
        %get3A_616 = tpu.vector_load %arg8[%get3A_615] {strides = array<i32>} : memref<49152xf32, #tpu.memory_space<vmem>>, vector<16xf32>,
        %get3A_617 = vector.shape_cast %get3A_616 : vector<16xf32> to vector<16xf32>
        %add3A_618 = arith.addf %get3A_614, %get3A_617 : vector<16xf32>
        %swap3A_619 = arith.index_cast %add3A_611 : i32 to index
        %swap3A_620 = tpu.vector_load %arg7[%swap3A_619] {strides = array<i32>} : memref<49152xf32, #tpu.memory_space<vmem>>, vector<16xf32>,
        %swap3A_621 = vector.shape_cast %swap3A_620 : vector<16xf32> to vector<16xf32>
        %swap3A_622 = vector.shape_cast %add3A_618 : vector<16xf32> to vector<16xf32>
        tpu.vector_store %arg7[%swap3A_619], %swap3A_622 {strides = array<i32>} : memref<49152xf32, #tpu.memory_space<vmem>>, vector<16xf32>,
        %add3A_623 = arith.addf %add3A_607, %add3A_618 : vector<16xf32>
        %mul3A_624 = arith.mulf %add3A_618, %add3A_618 : vector<16xf32>
        %add3A_625 = arith.addf %add3A_609, %mul3A_624 : vector<16xf32>
        %add3A_626 = arith.constant 592 : i32
        %add3A_627 = arith.addi %mul3A_32, %add3A_626 : i32
        %get3A_628 = arith.index_cast %add3A_627 : i32 to index
        %get3A_629 = tpu.vector_load %arg7[%get3A_628] {strides = array<i32>} : memref<49152xf32, #tpu.memory_space<vmem>>, vector<16xf32>,
        %get3A_630 = vector.shape_cast %get3A_629 : vector<16xf32> to vector<16xf32>
        %get3A_631 = arith.index_cast %add3A_627 : i32 to index
        %get3A_632 = tpu.vector_load %arg8[%get3A_631] {strides = array<i32>} : memref<49152xf32, #tpu.memory_space<vmem>>, vector<16xf32>,
        %get3A_633 = vector.shape_cast %get3A_632 : vector<16xf32> to vector<16xf32>
        %add3A_634 = arith.addf %get3A_630, %get3A_633 : vector<16xf32>
        %swap3A_635 = arith.index_cast %add3A_627 : i32 to index
        %swap3A_636 = tpu.vector_load %arg7[%swap3A_635] {strides = array<i32>} : memref<49152xf32, #tpu.memory_space<vmem>>, vector<16xf32>,
        %swap3A_637 = vector.shape_cast %swap3A_636 : vector<16xf32> to vector<16xf32>
        %swap3A_638 = vector.shape_cast %add3A_634 : vector<16xf32> to vector<16xf32>
        tpu.vector_store %arg7[%swap3A_635], %swap3A_638 {strides = array<i32>} : memref<49152xf32, #tpu.memory_space<vmem>>, vector<16xf32>,
        %add3A_639 = arith.addf %add3A_623, %add3A_634 : vector<16xf32>
        %mul3A_640 = arith.mulf %add3A_634, %add3A_634 : vector<16xf32>
        %add3A_641 = arith.addf %add3A_625, %mul3A_640 : vector<16xf32>
        %add3A_642 = arith.constant 608 : i32
        %add3A_643 = arith.addi %mul3A_32, %add3A_642 : i32
        %get3A_644 = arith.index_cast %add3A_643 : i32 to index
        %get3A_645 = tpu.vector_load %arg7[%get3A_644] {strides = array<i32>} : memref<49152xf32, #tpu.memory_space<vmem>>, vector<16xf32>,
        %get3A_646 = vector.shape_cast %get3A_645 : vector<16xf32> to vector<16xf32>
        %get3A_647 = arith.index_cast %add3A_643 : i32 to index
        %get3A_648 = tpu.vector_load %arg8[%get3A_647] {strides = array<i32>} : memref<49152xf32, #tpu.memory_space<vmem>>, vector<16xf32>,
        %get3A_649 = vector.shape_cast %get3A_648 : vector<16xf32> to vector<16xf32>
        %add3A_650 = arith.addf %get3A_646, %get3A_649 : vector<16xf32>
        %swap3A_651 = arith.index_cast %add3A_643 : i32 to index
        %swap3A_652 = tpu.vector_load %arg7[%swap3A_651] {strides = array<i32>} : memref<49152xf32, #tpu.memory_space<vmem>>, vector<16xf32>,
        %swap3A_653 = vector.shape_cast %swap3A_652 : vector<16xf32> to vector<16xf32>
        %swap3A_654 = vector.shape_cast %add3A_650 : vector<16xf32> to vector<16xf32>
        tpu.vector_store %arg7[%swap3A_651], %swap3A_654 {strides = array<i32>} : memref<49152xf32, #tpu.memory_space<vmem>>, vector<16xf32>,
        %add3A_655 = arith.addf %add3A_639, %add3A_650 : vector<16xf32>
        %mul3A_656 = arith.mulf %add3A_650, %add3A_650 : vector<16xf32>
        %add3A_657 = arith.addf %add3A_641, %mul3A_656 : vector<16xf32>
        %add3A_658 = arith.constant 624 : i32
        %add3A_659 = arith.addi %mul3A_32, %add3A_658 : i32
        %get3A_660 = arith.index_cast %add3A_659 : i32 to index
        %get3A_661 = tpu.vector_load %arg7[%get3A_660] {strides = array<i32>} : memref<49152xf32, #tpu.memory_space<vmem>>, vector<16xf32>,
        %get3A_662 = vector.shape_cast %get3A_661 : vector<16xf32> to vector<16xf32>
        %get3A_663 = arith.index_cast %add3A_659 : i32 to index
        %get3A_664 = tpu.vector_load %arg8[%get3A_663] {strides = array<i32>} : memref<49152xf32, #tpu.memory_space<vmem>>, vector<16xf32>,
        %get3A_665 = vector.shape_cast %get3A_664 : vector<16xf32> to vector<16xf32>
        %add3A_666 = arith.addf %get3A_662, %get3A_665 : vector<16xf32>
        %swap3A_667 = arith.index_cast %add3A_659 : i32 to index
        %swap3A_668 = tpu.vector_load %arg7[%swap3A_667] {strides = array<i32>} : memref<49152xf32, #tpu.memory_space<vmem>>, vector<16xf32>,
        %swap3A_669 = vector.shape_cast %swap3A_668 : vector<16xf32> to vector<16xf32>
        %swap3A_670 = vector.shape_cast %add3A_666 : vector<16xf32> to vector<16xf32>
        tpu.vector_store %arg7[%swap3A_667], %swap3A_670 {strides = array<i32>} : memref<49152xf32, #tpu.memory_space<vmem>>, vector<16xf32>,
        %add3A_671 = arith.addf %add3A_655, %add3A_666 : vector<16xf32>
        %mul3A_672 = arith.mulf %add3A_666, %add3A_666 : vector<16xf32>
        %add3A_673 = arith.addf %add3A_657, %mul3A_672 : vector<16xf32>
        %add3A_674 = arith.constant 640 : i32
        %add3A_675 = arith.addi %mul3A_32, %add3A_674 : i32
        %get3A_676 = arith.index_cast %add3A_675 : i32 to index
        %get3A_677 = tpu.vector_load %arg7[%get3A_676] {strides = array<i32>} : memref<49152xf32, #tpu.memory_space<vmem>>, vector<16xf32>,
        %get3A_678 = vector.shape_cast %get3A_677 : vector<16xf32> to vector<16xf32>
        %get3A_679 = arith.index_cast %add3A_675 : i32 to index
        %get3A_680 = tpu.vector_load %arg8[%get3A_679] {strides = array<i32>} : memref<49152xf32, #tpu.memory_space<vmem>>, vector<16xf32>,
        %get3A_681 = vector.shape_cast %get3A_680 : vector<16xf32> to vector<16xf32>
        %add3A_682 = arith.addf %get3A_678, %get3A_681 : vector<16xf32>
        %swap3A_683 = arith.index_cast %add3A_675 : i32 to index
        %swap3A_684 = tpu.vector_load %arg7[%swap3A_683] {strides = array<i32>} : memref<49152xf32, #tpu.memory_space<vmem>>, vector<16xf32>,
        %swap3A_685 = vector.shape_cast %swap3A_684 : vector<16xf32> to vector<16xf32>
        %swap3A_686 = vector.shape_cast %add3A_682 : vector<16xf32> to vector<16xf32>
        tpu.vector_store %arg7[%swap3A_683], %swap3A_686 {strides = array<i32>} : memref<49152xf32, #tpu.memory_space<vmem>>, vector<16xf32>,
        %add3A_687 = arith.addf %add3A_671, %add3A_682 : vector<16xf32>
        %mul3A_688 = arith.mulf %add3A_682, %add3A_682 : vector<16xf32>
        %add3A_689 = arith.addf %add3A_673, %mul3A_688 : vector<16xf32>
        %add3A_690 = arith.constant 656 : i32
        %add3A_691 = arith.addi %mul3A_32, %add3A_690 : i32
        %get3A_692 = arith.index_cast %add3A_691 : i32 to index
        %get3A_693 = tpu.vector_load %arg7[%get3A_692] {strides = array<i32>} : memref<49152xf32, #tpu.memory_space<vmem>>, vector<16xf32>,
        %get3A_694 = vector.shape_cast %get3A_693 : vector<16xf32> to vector<16xf32>
        %get3A_695 = arith.index_cast %add3A_691 : i32 to index
        %get3A_696 = tpu.vector_load %arg8[%get3A_695] {strides = array<i32>} : memref<49152xf32, #tpu.memory_space<vmem>>, vector<16xf32>,
        %get3A_697 = vector.shape_cast %get3A_696 : vector<16xf32> to vector<16xf32>
        %add3A_698 = arith.addf %get3A_694, %get3A_697 : vector<16xf32>
        %swap3A_699 = arith.index_cast %add3A_691 : i32 to index
        %swap3A_700 = tpu.vector_load %arg7[%swap3A_699] {strides = array<i32>} : memref<49152xf32, #tpu.memory_space<vmem>>, vector<16xf32>,
        %swap3A_701 = vector.shape_cast %swap3A_700 : vector<16xf32> to vector<16xf32>
        %swap3A_702 = vector.shape_cast %add3A_698 : vector<16xf32> to vector<16xf32>
        tpu.vector_store %arg7[%swap3A_699], %swap3A_702 {strides = array<i32>} : memref<49152xf32, #tpu.memory_space<vmem>>, vector<16xf32>,
        %add3A_703 = arith.addf %add3A_687, %add3A_698 : vector<16xf32>
        %mul3A_704 = arith.mulf %add3A_698, %add3A_698 : vector<16xf32>
        %add3A_705 = arith.addf %add3A_689, %mul3A_704 : vector<16xf32>
        %add3A_706 = arith.constant 672 : i32
        %add3A_707 = arith.addi %mul3A_32, %add3A_706 : i32
        %get3A_708 = arith.index_cast %add3A_707 : i32 to index
        %get3A_709 = tpu.vector_load %arg7[%get3A_708] {strides = array<i32>} : memref<49152xf32, #tpu.memory_space<vmem>>, vector<16xf32>,
        %get3A_710 = vector.shape_cast %get3A_709 : vector<16xf32> to vector<16xf32>
        %get3A_711 = arith.index_cast %add3A_707 : i32 to index
        %get3A_712 = tpu.vector_load %arg8[%get3A_711] {strides = array<i32>} : memref<49152xf32, #tpu.memory_space<vmem>>, vector<16xf32>,
        %get3A_713 = vector.shape_cast %get3A_712 : vector<16xf32> to vector<16xf32>
        %add3A_714 = arith.addf %get3A_710, %get3A_713 : vector<16xf32>
        %swap3A_715 = arith.index_cast %add3A_707 : i32 to index
        %swap3A_716 = tpu.vector_load %arg7[%swap3A_715] {strides = array<i32>} : memref<49152xf32, #tpu.memory_space<vmem>>, vector<16xf32>,
        %swap3A_717 = vector.shape_cast %swap3A_716 : vector<16xf32> to vector<16xf32>
        %swap3A_718 = vector.shape_cast %add3A_714 : vector<16xf32> to vector<16xf32>
        tpu.vector_store %arg7[%swap3A_715], %swap3A_718 {strides = array<i32>} : memref<49152xf32, #tpu.memory_space<vmem>>, vector<16xf32>,
        %add3A_719 = arith.addf %add3A_703, %add3A_714 : vector<16xf32>
        %mul3A_720 = arith.mulf %add3A_714, %add3A_714 : vector<16xf32>
        %add3A_721 = arith.addf %add3A_705, %mul3A_720 : vector<16xf32>
        %add3A_722 = arith.constant 688 : i32
        %add3A_723 = arith.addi %mul3A_32, %add3A_722 : i32
        %get3A_724 = arith.index_cast %add3A_723 : i32 to index
        %get3A_725 = tpu.vector_load %arg7[%get3A_724] {strides = array<i32>} : memref<49152xf32, #tpu.memory_space<vmem>>, vector<16xf32>,
        %get3A_726 = vector.shape_cast %get3A_725 : vector<16xf32> to vector<16xf32>
        %get3A_727 = arith.index_cast %add3A_723 : i32 to index
        %get3A_728 = tpu.vector_load %arg8[%get3A_727] {strides = array<i32>} : memref<49152xf32, #tpu.memory_space<vmem>>, vector<16xf32>,
        %get3A_729 = vector.shape_cast %get3A_728 : vector<16xf32> to vector<16xf32>
        %add3A_730 = arith.addf %get3A_726, %get3A_729 : vector<16xf32>
        %swap3A_731 = arith.index_cast %add3A_723 : i32 to index
        %swap3A_732 = tpu.vector_load %arg7[%swap3A_731] {strides = array<i32>} : memref<49152xf32, #tpu.memory_space<vmem>>, vector<16xf32>,
        %swap3A_733 = vector.shape_cast %swap3A_732 : vector<16xf32> to vector<16xf32>
        %swap3A_734 = vector.shape_cast %add3A_730 : vector<16xf32> to vector<16xf32>
        tpu.vector_store %arg7[%swap3A_731], %swap3A_734 {strides = array<i32>} : memref<49152xf32, #tpu.memory_space<vmem>>, vector<16xf32>,
        %add3A_735 = arith.addf %add3A_719, %add3A_730 : vector<16xf32>
        %mul3A_736 = arith.mulf %add3A_730, %add3A_730 : vector<16xf32>
        %add3A_737 = arith.addf %add3A_721, %mul3A_736 : vector<16xf32>
        %add3A_738 = arith.constant 704 : i32
        %add3A_739 = arith.addi %mul3A_32, %add3A_738 : i32
        %get3A_740 = arith.index_cast %add3A_739 : i32 to index
        %get3A_741 = tpu.vector_load %arg7[%get3A_740] {strides = array<i32>} : memref<49152xf32, #tpu.memory_space<vmem>>, vector<16xf32>,
        %get3A_742 = vector.shape_cast %get3A_741 : vector<16xf32> to vector<16xf32>
        %get3A_743 = arith.index_cast %add3A_739 : i32 to index
        %get3A_744 = tpu.vector_load %arg8[%get3A_743] {strides = array<i32>} : memref<49152xf32, #tpu.memory_space<vmem>>, vector<16xf32>,
        %get3A_745 = vector.shape_cast %get3A_744 : vector<16xf32> to vector<16xf32>
        %add3A_746 = arith.addf %get3A_742, %get3A_745 : vector<16xf32>
        %swap3A_747 = arith.index_cast %add3A_739 : i32 to index
        %swap3A_748 = tpu.vector_load %arg7[%swap3A_747] {strides = array<i32>} : memref<49152xf32, #tpu.memory_space<vmem>>, vector<16xf32>,
        %swap3A_749 = vector.shape_cast %swap3A_748 : vector<16xf32> to vector<16xf32>
        %swap3A_750 = vector.shape_cast %add3A_746 : vector<16xf32> to vector<16xf32>
        tpu.vector_store %arg7[%swap3A_747], %swap3A_750 {strides = array<i32>} : memref<49152xf32, #tpu.memory_space<vmem>>, vector<16xf32>,
        %add3A_751 = arith.addf %add3A_735, %add3A_746 : vector<16xf32>
        %mul3A_752 = arith.mulf %add3A_746, %add3A_746 : vector<16xf32>
        %add3A_753 = arith.addf %add3A_737, %mul3A_752 : vector<16xf32>
        %add3A_754 = arith.constant 720 : i32
        %add3A_755 = arith.addi %mul3A_32, %add3A_754 : i32
        %get3A_756 = arith.index_cast %add3A_755 : i32 to index
        %get3A_757 = tpu.vector_load %arg7[%get3A_756] {strides = array<i32>} : memref<49152xf32, #tpu.memory_space<vmem>>, vector<16xf32>,
        %get3A_758 = vector.shape_cast %get3A_757 : vector<16xf32> to vector<16xf32>
        %get3A_759 = arith.index_cast %add3A_755 : i32 to index
        %get3A_760 = tpu.vector_load %arg8[%get3A_759] {strides = array<i32>} : memref<49152xf32, #tpu.memory_space<vmem>>, vector<16xf32>,
        %get3A_761 = vector.shape_cast %get3A_760 : vector<16xf32> to vector<16xf32>
        %add3A_762 = arith.addf %get3A_758, %get3A_761 : vector<16xf32>
        %swap3A_763 = arith.index_cast %add3A_755 : i32 to index
        %swap3A_764 = tpu.vector_load %arg7[%swap3A_763] {strides = array<i32>} : memref<49152xf32, #tpu.memory_space<vmem>>, vector<16xf32>,
        %swap3A_765 = vector.shape_cast %swap3A_764 : vector<16xf32> to vector<16xf32>
        %swap3A_766 = vector.shape_cast %add3A_762 : vector<16xf32> to vector<16xf32>
        tpu.vector_store %arg7[%swap3A_763], %swap3A_766 {strides = array<i32>} : memref<49152xf32, #tpu.memory_space<vmem>>, vector<16xf32>,
        %add3A_767 = arith.addf %add3A_751, %add3A_762 : vector<16xf32>
        %mul3A_768 = arith.mulf %add3A_762, %add3A_762 : vector<16xf32>
        %add3A_769 = arith.addf %add3A_753, %mul3A_768 : vector<16xf32>
        %add3A_770 = arith.constant 736 : i32
        %add3A_771 = arith.addi %mul3A_32, %add3A_770 : i32
        %get3A_772 = arith.index_cast %add3A_771 : i32 to index
        %get3A_773 = tpu.vector_load %arg7[%get3A_772] {strides = array<i32>} : memref<49152xf32, #tpu.memory_space<vmem>>, vector<16xf32>,
        %get3A_774 = vector.shape_cast %get3A_773 : vector<16xf32> to vector<16xf32>
        %get3A_775 = arith.index_cast %add3A_771 : i32 to index
        %get3A_776 = tpu.vector_load %arg8[%get3A_775] {strides = array<i32>} : memref<49152xf32, #tpu.memory_space<vmem>>, vector<16xf32>,
        %get3A_777 = vector.shape_cast %get3A_776 : vector<16xf32> to vector<16xf32>
        %add3A_778 = arith.addf %get3A_774, %get3A_777 : vector<16xf32>
        %swap3A_779 = arith.index_cast %add3A_771 : i32 to index
        %swap3A_780 = tpu.vector_load %arg7[%swap3A_779] {strides = array<i32>} : memref<49152xf32, #tpu.memory_space<vmem>>, vector<16xf32>,
        %swap3A_781 = vector.shape_cast %swap3A_780 : vector<16xf32> to vector<16xf32>
        %swap3A_782 = vector.shape_cast %add3A_778 : vector<16xf32> to vector<16xf32>
        tpu.vector_store %arg7[%swap3A_779], %swap3A_782 {strides = array<i32>} : memref<49152xf32, #tpu.memory_space<vmem>>, vector<16xf32>,
        %add3A_783 = arith.addf %add3A_767, %add3A_778 : vector<16xf32>
        %mul3A_784 = arith.mulf %add3A_778, %add3A_778 : vector<16xf32>
        %add3A_785 = arith.addf %add3A_769, %mul3A_784 : vector<16xf32>
        %add3A_786 = arith.constant 752 : i32
        %add3A_787 = arith.addi %mul3A_32, %add3A_786 : i32
        %get3A_788 = arith.index_cast %add3A_787 : i32 to index
        %get3A_789 = tpu.vector_load %arg7[%get3A_788] {strides = array<i32>} : memref<49152xf32, #tpu.memory_space<vmem>>, vector<16xf32>,
        %get3A_790 = vector.shape_cast %get3A_789 : vector<16xf32> to vector<16xf32>
        %get3A_791 = arith.index_cast %add3A_787 : i32 to index
        %get3A_792 = tpu.vector_load %arg8[%get3A_791] {strides = array<i32>} : memref<49152xf32, #tpu.memory_space<vmem>>, vector<16xf32>,
        %get3A_793 = vector.shape_cast %get3A_792 : vector<16xf32> to vector<16xf32>
        %add3A_794 = arith.addf %get3A_790, %get3A_793 : vector<16xf32>
        %swap3A_795 = arith.index_cast %add3A_787 : i32 to index
        %swap3A_796 = tpu.vector_load %arg7[%swap3A_795] {strides = array<i32>} : memref<49152xf32, #tpu.memory_space<vmem>>, vector<16xf32>,
        %swap3A_797 = vector.shape_cast %swap3A_796 : vector<16xf32> to vector<16xf32>
        %swap3A_798 = vector.shape_cast %add3A_794 : vector<16xf32> to vector<16xf32>
        tpu.vector_store %arg7[%swap3A_795], %swap3A_798 {strides = array<i32>} : memref<49152xf32, #tpu.memory_space<vmem>>, vector<16xf32>,
        %add3A_799 = arith.addf %add3A_783, %add3A_794 : vector<16xf32>
        %mul3A_800 = arith.mulf %add3A_794, %add3A_794 : vector<16xf32>
        %add3A_801 = arith.addf %add3A_785, %mul3A_800 : vector<16xf32>
        %iota3A = tpu.iota {dimensions = array<i32: 0>} : vector<16xi32>
        %xor3A = arith.constant 8 : i32
        %xor3A_802 = vector.broadcast %xor3A : i32 to vector<16xi32>
        %xor3A_803 = arith.xori %iota3A, %xor3A_802 : vector<16xi32>
        %broadcast_in_dim3A_804 = vector.shape_cast %xor3A_803 : vector<16xi32> to vector<16x1xi32>
        %gather3A = vector.shape_cast %broadcast_in_dim3A_804 : vector<16x1xi32> to vector<16xi32>
        %gather3A_805 = tpu.dynamic_gather %add3A_799[%gather3A] in [0] : vector<16xf32>, vector<16xi32> -> vector<16xf32>
        %add3A_806 = arith.addf %add3A_799, %gather3A_805 : vector<16xf32>
        %xor3A_807 = arith.constant 4 : i32
        %xor3A_808 = vector.broadcast %xor3A_807 : i32 to vector<16xi32>
        %xor3A_809 = arith.xori %iota3A, %xor3A_808 : vector<16xi32>
        %broadcast_in_dim3A_810 = vector.shape_cast %xor3A_809 : vector<16xi32> to vector<16x1xi32>
        %gather3A_811 = vector.shape_cast %broadcast_in_dim3A_810 : vector<16x1xi32> to vector<16xi32>
        %gather3A_812 = tpu.dynamic_gather %add3A_806[%gather3A_811] in [0] : vector<16xf32>, vector<16xi32> -> vector<16xf32>
        %add3A_813 = arith.addf %add3A_806, %gather3A_812 : vector<16xf32>
        %xor3A_814 = arith.constant 2 : i32
        %xor3A_815 = vector.broadcast %xor3A_814 : i32 to vector<16xi32>
        %xor3A_816 = arith.xori %iota3A, %xor3A_815 : vector<16xi32>
        %broadcast_in_dim3A_817 = vector.shape_cast %xor3A_816 : vector<16xi32> to vector<16x1xi32>
        %gather3A_818 = vector.shape_cast %broadcast_in_dim3A_817 : vector<16x1xi32> to vector<16xi32>
        %gather3A_819 = tpu.dynamic_gather %add3A_813[%gather3A_818] in [0] : vector<16xf32>, vector<16xi32> -> vector<16xf32>
        %add3A_820 = arith.addf %add3A_813, %gather3A_819 : vector<16xf32>
        %xor3A_821 = arith.constant 1 : i32
        %xor3A_822 = vector.broadcast %xor3A_821 : i32 to vector<16xi32>
        %xor3A_823 = arith.xori %iota3A, %xor3A_822 : vector<16xi32>
        %broadcast_in_dim3A_824 = vector.shape_cast %xor3A_823 : vector<16xi32> to vector<16x1xi32>
        %gather3A_825 = vector.shape_cast %broadcast_in_dim3A_824 : vector<16x1xi32> to vector<16xi32>
        %gather3A_826 = tpu.dynamic_gather %add3A_820[%gather3A_825] in [0] : vector<16xf32>, vector<16xi32> -> vector<16xf32>
        %add3A_827 = arith.addf %add3A_820, %gather3A_826 : vector<16xf32>
        %mul3A_828 = arith.constant 0.00130208337 : f32
        %mul3A_829 = vector.broadcast %mul3A_828 : f32 to vector<16xf32>
        %mul3A_830 = arith.mulf %add3A_827, %mul3A_829 : vector<16xf32>
        %iota3A_831 = tpu.iota {dimensions = array<i32: 0>} : vector<16xi32>
        %xor3A_832 = arith.constant 8 : i32
        %xor3A_833 = vector.broadcast %xor3A_832 : i32 to vector<16xi32>
        %xor3A_834 = arith.xori %iota3A_831, %xor3A_833 : vector<16xi32>
        %broadcast_in_dim3A_835 = vector.shape_cast %xor3A_834 : vector<16xi32> to vector<16x1xi32>
        %gather3A_836 = vector.shape_cast %broadcast_in_dim3A_835 : vector<16x1xi32> to vector<16xi32>
        %gather3A_837 = tpu.dynamic_gather %add3A_801[%gather3A_836] in [0] : vector<16xf32>, vector<16xi32> -> vector<16xf32>
        %add3A_838 = arith.addf %add3A_801, %gather3A_837 : vector<16xf32>
        %xor3A_839 = arith.constant 4 : i32
        %xor3A_840 = vector.broadcast %xor3A_839 : i32 to vector<16xi32>
        %xor3A_841 = arith.xori %iota3A_831, %xor3A_840 : vector<16xi32>
        %broadcast_in_dim3A_842 = vector.shape_cast %xor3A_841 : vector<16xi32> to vector<16x1xi32>
        %gather3A_843 = vector.shape_cast %broadcast_in_dim3A_842 : vector<16x1xi32> to vector<16xi32>
        %gather3A_844 = tpu.dynamic_gather %add3A_838[%gather3A_843] in [0] : vector<16xf32>, vector<16xi32> -> vector<16xf32>
        %add3A_845 = arith.addf %add3A_838, %gather3A_844 : vector<16xf32>
        %xor3A_846 = arith.constant 2 : i32
        %xor3A_847 = vector.broadcast %xor3A_846 : i32 to vector<16xi32>
        %xor3A_848 = arith.xori %iota3A_831, %xor3A_847 : vector<16xi32>
        %broadcast_in_dim3A_849 = vector.shape_cast %xor3A_848 : vector<16xi32> to vector<16x1xi32>
        %gather3A_850 = vector.shape_cast %broadcast_in_dim3A_849 : vector<16x1xi32> to vector<16xi32>
        %gather3A_851 = tpu.dynamic_gather %add3A_845[%gather3A_850] in [0] : vector<16xf32>, vector<16xi32> -> vector<16xf32>
        %add3A_852 = arith.addf %add3A_845, %gather3A_851 : vector<16xf32>
        %xor3A_853 = arith.constant 1 : i32
        %xor3A_854 = vector.broadcast %xor3A_853 : i32 to vector<16xi32>
        %xor3A_855 = arith.xori %iota3A_831, %xor3A_854 : vector<16xi32>
        %broadcast_in_dim3A_856 = vector.shape_cast %xor3A_855 : vector<16xi32> to vector<16x1xi32>
        %gather3A_857 = vector.shape_cast %broadcast_in_dim3A_856 : vector<16x1xi32> to vector<16xi32>
        %gather3A_858 = tpu.dynamic_gather %add3A_852[%gather3A_857] in [0] : vector<16xf32>, vector<16xi32> -> vector<16xf32>
        %add3A_859 = arith.addf %add3A_852, %gather3A_858 : vector<16xf32>
        %mul3A_860 = arith.constant 0.00130208337 : f32
        %mul3A_861 = vector.broadcast %mul3A_860 : f32 to vector<16xf32>
        %mul3A_862 = arith.mulf %add3A_859, %mul3A_861 : vector<16xf32>
        %mul3A_863 = arith.mulf %mul3A_830, %mul3A_830 : vector<16xf32>
        %sub3A = arith.subf %mul3A_862, %mul3A_863 : vector<16xf32>
        %add3A_864 = arith.constant 9.99999996E-13 : f32
        %add3A_865 = vector.broadcast %add3A_864 : f32 to vector<16xf32>
        %add3A_866 = arith.addf %sub3A, %add3A_865 : vector<16xf32>
        %add3A_867 = arith.constant 1.000000e+00 : f32
        %add3A_868 = vector.broadcast %add3A_867 : f32 to vector<16xf32>
        %add3A_869 = arith.addf %add3A_866, %add3A_868 : vector<16xf32>
        %mul3A_870 = arith.constant 5.000000e-01 : f32
        %mul3A_871 = vector.broadcast %mul3A_870 : f32 to vector<16xf32>
        %mul3A_872 = arith.mulf %add3A_869, %mul3A_871 : vector<16xf32>
        %div3A = arith.divf %add3A_866, %mul3A_872 : vector<16xf32>
        %add3A_873 = arith.addf %mul3A_872, %div3A : vector<16xf32>
        %mul3A_874 = arith.constant 5.000000e-01 : f32
        %mul3A_875 = vector.broadcast %mul3A_874 : f32 to vector<16xf32>
        %mul3A_876 = arith.mulf %add3A_873, %mul3A_875 : vector<16xf32>
        %div3A_877 = arith.divf %add3A_866, %mul3A_876 : vector<16xf32>
        %add3A_878 = arith.addf %mul3A_876, %div3A_877 : vector<16xf32>
        %mul3A_879 = arith.constant 5.000000e-01 : f32
        %mul3A_880 = vector.broadcast %mul3A_879 : f32 to vector<16xf32>
        %mul3A_881 = arith.mulf %add3A_878, %mul3A_880 : vector<16xf32>
        %div3A_882 = arith.divf %add3A_866, %mul3A_881 : vector<16xf32>
        %add3A_883 = arith.addf %mul3A_881, %div3A_882 : vector<16xf32>
        %mul3A_884 = arith.constant 5.000000e-01 : f32
        %mul3A_885 = vector.broadcast %mul3A_884 : f32 to vector<16xf32>
        %mul3A_886 = arith.mulf %add3A_883, %mul3A_885 : vector<16xf32>
        %div3A_887 = arith.divf %add3A_866, %mul3A_886 : vector<16xf32>
        %add3A_888 = arith.addf %mul3A_886, %div3A_887 : vector<16xf32>
        %mul3A_889 = arith.constant 5.000000e-01 : f32
        %mul3A_890 = vector.broadcast %mul3A_889 : f32 to vector<16xf32>
        %mul3A_891 = arith.mulf %add3A_888, %mul3A_890 : vector<16xf32>
        %div3A_892 = arith.divf %add3A_866, %mul3A_891 : vector<16xf32>
        %add3A_893 = arith.addf %mul3A_891, %div3A_892 : vector<16xf32>
        %mul3A_894 = arith.constant 5.000000e-01 : f32
        %mul3A_895 = vector.broadcast %mul3A_894 : f32 to vector<16xf32>
        %mul3A_896 = arith.mulf %add3A_893, %mul3A_895 : vector<16xf32>
        %div3A_897 = arith.divf %add3A_866, %mul3A_896 : vector<16xf32>
        %add3A_898 = arith.addf %mul3A_896, %div3A_897 : vector<16xf32>
        %mul3A_899 = arith.constant 5.000000e-01 : f32
        %mul3A_900 = vector.broadcast %mul3A_899 : f32 to vector<16xf32>
        %mul3A_901 = arith.mulf %add3A_898, %mul3A_900 : vector<16xf32>
        %div3A_902 = arith.divf %add3A_866, %mul3A_901 : vector<16xf32>
        %add3A_903 = arith.addf %mul3A_901, %div3A_902 : vector<16xf32>
        %mul3A_904 = arith.constant 5.000000e-01 : f32
        %mul3A_905 = vector.broadcast %mul3A_904 : f32 to vector<16xf32>
        %mul3A_906 = arith.mulf %add3A_903, %mul3A_905 : vector<16xf32>
        %div3A_907 = arith.divf %add3A_866, %mul3A_906 : vector<16xf32>
        %add3A_908 = arith.addf %mul3A_906, %div3A_907 : vector<16xf32>
        %mul3A_909 = arith.constant 5.000000e-01 : f32
        %mul3A_910 = vector.broadcast %mul3A_909 : f32 to vector<16xf32>
        %mul3A_911 = arith.mulf %add3A_908, %mul3A_910 : vector<16xf32>
        %div3A_912 = arith.divf %add3A_866, %mul3A_911 : vector<16xf32>
        %add3A_913 = arith.addf %mul3A_911, %div3A_912 : vector<16xf32>
        %mul3A_914 = arith.constant 5.000000e-01 : f32
        %mul3A_915 = vector.broadcast %mul3A_914 : f32 to vector<16xf32>
        %mul3A_916 = arith.mulf %add3A_913, %mul3A_915 : vector<16xf32>
        %div3A_917 = arith.divf %add3A_866, %mul3A_916 : vector<16xf32>
        %add3A_918 = arith.addf %mul3A_916, %div3A_917 : vector<16xf32>
        %mul3A_919 = arith.constant 5.000000e-01 : f32
        %mul3A_920 = vector.broadcast %mul3A_919 : f32 to vector<16xf32>
        %mul3A_921 = arith.mulf %add3A_918, %mul3A_920 : vector<16xf32>
        %div3A_922 = arith.divf %add3A_866, %mul3A_921 : vector<16xf32>
        %add3A_923 = arith.addf %mul3A_921, %div3A_922 : vector<16xf32>
        %mul3A_924 = arith.constant 5.000000e-01 : f32
        %mul3A_925 = vector.broadcast %mul3A_924 : f32 to vector<16xf32>
        %mul3A_926 = arith.mulf %add3A_923, %mul3A_925 : vector<16xf32>
        %div3A_927 = arith.divf %add3A_866, %mul3A_926 : vector<16xf32>
        %add3A_928 = arith.addf %mul3A_926, %div3A_927 : vector<16xf32>
        %mul3A_929 = arith.constant 5.000000e-01 : f32
        %mul3A_930 = vector.broadcast %mul3A_929 : f32 to vector<16xf32>
        %mul3A_931 = arith.mulf %add3A_928, %mul3A_930 : vector<16xf32>
        %div3A_932 = arith.divf %add3A_866, %mul3A_931 : vector<16xf32>
        %add3A_933 = arith.addf %mul3A_931, %div3A_932 : vector<16xf32>
        %mul3A_934 = arith.constant 5.000000e-01 : f32
        %mul3A_935 = vector.broadcast %mul3A_934 : f32 to vector<16xf32>
        %mul3A_936 = arith.mulf %add3A_933, %mul3A_935 : vector<16xf32>
        %div3A_937 = arith.divf %add3A_866, %mul3A_936 : vector<16xf32>
        %add3A_938 = arith.addf %mul3A_936, %div3A_937 : vector<16xf32>
        %mul3A_939 = arith.constant 5.000000e-01 : f32
        %mul3A_940 = vector.broadcast %mul3A_939 : f32 to vector<16xf32>
        %mul3A_941 = arith.mulf %add3A_938, %mul3A_940 : vector<16xf32>
        %div3A_942 = arith.divf %add3A_866, %mul3A_941 : vector<16xf32>
        %add3A_943 = arith.addf %mul3A_941, %div3A_942 : vector<16xf32>
        %mul3A_944 = arith.constant 5.000000e-01 : f32
        %mul3A_945 = vector.broadcast %mul3A_944 : f32 to vector<16xf32>
        %mul3A_946 = arith.mulf %add3A_943, %mul3A_945 : vector<16xf32>
        %div3A_947 = arith.divf %add3A_866, %mul3A_946 : vector<16xf32>
        %add3A_948 = arith.addf %mul3A_946, %div3A_947 : vector<16xf32>
        %mul3A_949 = arith.constant 5.000000e-01 : f32
        %mul3A_950 = vector.broadcast %mul3A_949 : f32 to vector<16xf32>
        %mul3A_951 = arith.mulf %add3A_948, %mul3A_950 : vector<16xf32>
        %div3A_952 = arith.divf %add3A_866, %mul3A_951 : vector<16xf32>
        %add3A_953 = arith.addf %mul3A_951, %div3A_952 : vector<16xf32>
        %mul3A_954 = arith.constant 5.000000e-01 : f32
        %mul3A_955 = vector.broadcast %mul3A_954 : f32 to vector<16xf32>
        %mul3A_956 = arith.mulf %add3A_953, %mul3A_955 : vector<16xf32>
        %div3A_957 = arith.divf %add3A_866, %mul3A_956 : vector<16xf32>
        %add3A_958 = arith.addf %mul3A_956, %div3A_957 : vector<16xf32>
        %mul3A_959 = arith.constant 5.000000e-01 : f32
        %mul3A_960 = vector.broadcast %mul3A_959 : f32 to vector<16xf32>
        %mul3A_961 = arith.mulf %add3A_958, %mul3A_960 : vector<16xf32>
        %div3A_962 = arith.divf %add3A_866, %mul3A_961 : vector<16xf32>
        %add3A_963 = arith.addf %mul3A_961, %div3A_962 : vector<16xf32>
        %mul3A_964 = arith.constant 5.000000e-01 : f32
        %mul3A_965 = vector.broadcast %mul3A_964 : f32 to vector<16xf32>
        %mul3A_966 = arith.mulf %add3A_963, %mul3A_965 : vector<16xf32>
        %div3A_967 = arith.divf %add3A_866, %mul3A_966 : vector<16xf32>
        %add3A_968 = arith.addf %mul3A_966, %div3A_967 : vector<16xf32>
        %mul3A_969 = arith.constant 5.000000e-01 : f32
        %mul3A_970 = vector.broadcast %mul3A_969 : f32 to vector<16xf32>
        %mul3A_971 = arith.mulf %add3A_968, %mul3A_970 : vector<16xf32>
        %div3A_972 = arith.divf %add3A_866, %mul3A_971 : vector<16xf32>
        %add3A_973 = arith.addf %mul3A_971, %div3A_972 : vector<16xf32>
        %mul3A_974 = arith.constant 5.000000e-01 : f32
        %mul3A_975 = vector.broadcast %mul3A_974 : f32 to vector<16xf32>
        %mul3A_976 = arith.mulf %add3A_973, %mul3A_975 : vector<16xf32>
        %div3A_977 = arith.divf %add3A_866, %mul3A_976 : vector<16xf32>
        %add3A_978 = arith.addf %mul3A_976, %div3A_977 : vector<16xf32>
        %mul3A_979 = arith.constant 5.000000e-01 : f32
        %mul3A_980 = vector.broadcast %mul3A_979 : f32 to vector<16xf32>
        %mul3A_981 = arith.mulf %add3A_978, %mul3A_980 : vector<16xf32>
        %div3A_982 = arith.divf %add3A_866, %mul3A_981 : vector<16xf32>
        %add3A_983 = arith.addf %mul3A_981, %div3A_982 : vector<16xf32>
        %mul3A_984 = arith.constant 5.000000e-01 : f32
        %mul3A_985 = vector.broadcast %mul3A_984 : f32 to vector<16xf32>
        %mul3A_986 = arith.mulf %add3A_983, %mul3A_985 : vector<16xf32>
        %div3A_987 = arith.divf %add3A_866, %mul3A_986 : vector<16xf32>
        %add3A_988 = arith.addf %mul3A_986, %div3A_987 : vector<16xf32>
        %mul3A_989 = arith.constant 5.000000e-01 : f32
        %mul3A_990 = vector.broadcast %mul3A_989 : f32 to vector<16xf32>
        %mul3A_991 = arith.mulf %add3A_988, %mul3A_990 : vector<16xf32>
        %div3A_992 = arith.divf %add3A_866, %mul3A_991 : vector<16xf32>
        %add3A_993 = arith.addf %mul3A_991, %div3A_992 : vector<16xf32>
        %mul3A_994 = arith.constant 5.000000e-01 : f32
        %mul3A_995 = vector.broadcast %mul3A_994 : f32 to vector<16xf32>
        %mul3A_996 = arith.mulf %add3A_993, %mul3A_995 : vector<16xf32>
        %div3A_997 = arith.divf %add3A_866, %mul3A_996 : vector<16xf32>
        %add3A_998 = arith.addf %mul3A_996, %div3A_997 : vector<16xf32>
        %mul3A_999 = arith.constant 5.000000e-01 : f32
        %mul3A_1000 = vector.broadcast %mul3A_999 : f32 to vector<16xf32>
        %mul3A_1001 = arith.mulf %add3A_998, %mul3A_1000 : vector<16xf32>
        %div3A_1002 = arith.constant 1.000000e+00 : f32
        %div3A_1003 = vector.broadcast %div3A_1002 : f32 to vector<16xf32>
        %div3A_1004 = arith.divf %div3A_1003, %mul3A_1001 : vector<16xf32>
        %add3A_1005 = arith.constant 0 : i32
        %add3A_1006 = arith.addi %mul3A_32, %add3A_1005 : i32
        %get3A_1007 = arith.index_cast %add3A_1006 : i32 to index
        %get3A_1008 = tpu.vector_load %arg7[%get3A_1007] {strides = array<i32>} : memref<49152xf32, #tpu.memory_space<vmem>>, vector<16xf32>,
        %get3A_1009 = vector.shape_cast %get3A_1008 : vector<16xf32> to vector<16xf32>
        %sub3A_1010 = arith.subf %get3A_1009, %mul3A_830 : vector<16xf32>
        %get3A_1011 = arith.constant 0 : index
        %get3A_1012 = tpu.vector_load %arg9[%get3A_1011] {strides = array<i32>} : memref<768xf32, #tpu.memory_space<vmem>>, vector<16xf32>,
        %get3A_1013 = vector.shape_cast %get3A_1012 : vector<16xf32> to vector<16xf32>
        %mul3A_1014 = arith.mulf %div3A_1004, %get3A_1013 : vector<16xf32>
        %mul3A_1015 = arith.mulf %sub3A_1010, %mul3A_1014 : vector<16xf32>
        %get3A_1016 = arith.constant 0 : index
        %get3A_1017 = tpu.vector_load %arg10[%get3A_1016] {strides = array<i32>} : memref<768xf32, #tpu.memory_space<vmem>>, vector<16xf32>,
        %get3A_1018 = vector.shape_cast %get3A_1017 : vector<16xf32> to vector<16xf32>
        %add3A_1019 = arith.addf %mul3A_1015, %get3A_1018 : vector<16xf32>
        %swap3A_1020 = arith.index_cast %add3A_1006 : i32 to index
        %swap3A_1021 = tpu.vector_load %arg7[%swap3A_1020] {strides = array<i32>} : memref<49152xf32, #tpu.memory_space<vmem>>, vector<16xf32>,
        %swap3A_1022 = vector.shape_cast %swap3A_1021 : vector<16xf32> to vector<16xf32>
        %swap3A_1023 = vector.shape_cast %add3A_1019 : vector<16xf32> to vector<16xf32>
        tpu.vector_store %arg7[%swap3A_1020], %swap3A_1023 {strides = array<i32>} : memref<49152xf32, #tpu.memory_space<vmem>>, vector<16xf32>,
        %add3A_1024 = arith.constant 16 : i32
        %add3A_1025 = arith.addi %mul3A_32, %add3A_1024 : i32
        %get3A_1026 = arith.index_cast %add3A_1025 : i32 to index
        %get3A_1027 = tpu.vector_load %arg7[%get3A_1026] {strides = array<i32>} : memref<49152xf32, #tpu.memory_space<vmem>>, vector<16xf32>,
        %get3A_1028 = vector.shape_cast %get3A_1027 : vector<16xf32> to vector<16xf32>
        %sub3A_1029 = arith.subf %get3A_1028, %mul3A_830 : vector<16xf32>
        %get3A_1030 = arith.constant 16 : index
        %get3A_1031 = tpu.vector_load %arg9[%get3A_1030] {strides = array<i32>} : memref<768xf32, #tpu.memory_space<vmem>>, vector<16xf32>,
        %get3A_1032 = vector.shape_cast %get3A_1031 : vector<16xf32> to vector<16xf32>
        %mul3A_1033 = arith.mulf %div3A_1004, %get3A_1032 : vector<16xf32>
        %mul3A_1034 = arith.mulf %sub3A_1029, %mul3A_1033 : vector<16xf32>
        %get3A_1035 = arith.constant 16 : index
        %get3A_1036 = tpu.vector_load %arg10[%get3A_1035] {strides = array<i32>} : memref<768xf32, #tpu.memory_space<vmem>>, vector<16xf32>,
        %get3A_1037 = vector.shape_cast %get3A_1036 : vector<16xf32> to vector<16xf32>
        %add3A_1038 = arith.addf %mul3A_1034, %get3A_1037 : vector<16xf32>
        %swap3A_1039 = arith.index_cast %add3A_1025 : i32 to index
        %swap3A_1040 = tpu.vector_load %arg7[%swap3A_1039] {strides = array<i32>} : memref<49152xf32, #tpu.memory_space<vmem>>, vector<16xf32>,
        %swap3A_1041 = vector.shape_cast %swap3A_1040 : vector<16xf32> to vector<16xf32>
        %swap3A_1042 = vector.shape_cast %add3A_1038 : vector<16xf32> to vector<16xf32>
        tpu.vector_store %arg7[%swap3A_1039], %swap3A_1042 {strides = array<i32>} : memref<49152xf32, #tpu.memory_space<vmem>>, vector<16xf32>,
        %add3A_1043 = arith.constant 32 : i32
        %add3A_1044 = arith.addi %mul3A_32, %add3A_1043 : i32
        %get3A_1045 = arith.index_cast %add3A_1044 : i32 to index
        %get3A_1046 = tpu.vector_load %arg7[%get3A_1045] {strides = array<i32>} : memref<49152xf32, #tpu.memory_space<vmem>>, vector<16xf32>,
        %get3A_1047 = vector.shape_cast %get3A_1046 : vector<16xf32> to vector<16xf32>
        %sub3A_1048 = arith.subf %get3A_1047, %mul3A_830 : vector<16xf32>
        %get3A_1049 = arith.constant 32 : index
        %get3A_1050 = tpu.vector_load %arg9[%get3A_1049] {strides = array<i32>} : memref<768xf32, #tpu.memory_space<vmem>>, vector<16xf32>,
        %get3A_1051 = vector.shape_cast %get3A_1050 : vector<16xf32> to vector<16xf32>
        %mul3A_1052 = arith.mulf %div3A_1004, %get3A_1051 : vector<16xf32>
        %mul3A_1053 = arith.mulf %sub3A_1048, %mul3A_1052 : vector<16xf32>
        %get3A_1054 = arith.constant 32 : index
        %get3A_1055 = tpu.vector_load %arg10[%get3A_1054] {strides = array<i32>} : memref<768xf32, #tpu.memory_space<vmem>>, vector<16xf32>,
        %get3A_1056 = vector.shape_cast %get3A_1055 : vector<16xf32> to vector<16xf32>
        %add3A_1057 = arith.addf %mul3A_1053, %get3A_1056 : vector<16xf32>
        %swap3A_1058 = arith.index_cast %add3A_1044 : i32 to index
        %swap3A_1059 = tpu.vector_load %arg7[%swap3A_1058] {strides = array<i32>} : memref<49152xf32, #tpu.memory_space<vmem>>, vector<16xf32>,
        %swap3A_1060 = vector.shape_cast %swap3A_1059 : vector<16xf32> to vector<16xf32>
        %swap3A_1061 = vector.shape_cast %add3A_1057 : vector<16xf32> to vector<16xf32>
        tpu.vector_store %arg7[%swap3A_1058], %swap3A_1061 {strides = array<i32>} : memref<49152xf32, #tpu.memory_space<vmem>>, vector<16xf32>,
        %add3A_1062 = arith.constant 48 : i32
        %add3A_1063 = arith.addi %mul3A_32, %add3A_1062 : i32
        %get3A_1064 = arith.index_cast %add3A_1063 : i32 to index
        %get3A_1065 = tpu.vector_load %arg7[%get3A_1064] {strides = array<i32>} : memref<49152xf32, #tpu.memory_space<vmem>>, vector<16xf32>,
        %get3A_1066 = vector.shape_cast %get3A_1065 : vector<16xf32> to vector<16xf32>
        %sub3A_1067 = arith.subf %get3A_1066, %mul3A_830 : vector<16xf32>
        %get3A_1068 = arith.constant 48 : index
        %get3A_1069 = tpu.vector_load %arg9[%get3A_1068] {strides = array<i32>} : memref<768xf32, #tpu.memory_space<vmem>>, vector<16xf32>,
        %get3A_1070 = vector.shape_cast %get3A_1069 : vector<16xf32> to vector<16xf32>
        %mul3A_1071 = arith.mulf %div3A_1004, %get3A_1070 : vector<16xf32>
        %mul3A_1072 = arith.mulf %sub3A_1067, %mul3A_1071 : vector<16xf32>
        %get3A_1073 = arith.constant 48 : index
        %get3A_1074 = tpu.vector_load %arg10[%get3A_1073] {strides = array<i32>} : memref<768xf32, #tpu.memory_space<vmem>>, vector<16xf32>,
        %get3A_1075 = vector.shape_cast %get3A_1074 : vector<16xf32> to vector<16xf32>
        %add3A_1076 = arith.addf %mul3A_1072, %get3A_1075 : vector<16xf32>
        %swap3A_1077 = arith.index_cast %add3A_1063 : i32 to index
        %swap3A_1078 = tpu.vector_load %arg7[%swap3A_1077] {strides = array<i32>} : memref<49152xf32, #tpu.memory_space<vmem>>, vector<16xf32>,
        %swap3A_1079 = vector.shape_cast %swap3A_1078 : vector<16xf32> to vector<16xf32>
        %swap3A_1080 = vector.shape_cast %add3A_1076 : vector<16xf32> to vector<16xf32>
        tpu.vector_store %arg7[%swap3A_1077], %swap3A_1080 {strides = array<i32>} : memref<49152xf32, #tpu.memory_space<vmem>>, vector<16xf32>,
        %add3A_1081 = arith.constant 64 : i32
        %add3A_1082 = arith.addi %mul3A_32, %add3A_1081 : i32
        %get3A_1083 = arith.index_cast %add3A_1082 : i32 to index
        %get3A_1084 = tpu.vector_load %arg7[%get3A_1083] {strides = array<i32>} : memref<49152xf32, #tpu.memory_space<vmem>>, vector<16xf32>,
        %get3A_1085 = vector.shape_cast %get3A_1084 : vector<16xf32> to vector<16xf32>
        %sub3A_1086 = arith.subf %get3A_1085, %mul3A_830 : vector<16xf32>
        %get3A_1087 = arith.constant 64 : index
        %get3A_1088 = tpu.vector_load %arg9[%get3A_1087] {strides = array<i32>} : memref<768xf32, #tpu.memory_space<vmem>>, vector<16xf32>,
        %get3A_1089 = vector.shape_cast %get3A_1088 : vector<16xf32> to vector<16xf32>
        %mul3A_1090 = arith.mulf %div3A_1004, %get3A_1089 : vector<16xf32>
        %mul3A_1091 = arith.mulf %sub3A_1086, %mul3A_1090 : vector<16xf32>
        %get3A_1092 = arith.constant 64 : index
        %get3A_1093 = tpu.vector_load %arg10[%get3A_1092] {strides = array<i32>} : memref<768xf32, #tpu.memory_space<vmem>>, vector<16xf32>,
        %get3A_1094 = vector.shape_cast %get3A_1093 : vector<16xf32> to vector<16xf32>
        %add3A_1095 = arith.addf %mul3A_1091, %get3A_1094 : vector<16xf32>
        %swap3A_1096 = arith.index_cast %add3A_1082 : i32 to index
        %swap3A_1097 = tpu.vector_load %arg7[%swap3A_1096] {strides = array<i32>} : memref<49152xf32, #tpu.memory_space<vmem>>, vector<16xf32>,
        %swap3A_1098 = vector.shape_cast %swap3A_1097 : vector<16xf32> to vector<16xf32>
        %swap3A_1099 = vector.shape_cast %add3A_1095 : vector<16xf32> to vector<16xf32>
        tpu.vector_store %arg7[%swap3A_1096], %swap3A_1099 {strides = array<i32>} : memref<49152xf32, #tpu.memory_space<vmem>>, vector<16xf32>,
        %add3A_1100 = arith.constant 80 : i32
        %add3A_1101 = arith.addi %mul3A_32, %add3A_1100 : i32
        %get3A_1102 = arith.index_cast %add3A_1101 : i32 to index
        %get3A_1103 = tpu.vector_load %arg7[%get3A_1102] {strides = array<i32>} : memref<49152xf32, #tpu.memory_space<vmem>>, vector<16xf32>,
        %get3A_1104 = vector.shape_cast %get3A_1103 : vector<16xf32> to vector<16xf32>
        %sub3A_1105 = arith.subf %get3A_1104, %mul3A_830 : vector<16xf32>
        %get3A_1106 = arith.constant 80 : index
        %get3A_1107 = tpu.vector_load %arg9[%get3A_1106] {strides = array<i32>} : memref<768xf32, #tpu.memory_space<vmem>>, vector<16xf32>,
        %get3A_1108 = vector.shape_cast %get3A_1107 : vector<16xf32> to vector<16xf32>
        %mul3A_1109 = arith.mulf %div3A_1004, %get3A_1108 : vector<16xf32>
        %mul3A_1110 = arith.mulf %sub3A_1105, %mul3A_1109 : vector<16xf32>
        %get3A_1111 = arith.constant 80 : index
        %get3A_1112 = tpu.vector_load %arg10[%get3A_1111] {strides = array<i32>} : memref<768xf32, #tpu.memory_space<vmem>>, vector<16xf32>,
        %get3A_1113 = vector.shape_cast %get3A_1112 : vector<16xf32> to vector<16xf32>
        %add3A_1114 = arith.addf %mul3A_1110, %get3A_1113 : vector<16xf32>
        %swap3A_1115 = arith.index_cast %add3A_1101 : i32 to index
        %swap3A_1116 = tpu.vector_load %arg7[%swap3A_1115] {strides = array<i32>} : memref<49152xf32, #tpu.memory_space<vmem>>, vector<16xf32>,
        %swap3A_1117 = vector.shape_cast %swap3A_1116 : vector<16xf32> to vector<16xf32>
        %swap3A_1118 = vector.shape_cast %add3A_1114 : vector<16xf32> to vector<16xf32>
        tpu.vector_store %arg7[%swap3A_1115], %swap3A_1118 {strides = array<i32>} : memref<49152xf32, #tpu.memory_space<vmem>>, vector<16xf32>,
        %add3A_1119 = arith.constant 96 : i32
        %add3A_1120 = arith.addi %mul3A_32, %add3A_1119 : i32
        %get3A_1121 = arith.index_cast %add3A_1120 : i32 to index
        %get3A_1122 = tpu.vector_load %arg7[%get3A_1121] {strides = array<i32>} : memref<49152xf32, #tpu.memory_space<vmem>>, vector<16xf32>,
        %get3A_1123 = vector.shape_cast %get3A_1122 : vector<16xf32> to vector<16xf32>
        %sub3A_1124 = arith.subf %get3A_1123, %mul3A_830 : vector<16xf32>
        %get3A_1125 = arith.constant 96 : index
        %get3A_1126 = tpu.vector_load %arg9[%get3A_1125] {strides = array<i32>} : memref<768xf32, #tpu.memory_space<vmem>>, vector<16xf32>,
        %get3A_1127 = vector.shape_cast %get3A_1126 : vector<16xf32> to vector<16xf32>
        %mul3A_1128 = arith.mulf %div3A_1004, %get3A_1127 : vector<16xf32>
        %mul3A_1129 = arith.mulf %sub3A_1124, %mul3A_1128 : vector<16xf32>
        %get3A_1130 = arith.constant 96 : index
        %get3A_1131 = tpu.vector_load %arg10[%get3A_1130] {strides = array<i32>} : memref<768xf32, #tpu.memory_space<vmem>>, vector<16xf32>,
        %get3A_1132 = vector.shape_cast %get3A_1131 : vector<16xf32> to vector<16xf32>
        %add3A_1133 = arith.addf %mul3A_1129, %get3A_1132 : vector<16xf32>
        %swap3A_1134 = arith.index_cast %add3A_1120 : i32 to index
        %swap3A_1135 = tpu.vector_load %arg7[%swap3A_1134] {strides = array<i32>} : memref<49152xf32, #tpu.memory_space<vmem>>, vector<16xf32>,
        %swap3A_1136 = vector.shape_cast %swap3A_1135 : vector<16xf32> to vector<16xf32>
        %swap3A_1137 = vector.shape_cast %add3A_1133 : vector<16xf32> to vector<16xf32>
        tpu.vector_store %arg7[%swap3A_1134], %swap3A_1137 {strides = array<i32>} : memref<49152xf32, #tpu.memory_space<vmem>>, vector<16xf32>,
        %add3A_1138 = arith.constant 112 : i32
        %add3A_1139 = arith.addi %mul3A_32, %add3A_1138 : i32
        %get3A_1140 = arith.index_cast %add3A_1139 : i32 to index
        %get3A_1141 = tpu.vector_load %arg7[%get3A_1140] {strides = array<i32>} : memref<49152xf32, #tpu.memory_space<vmem>>, vector<16xf32>,
        %get3A_1142 = vector.shape_cast %get3A_1141 : vector<16xf32> to vector<16xf32>
        %sub3A_1143 = arith.subf %get3A_1142, %mul3A_830 : vector<16xf32>
        %get3A_1144 = arith.constant 112 : index
        %get3A_1145 = tpu.vector_load %arg9[%get3A_1144] {strides = array<i32>} : memref<768xf32, #tpu.memory_space<vmem>>, vector<16xf32>,
        %get3A_1146 = vector.shape_cast %get3A_1145 : vector<16xf32> to vector<16xf32>
        %mul3A_1147 = arith.mulf %div3A_1004, %get3A_1146 : vector<16xf32>
        %mul3A_1148 = arith.mulf %sub3A_1143, %mul3A_1147 : vector<16xf32>
        %get3A_1149 = arith.constant 112 : index
        %get3A_1150 = tpu.vector_load %arg10[%get3A_1149] {strides = array<i32>} : memref<768xf32, #tpu.memory_space<vmem>>, vector<16xf32>,
        %get3A_1151 = vector.shape_cast %get3A_1150 : vector<16xf32> to vector<16xf32>
        %add3A_1152 = arith.addf %mul3A_1148, %get3A_1151 : vector<16xf32>
        %swap3A_1153 = arith.index_cast %add3A_1139 : i32 to index
        %swap3A_1154 = tpu.vector_load %arg7[%swap3A_1153] {strides = array<i32>} : memref<49152xf32, #tpu.memory_space<vmem>>, vector<16xf32>,
        %swap3A_1155 = vector.shape_cast %swap3A_1154 : vector<16xf32> to vector<16xf32>
        %swap3A_1156 = vector.shape_cast %add3A_1152 : vector<16xf32> to vector<16xf32>
        tpu.vector_store %arg7[%swap3A_1153], %swap3A_1156 {strides = array<i32>} : memref<49152xf32, #tpu.memory_space<vmem>>, vector<16xf32>,
        %add3A_1157 = arith.constant 128 : i32
        %add3A_1158 = arith.addi %mul3A_32, %add3A_1157 : i32
        %get3A_1159 = arith.index_cast %add3A_1158 : i32 to index
        %get3A_1160 = tpu.vector_load %arg7[%get3A_1159] {strides = array<i32>} : memref<49152xf32, #tpu.memory_space<vmem>>, vector<16xf32>,
        %get3A_1161 = vector.shape_cast %get3A_1160 : vector<16xf32> to vector<16xf32>
        %sub3A_1162 = arith.subf %get3A_1161, %mul3A_830 : vector<16xf32>
        %get3A_1163 = arith.constant 128 : index
        %get3A_1164 = tpu.vector_load %arg9[%get3A_1163] {strides = array<i32>} : memref<768xf32, #tpu.memory_space<vmem>>, vector<16xf32>,
        %get3A_1165 = vector.shape_cast %get3A_1164 : vector<16xf32> to vector<16xf32>
        %mul3A_1166 = arith.mulf %div3A_1004, %get3A_1165 : vector<16xf32>
        %mul3A_1167 = arith.mulf %sub3A_1162, %mul3A_1166 : vector<16xf32>
        %get3A_1168 = arith.constant 128 : index
        %get3A_1169 = tpu.vector_load %arg10[%get3A_1168] {strides = array<i32>} : memref<768xf32, #tpu.memory_space<vmem>>, vector<16xf32>,
        %get3A_1170 = vector.shape_cast %get3A_1169 : vector<16xf32> to vector<16xf32>
        %add3A_1171 = arith.addf %mul3A_1167, %get3A_1170 : vector<16xf32>
        %swap3A_1172 = arith.index_cast %add3A_1158 : i32 to index
        %swap3A_1173 = tpu.vector_load %arg7[%swap3A_1172] {strides = array<i32>} : memref<49152xf32, #tpu.memory_space<vmem>>, vector<16xf32>,
        %swap3A_1174 = vector.shape_cast %swap3A_1173 : vector<16xf32> to vector<16xf32>
        %swap3A_1175 = vector.shape_cast %add3A_1171 : vector<16xf32> to vector<16xf32>
        tpu.vector_store %arg7[%swap3A_1172], %swap3A_1175 {strides = array<i32>} : memref<49152xf32, #tpu.memory_space<vmem>>, vector<16xf32>,
        %add3A_1176 = arith.constant 144 : i32
        %add3A_1177 = arith.addi %mul3A_32, %add3A_1176 : i32
        %get3A_1178 = arith.index_cast %add3A_1177 : i32 to index
        %get3A_1179 = tpu.vector_load %arg7[%get3A_1178] {strides = array<i32>} : memref<49152xf32, #tpu.memory_space<vmem>>, vector<16xf32>,
        %get3A_1180 = vector.shape_cast %get3A_1179 : vector<16xf32> to vector<16xf32>
        %sub3A_1181 = arith.subf %get3A_1180, %mul3A_830 : vector<16xf32>
        %get3A_1182 = arith.constant 144 : index
        %get3A_1183 = tpu.vector_load %arg9[%get3A_1182] {strides = array<i32>} : memref<768xf32, #tpu.memory_space<vmem>>, vector<16xf32>,
        %get3A_1184 = vector.shape_cast %get3A_1183 : vector<16xf32> to vector<16xf32>
        %mul3A_1185 = arith.mulf %div3A_1004, %get3A_1184 : vector<16xf32>
        %mul3A_1186 = arith.mulf %sub3A_1181, %mul3A_1185 : vector<16xf32>
        %get3A_1187 = arith.constant 144 : index
        %get3A_1188 = tpu.vector_load %arg10[%get3A_1187] {strides = array<i32>} : memref<768xf32, #tpu.memory_space<vmem>>, vector<16xf32>,
        %get3A_1189 = vector.shape_cast %get3A_1188 : vector<16xf32> to vector<16xf32>
        %add3A_1190 = arith.addf %mul3A_1186, %get3A_1189 : vector<16xf32>
        %swap3A_1191 = arith.index_cast %add3A_1177 : i32 to index
        %swap3A_1192 = tpu.vector_load %arg7[%swap3A_1191] {strides = array<i32>} : memref<49152xf32, #tpu.memory_space<vmem>>, vector<16xf32>,
        %swap3A_1193 = vector.shape_cast %swap3A_1192 : vector<16xf32> to vector<16xf32>
        %swap3A_1194 = vector.shape_cast %add3A_1190 : vector<16xf32> to vector<16xf32>
        tpu.vector_store %arg7[%swap3A_1191], %swap3A_1194 {strides = array<i32>} : memref<49152xf32, #tpu.memory_space<vmem>>, vector<16xf32>,
        %add3A_1195 = arith.constant 160 : i32
        %add3A_1196 = arith.addi %mul3A_32, %add3A_1195 : i32
        %get3A_1197 = arith.index_cast %add3A_1196 : i32 to index
        %get3A_1198 = tpu.vector_load %arg7[%get3A_1197] {strides = array<i32>} : memref<49152xf32, #tpu.memory_space<vmem>>, vector<16xf32>,
        %get3A_1199 = vector.shape_cast %get3A_1198 : vector<16xf32> to vector<16xf32>
        %sub3A_1200 = arith.subf %get3A_1199, %mul3A_830 : vector<16xf32>
        %get3A_1201 = arith.constant 160 : index
        %get3A_1202 = tpu.vector_load %arg9[%get3A_1201] {strides = array<i32>} : memref<768xf32, #tpu.memory_space<vmem>>, vector<16xf32>,
        %get3A_1203 = vector.shape_cast %get3A_1202 : vector<16xf32> to vector<16xf32>
        %mul3A_1204 = arith.mulf %div3A_1004, %get3A_1203 : vector<16xf32>
        %mul3A_1205 = arith.mulf %sub3A_1200, %mul3A_1204 : vector<16xf32>
        %get3A_1206 = arith.constant 160 : index
        %get3A_1207 = tpu.vector_load %arg10[%get3A_1206] {strides = array<i32>} : memref<768xf32, #tpu.memory_space<vmem>>, vector<16xf32>,
        %get3A_1208 = vector.shape_cast %get3A_1207 : vector<16xf32> to vector<16xf32>
        %add3A_1209 = arith.addf %mul3A_1205, %get3A_1208 : vector<16xf32>
        %swap3A_1210 = arith.index_cast %add3A_1196 : i32 to index
        %swap3A_1211 = tpu.vector_load %arg7[%swap3A_1210] {strides = array<i32>} : memref<49152xf32, #tpu.memory_space<vmem>>, vector<16xf32>,
        %swap3A_1212 = vector.shape_cast %swap3A_1211 : vector<16xf32> to vector<16xf32>
        %swap3A_1213 = vector.shape_cast %add3A_1209 : vector<16xf32> to vector<16xf32>
        tpu.vector_store %arg7[%swap3A_1210], %swap3A_1213 {strides = array<i32>} : memref<49152xf32, #tpu.memory_space<vmem>>, vector<16xf32>,
        %add3A_1214 = arith.constant 176 : i32
        %add3A_1215 = arith.addi %mul3A_32, %add3A_1214 : i32
        %get3A_1216 = arith.index_cast %add3A_1215 : i32 to index
        %get3A_1217 = tpu.vector_load %arg7[%get3A_1216] {strides = array<i32>} : memref<49152xf32, #tpu.memory_space<vmem>>, vector<16xf32>,
        %get3A_1218 = vector.shape_cast %get3A_1217 : vector<16xf32> to vector<16xf32>
        %sub3A_1219 = arith.subf %get3A_1218, %mul3A_830 : vector<16xf32>
        %get3A_1220 = arith.constant 176 : index
        %get3A_1221 = tpu.vector_load %arg9[%get3A_1220] {strides = array<i32>} : memref<768xf32, #tpu.memory_space<vmem>>, vector<16xf32>,
        %get3A_1222 = vector.shape_cast %get3A_1221 : vector<16xf32> to vector<16xf32>
        %mul3A_1223 = arith.mulf %div3A_1004, %get3A_1222 : vector<16xf32>
        %mul3A_1224 = arith.mulf %sub3A_1219, %mul3A_1223 : vector<16xf32>
        %get3A_1225 = arith.constant 176 : index
        %get3A_1226 = tpu.vector_load %arg10[%get3A_1225] {strides = array<i32>} : memref<768xf32, #tpu.memory_space<vmem>>, vector<16xf32>,
        %get3A_1227 = vector.shape_cast %get3A_1226 : vector<16xf32> to vector<16xf32>
        %add3A_1228 = arith.addf %mul3A_1224, %get3A_1227 : vector<16xf32>
        %swap3A_1229 = arith.index_cast %add3A_1215 : i32 to index
        %swap3A_1230 = tpu.vector_load %arg7[%swap3A_1229] {strides = array<i32>} : memref<49152xf32, #tpu.memory_space<vmem>>, vector<16xf32>,
        %swap3A_1231 = vector.shape_cast %swap3A_1230 : vector<16xf32> to vector<16xf32>
        %swap3A_1232 = vector.shape_cast %add3A_1228 : vector<16xf32> to vector<16xf32>
        tpu.vector_store %arg7[%swap3A_1229], %swap3A_1232 {strides = array<i32>} : memref<49152xf32, #tpu.memory_space<vmem>>, vector<16xf32>,
        %add3A_1233 = arith.constant 192 : i32
        %add3A_1234 = arith.addi %mul3A_32, %add3A_1233 : i32
        %get3A_1235 = arith.index_cast %add3A_1234 : i32 to index
        %get3A_1236 = tpu.vector_load %arg7[%get3A_1235] {strides = array<i32>} : memref<49152xf32, #tpu.memory_space<vmem>>, vector<16xf32>,
        %get3A_1237 = vector.shape_cast %get3A_1236 : vector<16xf32> to vector<16xf32>
        %sub3A_1238 = arith.subf %get3A_1237, %mul3A_830 : vector<16xf32>
        %get3A_1239 = arith.constant 192 : index
        %get3A_1240 = tpu.vector_load %arg9[%get3A_1239] {strides = array<i32>} : memref<768xf32, #tpu.memory_space<vmem>>, vector<16xf32>,
        %get3A_1241 = vector.shape_cast %get3A_1240 : vector<16xf32> to vector<16xf32>
        %mul3A_1242 = arith.mulf %div3A_1004, %get3A_1241 : vector<16xf32>
        %mul3A_1243 = arith.mulf %sub3A_1238, %mul3A_1242 : vector<16xf32>
        %get3A_1244 = arith.constant 192 : index
        %get3A_1245 = tpu.vector_load %arg10[%get3A_1244] {strides = array<i32>} : memref<768xf32, #tpu.memory_space<vmem>>, vector<16xf32>,
        %get3A_1246 = vector.shape_cast %get3A_1245 : vector<16xf32> to vector<16xf32>
        %add3A_1247 = arith.addf %mul3A_1243, %get3A_1246 : vector<16xf32>
        %swap3A_1248 = arith.index_cast %add3A_1234 : i32 to index
        %swap3A_1249 = tpu.vector_load %arg7[%swap3A_1248] {strides = array<i32>} : memref<49152xf32, #tpu.memory_space<vmem>>, vector<16xf32>,
        %swap3A_1250 = vector.shape_cast %swap3A_1249 : vector<16xf32> to vector<16xf32>
        %swap3A_1251 = vector.shape_cast %add3A_1247 : vector<16xf32> to vector<16xf32>
        tpu.vector_store %arg7[%swap3A_1248], %swap3A_1251 {strides = array<i32>} : memref<49152xf32, #tpu.memory_space<vmem>>, vector<16xf32>,
        %add3A_1252 = arith.constant 208 : i32
        %add3A_1253 = arith.addi %mul3A_32, %add3A_1252 : i32
        %get3A_1254 = arith.index_cast %add3A_1253 : i32 to index
        %get3A_1255 = tpu.vector_load %arg7[%get3A_1254] {strides = array<i32>} : memref<49152xf32, #tpu.memory_space<vmem>>, vector<16xf32>,
        %get3A_1256 = vector.shape_cast %get3A_1255 : vector<16xf32> to vector<16xf32>
        %sub3A_1257 = arith.subf %get3A_1256, %mul3A_830 : vector<16xf32>
        %get3A_1258 = arith.constant 208 : index
        %get3A_1259 = tpu.vector_load %arg9[%get3A_1258] {strides = array<i32>} : memref<768xf32, #tpu.memory_space<vmem>>, vector<16xf32>,
        %get3A_1260 = vector.shape_cast %get3A_1259 : vector<16xf32> to vector<16xf32>
        %mul3A_1261 = arith.mulf %div3A_1004, %get3A_1260 : vector<16xf32>
        %mul3A_1262 = arith.mulf %sub3A_1257, %mul3A_1261 : vector<16xf32>
        %get3A_1263 = arith.constant 208 : index
        %get3A_1264 = tpu.vector_load %arg10[%get3A_1263] {strides = array<i32>} : memref<768xf32, #tpu.memory_space<vmem>>, vector<16xf32>,
        %get3A_1265 = vector.shape_cast %get3A_1264 : vector<16xf32> to vector<16xf32>
        %add3A_1266 = arith.addf %mul3A_1262, %get3A_1265 : vector<16xf32>
        %swap3A_1267 = arith.index_cast %add3A_1253 : i32 to index
        %swap3A_1268 = tpu.vector_load %arg7[%swap3A_1267] {strides = array<i32>} : memref<49152xf32, #tpu.memory_space<vmem>>, vector<16xf32>,
        %swap3A_1269 = vector.shape_cast %swap3A_1268 : vector<16xf32> to vector<16xf32>
        %swap3A_1270 = vector.shape_cast %add3A_1266 : vector<16xf32> to vector<16xf32>
        tpu.vector_store %arg7[%swap3A_1267], %swap3A_1270 {strides = array<i32>} : memref<49152xf32, #tpu.memory_space<vmem>>, vector<16xf32>,
        %add3A_1271 = arith.constant 224 : i32
        %add3A_1272 = arith.addi %mul3A_32, %add3A_1271 : i32
        %get3A_1273 = arith.index_cast %add3A_1272 : i32 to index
        %get3A_1274 = tpu.vector_load %arg7[%get3A_1273] {strides = array<i32>} : memref<49152xf32, #tpu.memory_space<vmem>>, vector<16xf32>,
        %get3A_1275 = vector.shape_cast %get3A_1274 : vector<16xf32> to vector<16xf32>
        %sub3A_1276 = arith.subf %get3A_1275, %mul3A_830 : vector<16xf32>
        %get3A_1277 = arith.constant 224 : index
        %get3A_1278 = tpu.vector_load %arg9[%get3A_1277] {strides = array<i32>} : memref<768xf32, #tpu.memory_space<vmem>>, vector<16xf32>,
        %get3A_1279 = vector.shape_cast %get3A_1278 : vector<16xf32> to vector<16xf32>
        %mul3A_1280 = arith.mulf %div3A_1004, %get3A_1279 : vector<16xf32>
        %mul3A_1281 = arith.mulf %sub3A_1276, %mul3A_1280 : vector<16xf32>
        %get3A_1282 = arith.constant 224 : index
        %get3A_1283 = tpu.vector_load %arg10[%get3A_1282] {strides = array<i32>} : memref<768xf32, #tpu.memory_space<vmem>>, vector<16xf32>,
        %get3A_1284 = vector.shape_cast %get3A_1283 : vector<16xf32> to vector<16xf32>
        %add3A_1285 = arith.addf %mul3A_1281, %get3A_1284 : vector<16xf32>
        %swap3A_1286 = arith.index_cast %add3A_1272 : i32 to index
        %swap3A_1287 = tpu.vector_load %arg7[%swap3A_1286] {strides = array<i32>} : memref<49152xf32, #tpu.memory_space<vmem>>, vector<16xf32>,
        %swap3A_1288 = vector.shape_cast %swap3A_1287 : vector<16xf32> to vector<16xf32>
        %swap3A_1289 = vector.shape_cast %add3A_1285 : vector<16xf32> to vector<16xf32>
        tpu.vector_store %arg7[%swap3A_1286], %swap3A_1289 {strides = array<i32>} : memref<49152xf32, #tpu.memory_space<vmem>>, vector<16xf32>,
        %add3A_1290 = arith.constant 240 : i32
        %add3A_1291 = arith.addi %mul3A_32, %add3A_1290 : i32
        %get3A_1292 = arith.index_cast %add3A_1291 : i32 to index
        %get3A_1293 = tpu.vector_load %arg7[%get3A_1292] {strides = array<i32>} : memref<49152xf32, #tpu.memory_space<vmem>>, vector<16xf32>,
        %get3A_1294 = vector.shape_cast %get3A_1293 : vector<16xf32> to vector<16xf32>
        %sub3A_1295 = arith.subf %get3A_1294, %mul3A_830 : vector<16xf32>
        %get3A_1296 = arith.constant 240 : index
        %get3A_1297 = tpu.vector_load %arg9[%get3A_1296] {strides = array<i32>} : memref<768xf32, #tpu.memory_space<vmem>>, vector<16xf32>,
        %get3A_1298 = vector.shape_cast %get3A_1297 : vector<16xf32> to vector<16xf32>
        %mul3A_1299 = arith.mulf %div3A_1004, %get3A_1298 : vector<16xf32>
        %mul3A_1300 = arith.mulf %sub3A_1295, %mul3A_1299 : vector<16xf32>
        %get3A_1301 = arith.constant 240 : index
        %get3A_1302 = tpu.vector_load %arg10[%get3A_1301] {strides = array<i32>} : memref<768xf32, #tpu.memory_space<vmem>>, vector<16xf32>,
        %get3A_1303 = vector.shape_cast %get3A_1302 : vector<16xf32> to vector<16xf32>
        %add3A_1304 = arith.addf %mul3A_1300, %get3A_1303 : vector<16xf32>
        %swap3A_1305 = arith.index_cast %add3A_1291 : i32 to index
        %swap3A_1306 = tpu.vector_load %arg7[%swap3A_1305] {strides = array<i32>} : memref<49152xf32, #tpu.memory_space<vmem>>, vector<16xf32>,
        %swap3A_1307 = vector.shape_cast %swap3A_1306 : vector<16xf32> to vector<16xf32>
        %swap3A_1308 = vector.shape_cast %add3A_1304 : vector<16xf32> to vector<16xf32>
        tpu.vector_store %arg7[%swap3A_1305], %swap3A_1308 {strides = array<i32>} : memref<49152xf32, #tpu.memory_space<vmem>>, vector<16xf32>,
        %add3A_1309 = arith.constant 256 : i32
        %add3A_1310 = arith.addi %mul3A_32, %add3A_1309 : i32
        %get3A_1311 = arith.index_cast %add3A_1310 : i32 to index
        %get3A_1312 = tpu.vector_load %arg7[%get3A_1311] {strides = array<i32>} : memref<49152xf32, #tpu.memory_space<vmem>>, vector<16xf32>,
        %get3A_1313 = vector.shape_cast %get3A_1312 : vector<16xf32> to vector<16xf32>
        %sub3A_1314 = arith.subf %get3A_1313, %mul3A_830 : vector<16xf32>
        %get3A_1315 = arith.constant 256 : index
        %get3A_1316 = tpu.vector_load %arg9[%get3A_1315] {strides = array<i32>} : memref<768xf32, #tpu.memory_space<vmem>>, vector<16xf32>,
        %get3A_1317 = vector.shape_cast %get3A_1316 : vector<16xf32> to vector<16xf32>
        %mul3A_1318 = arith.mulf %div3A_1004, %get3A_1317 : vector<16xf32>
        %mul3A_1319 = arith.mulf %sub3A_1314, %mul3A_1318 : vector<16xf32>
        %get3A_1320 = arith.constant 256 : index
        %get3A_1321 = tpu.vector_load %arg10[%get3A_1320] {strides = array<i32>} : memref<768xf32, #tpu.memory_space<vmem>>, vector<16xf32>,
        %get3A_1322 = vector.shape_cast %get3A_1321 : vector<16xf32> to vector<16xf32>
        %add3A_1323 = arith.addf %mul3A_1319, %get3A_1322 : vector<16xf32>
        %swap3A_1324 = arith.index_cast %add3A_1310 : i32 to index
        %swap3A_1325 = tpu.vector_load %arg7[%swap3A_1324] {strides = array<i32>} : memref<49152xf32, #tpu.memory_space<vmem>>, vector<16xf32>,
        %swap3A_1326 = vector.shape_cast %swap3A_1325 : vector<16xf32> to vector<16xf32>
        %swap3A_1327 = vector.shape_cast %add3A_1323 : vector<16xf32> to vector<16xf32>
        tpu.vector_store %arg7[%swap3A_1324], %swap3A_1327 {strides = array<i32>} : memref<49152xf32, #tpu.memory_space<vmem>>, vector<16xf32>,
        %add3A_1328 = arith.constant 272 : i32
        %add3A_1329 = arith.addi %mul3A_32, %add3A_1328 : i32
        %get3A_1330 = arith.index_cast %add3A_1329 : i32 to index
        %get3A_1331 = tpu.vector_load %arg7[%get3A_1330] {strides = array<i32>} : memref<49152xf32, #tpu.memory_space<vmem>>, vector<16xf32>,
        %get3A_1332 = vector.shape_cast %get3A_1331 : vector<16xf32> to vector<16xf32>
        %sub3A_1333 = arith.subf %get3A_1332, %mul3A_830 : vector<16xf32>
        %get3A_1334 = arith.constant 272 : index
        %get3A_1335 = tpu.vector_load %arg9[%get3A_1334] {strides = array<i32>} : memref<768xf32, #tpu.memory_space<vmem>>, vector<16xf32>,
        %get3A_1336 = vector.shape_cast %get3A_1335 : vector<16xf32> to vector<16xf32>
        %mul3A_1337 = arith.mulf %div3A_1004, %get3A_1336 : vector<16xf32>
        %mul3A_1338 = arith.mulf %sub3A_1333, %mul3A_1337 : vector<16xf32>
        %get3A_1339 = arith.constant 272 : index
        %get3A_1340 = tpu.vector_load %arg10[%get3A_1339] {strides = array<i32>} : memref<768xf32, #tpu.memory_space<vmem>>, vector<16xf32>,
        %get3A_1341 = vector.shape_cast %get3A_1340 : vector<16xf32> to vector<16xf32>
        %add3A_1342 = arith.addf %mul3A_1338, %get3A_1341 : vector<16xf32>
        %swap3A_1343 = arith.index_cast %add3A_1329 : i32 to index
        %swap3A_1344 = tpu.vector_load %arg7[%swap3A_1343] {strides = array<i32>} : memref<49152xf32, #tpu.memory_space<vmem>>, vector<16xf32>,
        %swap3A_1345 = vector.shape_cast %swap3A_1344 : vector<16xf32> to vector<16xf32>
        %swap3A_1346 = vector.shape_cast %add3A_1342 : vector<16xf32> to vector<16xf32>
        tpu.vector_store %arg7[%swap3A_1343], %swap3A_1346 {strides = array<i32>} : memref<49152xf32, #tpu.memory_space<vmem>>, vector<16xf32>,
        %add3A_1347 = arith.constant 288 : i32
        %add3A_1348 = arith.addi %mul3A_32, %add3A_1347 : i32
        %get3A_1349 = arith.index_cast %add3A_1348 : i32 to index
        %get3A_1350 = tpu.vector_load %arg7[%get3A_1349] {strides = array<i32>} : memref<49152xf32, #tpu.memory_space<vmem>>, vector<16xf32>,
        %get3A_1351 = vector.shape_cast %get3A_1350 : vector<16xf32> to vector<16xf32>
        %sub3A_1352 = arith.subf %get3A_1351, %mul3A_830 : vector<16xf32>
        %get3A_1353 = arith.constant 288 : index
        %get3A_1354 = tpu.vector_load %arg9[%get3A_1353] {strides = array<i32>} : memref<768xf32, #tpu.memory_space<vmem>>, vector<16xf32>,
        %get3A_1355 = vector.shape_cast %get3A_1354 : vector<16xf32> to vector<16xf32>
        %mul3A_1356 = arith.mulf %div3A_1004, %get3A_1355 : vector<16xf32>
        %mul3A_1357 = arith.mulf %sub3A_1352, %mul3A_1356 : vector<16xf32>
        %get3A_1358 = arith.constant 288 : index
        %get3A_1359 = tpu.vector_load %arg10[%get3A_1358] {strides = array<i32>} : memref<768xf32, #tpu.memory_space<vmem>>, vector<16xf32>,
        %get3A_1360 = vector.shape_cast %get3A_1359 : vector<16xf32> to vector<16xf32>
        %add3A_1361 = arith.addf %mul3A_1357, %get3A_1360 : vector<16xf32>
        %swap3A_1362 = arith.index_cast %add3A_1348 : i32 to index
        %swap3A_1363 = tpu.vector_load %arg7[%swap3A_1362] {strides = array<i32>} : memref<49152xf32, #tpu.memory_space<vmem>>, vector<16xf32>,
        %swap3A_1364 = vector.shape_cast %swap3A_1363 : vector<16xf32> to vector<16xf32>
        %swap3A_1365 = vector.shape_cast %add3A_1361 : vector<16xf32> to vector<16xf32>
        tpu.vector_store %arg7[%swap3A_1362], %swap3A_1365 {strides = array<i32>} : memref<49152xf32, #tpu.memory_space<vmem>>, vector<16xf32>,
        %add3A_1366 = arith.constant 304 : i32
        %add3A_1367 = arith.addi %mul3A_32, %add3A_1366 : i32
        %get3A_1368 = arith.index_cast %add3A_1367 : i32 to index
        %get3A_1369 = tpu.vector_load %arg7[%get3A_1368] {strides = array<i32>} : memref<49152xf32, #tpu.memory_space<vmem>>, vector<16xf32>,
        %get3A_1370 = vector.shape_cast %get3A_1369 : vector<16xf32> to vector<16xf32>
        %sub3A_1371 = arith.subf %get3A_1370, %mul3A_830 : vector<16xf32>
        %get3A_1372 = arith.constant 304 : index
        %get3A_1373 = tpu.vector_load %arg9[%get3A_1372] {strides = array<i32>} : memref<768xf32, #tpu.memory_space<vmem>>, vector<16xf32>,
        %get3A_1374 = vector.shape_cast %get3A_1373 : vector<16xf32> to vector<16xf32>
        %mul3A_1375 = arith.mulf %div3A_1004, %get3A_1374 : vector<16xf32>
        %mul3A_1376 = arith.mulf %sub3A_1371, %mul3A_1375 : vector<16xf32>
        %get3A_1377 = arith.constant 304 : index
        %get3A_1378 = tpu.vector_load %arg10[%get3A_1377] {strides = array<i32>} : memref<768xf32, #tpu.memory_space<vmem>>, vector<16xf32>,
        %get3A_1379 = vector.shape_cast %get3A_1378 : vector<16xf32> to vector<16xf32>
        %add3A_1380 = arith.addf %mul3A_1376, %get3A_1379 : vector<16xf32>
        %swap3A_1381 = arith.index_cast %add3A_1367 : i32 to index
        %swap3A_1382 = tpu.vector_load %arg7[%swap3A_1381] {strides = array<i32>} : memref<49152xf32, #tpu.memory_space<vmem>>, vector<16xf32>,
        %swap3A_1383 = vector.shape_cast %swap3A_1382 : vector<16xf32> to vector<16xf32>
        %swap3A_1384 = vector.shape_cast %add3A_1380 : vector<16xf32> to vector<16xf32>
        tpu.vector_store %arg7[%swap3A_1381], %swap3A_1384 {strides = array<i32>} : memref<49152xf32, #tpu.memory_space<vmem>>, vector<16xf32>,
        %add3A_1385 = arith.constant 320 : i32
        %add3A_1386 = arith.addi %mul3A_32, %add3A_1385 : i32
        %get3A_1387 = arith.index_cast %add3A_1386 : i32 to index
        %get3A_1388 = tpu.vector_load %arg7[%get3A_1387] {strides = array<i32>} : memref<49152xf32, #tpu.memory_space<vmem>>, vector<16xf32>,
        %get3A_1389 = vector.shape_cast %get3A_1388 : vector<16xf32> to vector<16xf32>
        %sub3A_1390 = arith.subf %get3A_1389, %mul3A_830 : vector<16xf32>
        %get3A_1391 = arith.constant 320 : index
        %get3A_1392 = tpu.vector_load %arg9[%get3A_1391] {strides = array<i32>} : memref<768xf32, #tpu.memory_space<vmem>>, vector<16xf32>,
        %get3A_1393 = vector.shape_cast %get3A_1392 : vector<16xf32> to vector<16xf32>
        %mul3A_1394 = arith.mulf %div3A_1004, %get3A_1393 : vector<16xf32>
        %mul3A_1395 = arith.mulf %sub3A_1390, %mul3A_1394 : vector<16xf32>
        %get3A_1396 = arith.constant 320 : index
        %get3A_1397 = tpu.vector_load %arg10[%get3A_1396] {strides = array<i32>} : memref<768xf32, #tpu.memory_space<vmem>>, vector<16xf32>,
        %get3A_1398 = vector.shape_cast %get3A_1397 : vector<16xf32> to vector<16xf32>
        %add3A_1399 = arith.addf %mul3A_1395, %get3A_1398 : vector<16xf32>
        %swap3A_1400 = arith.index_cast %add3A_1386 : i32 to index
        %swap3A_1401 = tpu.vector_load %arg7[%swap3A_1400] {strides = array<i32>} : memref<49152xf32, #tpu.memory_space<vmem>>, vector<16xf32>,
        %swap3A_1402 = vector.shape_cast %swap3A_1401 : vector<16xf32> to vector<16xf32>
        %swap3A_1403 = vector.shape_cast %add3A_1399 : vector<16xf32> to vector<16xf32>
        tpu.vector_store %arg7[%swap3A_1400], %swap3A_1403 {strides = array<i32>} : memref<49152xf32, #tpu.memory_space<vmem>>, vector<16xf32>,
        %add3A_1404 = arith.constant 336 : i32
        %add3A_1405 = arith.addi %mul3A_32, %add3A_1404 : i32
        %get3A_1406 = arith.index_cast %add3A_1405 : i32 to index
        %get3A_1407 = tpu.vector_load %arg7[%get3A_1406] {strides = array<i32>} : memref<49152xf32, #tpu.memory_space<vmem>>, vector<16xf32>,
        %get3A_1408 = vector.shape_cast %get3A_1407 : vector<16xf32> to vector<16xf32>
        %sub3A_1409 = arith.subf %get3A_1408, %mul3A_830 : vector<16xf32>
        %get3A_1410 = arith.constant 336 : index
        %get3A_1411 = tpu.vector_load %arg9[%get3A_1410] {strides = array<i32>} : memref<768xf32, #tpu.memory_space<vmem>>, vector<16xf32>,
        %get3A_1412 = vector.shape_cast %get3A_1411 : vector<16xf32> to vector<16xf32>
        %mul3A_1413 = arith.mulf %div3A_1004, %get3A_1412 : vector<16xf32>
        %mul3A_1414 = arith.mulf %sub3A_1409, %mul3A_1413 : vector<16xf32>
        %get3A_1415 = arith.constant 336 : index
        %get3A_1416 = tpu.vector_load %arg10[%get3A_1415] {strides = array<i32>} : memref<768xf32, #tpu.memory_space<vmem>>, vector<16xf32>,
        %get3A_1417 = vector.shape_cast %get3A_1416 : vector<16xf32> to vector<16xf32>
        %add3A_1418 = arith.addf %mul3A_1414, %get3A_1417 : vector<16xf32>
        %swap3A_1419 = arith.index_cast %add3A_1405 : i32 to index
        %swap3A_1420 = tpu.vector_load %arg7[%swap3A_1419] {strides = array<i32>} : memref<49152xf32, #tpu.memory_space<vmem>>, vector<16xf32>,
        %swap3A_1421 = vector.shape_cast %swap3A_1420 : vector<16xf32> to vector<16xf32>
        %swap3A_1422 = vector.shape_cast %add3A_1418 : vector<16xf32> to vector<16xf32>
        tpu.vector_store %arg7[%swap3A_1419], %swap3A_1422 {strides = array<i32>} : memref<49152xf32, #tpu.memory_space<vmem>>, vector<16xf32>,
        %add3A_1423 = arith.constant 352 : i32
        %add3A_1424 = arith.addi %mul3A_32, %add3A_1423 : i32
        %get3A_1425 = arith.index_cast %add3A_1424 : i32 to index
        %get3A_1426 = tpu.vector_load %arg7[%get3A_1425] {strides = array<i32>} : memref<49152xf32, #tpu.memory_space<vmem>>, vector<16xf32>,
        %get3A_1427 = vector.shape_cast %get3A_1426 : vector<16xf32> to vector<16xf32>
        %sub3A_1428 = arith.subf %get3A_1427, %mul3A_830 : vector<16xf32>
        %get3A_1429 = arith.constant 352 : index
        %get3A_1430 = tpu.vector_load %arg9[%get3A_1429] {strides = array<i32>} : memref<768xf32, #tpu.memory_space<vmem>>, vector<16xf32>,
        %get3A_1431 = vector.shape_cast %get3A_1430 : vector<16xf32> to vector<16xf32>
        %mul3A_1432 = arith.mulf %div3A_1004, %get3A_1431 : vector<16xf32>
        %mul3A_1433 = arith.mulf %sub3A_1428, %mul3A_1432 : vector<16xf32>
        %get3A_1434 = arith.constant 352 : index
        %get3A_1435 = tpu.vector_load %arg10[%get3A_1434] {strides = array<i32>} : memref<768xf32, #tpu.memory_space<vmem>>, vector<16xf32>,
        %get3A_1436 = vector.shape_cast %get3A_1435 : vector<16xf32> to vector<16xf32>
        %add3A_1437 = arith.addf %mul3A_1433, %get3A_1436 : vector<16xf32>
        %swap3A_1438 = arith.index_cast %add3A_1424 : i32 to index
        %swap3A_1439 = tpu.vector_load %arg7[%swap3A_1438] {strides = array<i32>} : memref<49152xf32, #tpu.memory_space<vmem>>, vector<16xf32>,
        %swap3A_1440 = vector.shape_cast %swap3A_1439 : vector<16xf32> to vector<16xf32>
        %swap3A_1441 = vector.shape_cast %add3A_1437 : vector<16xf32> to vector<16xf32>
        tpu.vector_store %arg7[%swap3A_1438], %swap3A_1441 {strides = array<i32>} : memref<49152xf32, #tpu.memory_space<vmem>>, vector<16xf32>,
        %add3A_1442 = arith.constant 368 : i32
        %add3A_1443 = arith.addi %mul3A_32, %add3A_1442 : i32
        %get3A_1444 = arith.index_cast %add3A_1443 : i32 to index
        %get3A_1445 = tpu.vector_load %arg7[%get3A_1444] {strides = array<i32>} : memref<49152xf32, #tpu.memory_space<vmem>>, vector<16xf32>,
        %get3A_1446 = vector.shape_cast %get3A_1445 : vector<16xf32> to vector<16xf32>
        %sub3A_1447 = arith.subf %get3A_1446, %mul3A_830 : vector<16xf32>
        %get3A_1448 = arith.constant 368 : index
        %get3A_1449 = tpu.vector_load %arg9[%get3A_1448] {strides = array<i32>} : memref<768xf32, #tpu.memory_space<vmem>>, vector<16xf32>,
        %get3A_1450 = vector.shape_cast %get3A_1449 : vector<16xf32> to vector<16xf32>
        %mul3A_1451 = arith.mulf %div3A_1004, %get3A_1450 : vector<16xf32>
        %mul3A_1452 = arith.mulf %sub3A_1447, %mul3A_1451 : vector<16xf32>
        %get3A_1453 = arith.constant 368 : index
        %get3A_1454 = tpu.vector_load %arg10[%get3A_1453] {strides = array<i32>} : memref<768xf32, #tpu.memory_space<vmem>>, vector<16xf32>,
        %get3A_1455 = vector.shape_cast %get3A_1454 : vector<16xf32> to vector<16xf32>
        %add3A_1456 = arith.addf %mul3A_1452, %get3A_1455 : vector<16xf32>
        %swap3A_1457 = arith.index_cast %add3A_1443 : i32 to index
        %swap3A_1458 = tpu.vector_load %arg7[%swap3A_1457] {strides = array<i32>} : memref<49152xf32, #tpu.memory_space<vmem>>, vector<16xf32>,
        %swap3A_1459 = vector.shape_cast %swap3A_1458 : vector<16xf32> to vector<16xf32>
        %swap3A_1460 = vector.shape_cast %add3A_1456 : vector<16xf32> to vector<16xf32>
        tpu.vector_store %arg7[%swap3A_1457], %swap3A_1460 {strides = array<i32>} : memref<49152xf32, #tpu.memory_space<vmem>>, vector<16xf32>,
        %add3A_1461 = arith.constant 384 : i32
        %add3A_1462 = arith.addi %mul3A_32, %add3A_1461 : i32
        %get3A_1463 = arith.index_cast %add3A_1462 : i32 to index
        %get3A_1464 = tpu.vector_load %arg7[%get3A_1463] {strides = array<i32>} : memref<49152xf32, #tpu.memory_space<vmem>>, vector<16xf32>,
        %get3A_1465 = vector.shape_cast %get3A_1464 : vector<16xf32> to vector<16xf32>
        %sub3A_1466 = arith.subf %get3A_1465, %mul3A_830 : vector<16xf32>
        %get3A_1467 = arith.constant 384 : index
        %get3A_1468 = tpu.vector_load %arg9[%get3A_1467] {strides = array<i32>} : memref<768xf32, #tpu.memory_space<vmem>>, vector<16xf32>,
        %get3A_1469 = vector.shape_cast %get3A_1468 : vector<16xf32> to vector<16xf32>
        %mul3A_1470 = arith.mulf %div3A_1004, %get3A_1469 : vector<16xf32>
        %mul3A_1471 = arith.mulf %sub3A_1466, %mul3A_1470 : vector<16xf32>
        %get3A_1472 = arith.constant 384 : index
        %get3A_1473 = tpu.vector_load %arg10[%get3A_1472] {strides = array<i32>} : memref<768xf32, #tpu.memory_space<vmem>>, vector<16xf32>,
        %get3A_1474 = vector.shape_cast %get3A_1473 : vector<16xf32> to vector<16xf32>
        %add3A_1475 = arith.addf %mul3A_1471, %get3A_1474 : vector<16xf32>
        %swap3A_1476 = arith.index_cast %add3A_1462 : i32 to index
        %swap3A_1477 = tpu.vector_load %arg7[%swap3A_1476] {strides = array<i32>} : memref<49152xf32, #tpu.memory_space<vmem>>, vector<16xf32>,
        %swap3A_1478 = vector.shape_cast %swap3A_1477 : vector<16xf32> to vector<16xf32>
        %swap3A_1479 = vector.shape_cast %add3A_1475 : vector<16xf32> to vector<16xf32>
        tpu.vector_store %arg7[%swap3A_1476], %swap3A_1479 {strides = array<i32>} : memref<49152xf32, #tpu.memory_space<vmem>>, vector<16xf32>,
        %add3A_1480 = arith.constant 400 : i32
        %add3A_1481 = arith.addi %mul3A_32, %add3A_1480 : i32
        %get3A_1482 = arith.index_cast %add3A_1481 : i32 to index
        %get3A_1483 = tpu.vector_load %arg7[%get3A_1482] {strides = array<i32>} : memref<49152xf32, #tpu.memory_space<vmem>>, vector<16xf32>,
        %get3A_1484 = vector.shape_cast %get3A_1483 : vector<16xf32> to vector<16xf32>
        %sub3A_1485 = arith.subf %get3A_1484, %mul3A_830 : vector<16xf32>
        %get3A_1486 = arith.constant 400 : index
        %get3A_1487 = tpu.vector_load %arg9[%get3A_1486] {strides = array<i32>} : memref<768xf32, #tpu.memory_space<vmem>>, vector<16xf32>,
        %get3A_1488 = vector.shape_cast %get3A_1487 : vector<16xf32> to vector<16xf32>
        %mul3A_1489 = arith.mulf %div3A_1004, %get3A_1488 : vector<16xf32>
        %mul3A_1490 = arith.mulf %sub3A_1485, %mul3A_1489 : vector<16xf32>
        %get3A_1491 = arith.constant 400 : index
        %get3A_1492 = tpu.vector_load %arg10[%get3A_1491] {strides = array<i32>} : memref<768xf32, #tpu.memory_space<vmem>>, vector<16xf32>,
        %get3A_1493 = vector.shape_cast %get3A_1492 : vector<16xf32> to vector<16xf32>
        %add3A_1494 = arith.addf %mul3A_1490, %get3A_1493 : vector<16xf32>
        %swap3A_1495 = arith.index_cast %add3A_1481 : i32 to index
        %swap3A_1496 = tpu.vector_load %arg7[%swap3A_1495] {strides = array<i32>} : memref<49152xf32, #tpu.memory_space<vmem>>, vector<16xf32>,
        %swap3A_1497 = vector.shape_cast %swap3A_1496 : vector<16xf32> to vector<16xf32>
        %swap3A_1498 = vector.shape_cast %add3A_1494 : vector<16xf32> to vector<16xf32>
        tpu.vector_store %arg7[%swap3A_1495], %swap3A_1498 {strides = array<i32>} : memref<49152xf32, #tpu.memory_space<vmem>>, vector<16xf32>,
        %add3A_1499 = arith.constant 416 : i32
        %add3A_1500 = arith.addi %mul3A_32, %add3A_1499 : i32
        %get3A_1501 = arith.index_cast %add3A_1500 : i32 to index
        %get3A_1502 = tpu.vector_load %arg7[%get3A_1501] {strides = array<i32>} : memref<49152xf32, #tpu.memory_space<vmem>>, vector<16xf32>,
        %get3A_1503 = vector.shape_cast %get3A_1502 : vector<16xf32> to vector<16xf32>
        %sub3A_1504 = arith.subf %get3A_1503, %mul3A_830 : vector<16xf32>
        %get3A_1505 = arith.constant 416 : index
        %get3A_1506 = tpu.vector_load %arg9[%get3A_1505] {strides = array<i32>} : memref<768xf32, #tpu.memory_space<vmem>>, vector<16xf32>,
        %get3A_1507 = vector.shape_cast %get3A_1506 : vector<16xf32> to vector<16xf32>
        %mul3A_1508 = arith.mulf %div3A_1004, %get3A_1507 : vector<16xf32>
        %mul3A_1509 = arith.mulf %sub3A_1504, %mul3A_1508 : vector<16xf32>
        %get3A_1510 = arith.constant 416 : index
        %get3A_1511 = tpu.vector_load %arg10[%get3A_1510] {strides = array<i32>} : memref<768xf32, #tpu.memory_space<vmem>>, vector<16xf32>,
        %get3A_1512 = vector.shape_cast %get3A_1511 : vector<16xf32> to vector<16xf32>
        %add3A_1513 = arith.addf %mul3A_1509, %get3A_1512 : vector<16xf32>
        %swap3A_1514 = arith.index_cast %add3A_1500 : i32 to index
        %swap3A_1515 = tpu.vector_load %arg7[%swap3A_1514] {strides = array<i32>} : memref<49152xf32, #tpu.memory_space<vmem>>, vector<16xf32>,
        %swap3A_1516 = vector.shape_cast %swap3A_1515 : vector<16xf32> to vector<16xf32>
        %swap3A_1517 = vector.shape_cast %add3A_1513 : vector<16xf32> to vector<16xf32>
        tpu.vector_store %arg7[%swap3A_1514], %swap3A_1517 {strides = array<i32>} : memref<49152xf32, #tpu.memory_space<vmem>>, vector<16xf32>,
        %add3A_1518 = arith.constant 432 : i32
        %add3A_1519 = arith.addi %mul3A_32, %add3A_1518 : i32
        %get3A_1520 = arith.index_cast %add3A_1519 : i32 to index
        %get3A_1521 = tpu.vector_load %arg7[%get3A_1520] {strides = array<i32>} : memref<49152xf32, #tpu.memory_space<vmem>>, vector<16xf32>,
        %get3A_1522 = vector.shape_cast %get3A_1521 : vector<16xf32> to vector<16xf32>
        %sub3A_1523 = arith.subf %get3A_1522, %mul3A_830 : vector<16xf32>
        %get3A_1524 = arith.constant 432 : index
        %get3A_1525 = tpu.vector_load %arg9[%get3A_1524] {strides = array<i32>} : memref<768xf32, #tpu.memory_space<vmem>>, vector<16xf32>,
        %get3A_1526 = vector.shape_cast %get3A_1525 : vector<16xf32> to vector<16xf32>
        %mul3A_1527 = arith.mulf %div3A_1004, %get3A_1526 : vector<16xf32>
        %mul3A_1528 = arith.mulf %sub3A_1523, %mul3A_1527 : vector<16xf32>
        %get3A_1529 = arith.constant 432 : index
        %get3A_1530 = tpu.vector_load %arg10[%get3A_1529] {strides = array<i32>} : memref<768xf32, #tpu.memory_space<vmem>>, vector<16xf32>,
        %get3A_1531 = vector.shape_cast %get3A_1530 : vector<16xf32> to vector<16xf32>
        %add3A_1532 = arith.addf %mul3A_1528, %get3A_1531 : vector<16xf32>
        %swap3A_1533 = arith.index_cast %add3A_1519 : i32 to index
        %swap3A_1534 = tpu.vector_load %arg7[%swap3A_1533] {strides = array<i32>} : memref<49152xf32, #tpu.memory_space<vmem>>, vector<16xf32>,
        %swap3A_1535 = vector.shape_cast %swap3A_1534 : vector<16xf32> to vector<16xf32>
        %swap3A_1536 = vector.shape_cast %add3A_1532 : vector<16xf32> to vector<16xf32>
        tpu.vector_store %arg7[%swap3A_1533], %swap3A_1536 {strides = array<i32>} : memref<49152xf32, #tpu.memory_space<vmem>>, vector<16xf32>,
        %add3A_1537 = arith.constant 448 : i32
        %add3A_1538 = arith.addi %mul3A_32, %add3A_1537 : i32
        %get3A_1539 = arith.index_cast %add3A_1538 : i32 to index
        %get3A_1540 = tpu.vector_load %arg7[%get3A_1539] {strides = array<i32>} : memref<49152xf32, #tpu.memory_space<vmem>>, vector<16xf32>,
        %get3A_1541 = vector.shape_cast %get3A_1540 : vector<16xf32> to vector<16xf32>
        %sub3A_1542 = arith.subf %get3A_1541, %mul3A_830 : vector<16xf32>
        %get3A_1543 = arith.constant 448 : index
        %get3A_1544 = tpu.vector_load %arg9[%get3A_1543] {strides = array<i32>} : memref<768xf32, #tpu.memory_space<vmem>>, vector<16xf32>,
        %get3A_1545 = vector.shape_cast %get3A_1544 : vector<16xf32> to vector<16xf32>
        %mul3A_1546 = arith.mulf %div3A_1004, %get3A_1545 : vector<16xf32>
        %mul3A_1547 = arith.mulf %sub3A_1542, %mul3A_1546 : vector<16xf32>
        %get3A_1548 = arith.constant 448 : index
        %get3A_1549 = tpu.vector_load %arg10[%get3A_1548] {strides = array<i32>} : memref<768xf32, #tpu.memory_space<vmem>>, vector<16xf32>,
        %get3A_1550 = vector.shape_cast %get3A_1549 : vector<16xf32> to vector<16xf32>
        %add3A_1551 = arith.addf %mul3A_1547, %get3A_1550 : vector<16xf32>
        %swap3A_1552 = arith.index_cast %add3A_1538 : i32 to index
        %swap3A_1553 = tpu.vector_load %arg7[%swap3A_1552] {strides = array<i32>} : memref<49152xf32, #tpu.memory_space<vmem>>, vector<16xf32>,
        %swap3A_1554 = vector.shape_cast %swap3A_1553 : vector<16xf32> to vector<16xf32>
        %swap3A_1555 = vector.shape_cast %add3A_1551 : vector<16xf32> to vector<16xf32>
        tpu.vector_store %arg7[%swap3A_1552], %swap3A_1555 {strides = array<i32>} : memref<49152xf32, #tpu.memory_space<vmem>>, vector<16xf32>,
        %add3A_1556 = arith.constant 464 : i32
        %add3A_1557 = arith.addi %mul3A_32, %add3A_1556 : i32
        %get3A_1558 = arith.index_cast %add3A_1557 : i32 to index
        %get3A_1559 = tpu.vector_load %arg7[%get3A_1558] {strides = array<i32>} : memref<49152xf32, #tpu.memory_space<vmem>>, vector<16xf32>,
        %get3A_1560 = vector.shape_cast %get3A_1559 : vector<16xf32> to vector<16xf32>
        %sub3A_1561 = arith.subf %get3A_1560, %mul3A_830 : vector<16xf32>
        %get3A_1562 = arith.constant 464 : index
        %get3A_1563 = tpu.vector_load %arg9[%get3A_1562] {strides = array<i32>} : memref<768xf32, #tpu.memory_space<vmem>>, vector<16xf32>,
        %get3A_1564 = vector.shape_cast %get3A_1563 : vector<16xf32> to vector<16xf32>
        %mul3A_1565 = arith.mulf %div3A_1004, %get3A_1564 : vector<16xf32>
        %mul3A_1566 = arith.mulf %sub3A_1561, %mul3A_1565 : vector<16xf32>
        %get3A_1567 = arith.constant 464 : index
        %get3A_1568 = tpu.vector_load %arg10[%get3A_1567] {strides = array<i32>} : memref<768xf32, #tpu.memory_space<vmem>>, vector<16xf32>,
        %get3A_1569 = vector.shape_cast %get3A_1568 : vector<16xf32> to vector<16xf32>
        %add3A_1570 = arith.addf %mul3A_1566, %get3A_1569 : vector<16xf32>
        %swap3A_1571 = arith.index_cast %add3A_1557 : i32 to index
        %swap3A_1572 = tpu.vector_load %arg7[%swap3A_1571] {strides = array<i32>} : memref<49152xf32, #tpu.memory_space<vmem>>, vector<16xf32>,
        %swap3A_1573 = vector.shape_cast %swap3A_1572 : vector<16xf32> to vector<16xf32>
        %swap3A_1574 = vector.shape_cast %add3A_1570 : vector<16xf32> to vector<16xf32>
        tpu.vector_store %arg7[%swap3A_1571], %swap3A_1574 {strides = array<i32>} : memref<49152xf32, #tpu.memory_space<vmem>>, vector<16xf32>,
        %add3A_1575 = arith.constant 480 : i32
        %add3A_1576 = arith.addi %mul3A_32, %add3A_1575 : i32
        %get3A_1577 = arith.index_cast %add3A_1576 : i32 to index
        %get3A_1578 = tpu.vector_load %arg7[%get3A_1577] {strides = array<i32>} : memref<49152xf32, #tpu.memory_space<vmem>>, vector<16xf32>,
        %get3A_1579 = vector.shape_cast %get3A_1578 : vector<16xf32> to vector<16xf32>
        %sub3A_1580 = arith.subf %get3A_1579, %mul3A_830 : vector<16xf32>
        %get3A_1581 = arith.constant 480 : index
        %get3A_1582 = tpu.vector_load %arg9[%get3A_1581] {strides = array<i32>} : memref<768xf32, #tpu.memory_space<vmem>>, vector<16xf32>,
        %get3A_1583 = vector.shape_cast %get3A_1582 : vector<16xf32> to vector<16xf32>
        %mul3A_1584 = arith.mulf %div3A_1004, %get3A_1583 : vector<16xf32>
        %mul3A_1585 = arith.mulf %sub3A_1580, %mul3A_1584 : vector<16xf32>
        %get3A_1586 = arith.constant 480 : index
        %get3A_1587 = tpu.vector_load %arg10[%get3A_1586] {strides = array<i32>} : memref<768xf32, #tpu.memory_space<vmem>>, vector<16xf32>,
        %get3A_1588 = vector.shape_cast %get3A_1587 : vector<16xf32> to vector<16xf32>
        %add3A_1589 = arith.addf %mul3A_1585, %get3A_1588 : vector<16xf32>
        %swap3A_1590 = arith.index_cast %add3A_1576 : i32 to index
        %swap3A_1591 = tpu.vector_load %arg7[%swap3A_1590] {strides = array<i32>} : memref<49152xf32, #tpu.memory_space<vmem>>, vector<16xf32>,
        %swap3A_1592 = vector.shape_cast %swap3A_1591 : vector<16xf32> to vector<16xf32>
        %swap3A_1593 = vector.shape_cast %add3A_1589 : vector<16xf32> to vector<16xf32>
        tpu.vector_store %arg7[%swap3A_1590], %swap3A_1593 {strides = array<i32>} : memref<49152xf32, #tpu.memory_space<vmem>>, vector<16xf32>,
        %add3A_1594 = arith.constant 496 : i32
        %add3A_1595 = arith.addi %mul3A_32, %add3A_1594 : i32
        %get3A_1596 = arith.index_cast %add3A_1595 : i32 to index
        %get3A_1597 = tpu.vector_load %arg7[%get3A_1596] {strides = array<i32>} : memref<49152xf32, #tpu.memory_space<vmem>>, vector<16xf32>,
        %get3A_1598 = vector.shape_cast %get3A_1597 : vector<16xf32> to vector<16xf32>
        %sub3A_1599 = arith.subf %get3A_1598, %mul3A_830 : vector<16xf32>
        %get3A_1600 = arith.constant 496 : index
        %get3A_1601 = tpu.vector_load %arg9[%get3A_1600] {strides = array<i32>} : memref<768xf32, #tpu.memory_space<vmem>>, vector<16xf32>,
        %get3A_1602 = vector.shape_cast %get3A_1601 : vector<16xf32> to vector<16xf32>
        %mul3A_1603 = arith.mulf %div3A_1004, %get3A_1602 : vector<16xf32>
        %mul3A_1604 = arith.mulf %sub3A_1599, %mul3A_1603 : vector<16xf32>
        %get3A_1605 = arith.constant 496 : index
        %get3A_1606 = tpu.vector_load %arg10[%get3A_1605] {strides = array<i32>} : memref<768xf32, #tpu.memory_space<vmem>>, vector<16xf32>,
        %get3A_1607 = vector.shape_cast %get3A_1606 : vector<16xf32> to vector<16xf32>
        %add3A_1608 = arith.addf %mul3A_1604, %get3A_1607 : vector<16xf32>
        %swap3A_1609 = arith.index_cast %add3A_1595 : i32 to index
        %swap3A_1610 = tpu.vector_load %arg7[%swap3A_1609] {strides = array<i32>} : memref<49152xf32, #tpu.memory_space<vmem>>, vector<16xf32>,
        %swap3A_1611 = vector.shape_cast %swap3A_1610 : vector<16xf32> to vector<16xf32>
        %swap3A_1612 = vector.shape_cast %add3A_1608 : vector<16xf32> to vector<16xf32>
        tpu.vector_store %arg7[%swap3A_1609], %swap3A_1612 {strides = array<i32>} : memref<49152xf32, #tpu.memory_space<vmem>>, vector<16xf32>,
        %add3A_1613 = arith.constant 512 : i32
        %add3A_1614 = arith.addi %mul3A_32, %add3A_1613 : i32
        %get3A_1615 = arith.index_cast %add3A_1614 : i32 to index
        %get3A_1616 = tpu.vector_load %arg7[%get3A_1615] {strides = array<i32>} : memref<49152xf32, #tpu.memory_space<vmem>>, vector<16xf32>,
        %get3A_1617 = vector.shape_cast %get3A_1616 : vector<16xf32> to vector<16xf32>
        %sub3A_1618 = arith.subf %get3A_1617, %mul3A_830 : vector<16xf32>
        %get3A_1619 = arith.constant 512 : index
        %get3A_1620 = tpu.vector_load %arg9[%get3A_1619] {strides = array<i32>} : memref<768xf32, #tpu.memory_space<vmem>>, vector<16xf32>,
        %get3A_1621 = vector.shape_cast %get3A_1620 : vector<16xf32> to vector<16xf32>
        %mul3A_1622 = arith.mulf %div3A_1004, %get3A_1621 : vector<16xf32>
        %mul3A_1623 = arith.mulf %sub3A_1618, %mul3A_1622 : vector<16xf32>
        %get3A_1624 = arith.constant 512 : index
        %get3A_1625 = tpu.vector_load %arg10[%get3A_1624] {strides = array<i32>} : memref<768xf32, #tpu.memory_space<vmem>>, vector<16xf32>,
        %get3A_1626 = vector.shape_cast %get3A_1625 : vector<16xf32> to vector<16xf32>
        %add3A_1627 = arith.addf %mul3A_1623, %get3A_1626 : vector<16xf32>
        %swap3A_1628 = arith.index_cast %add3A_1614 : i32 to index
        %swap3A_1629 = tpu.vector_load %arg7[%swap3A_1628] {strides = array<i32>} : memref<49152xf32, #tpu.memory_space<vmem>>, vector<16xf32>,
        %swap3A_1630 = vector.shape_cast %swap3A_1629 : vector<16xf32> to vector<16xf32>
        %swap3A_1631 = vector.shape_cast %add3A_1627 : vector<16xf32> to vector<16xf32>
        tpu.vector_store %arg7[%swap3A_1628], %swap3A_1631 {strides = array<i32>} : memref<49152xf32, #tpu.memory_space<vmem>>, vector<16xf32>,
        %add3A_1632 = arith.constant 528 : i32
        %add3A_1633 = arith.addi %mul3A_32, %add3A_1632 : i32
        %get3A_1634 = arith.index_cast %add3A_1633 : i32 to index
        %get3A_1635 = tpu.vector_load %arg7[%get3A_1634] {strides = array<i32>} : memref<49152xf32, #tpu.memory_space<vmem>>, vector<16xf32>,
        %get3A_1636 = vector.shape_cast %get3A_1635 : vector<16xf32> to vector<16xf32>
        %sub3A_1637 = arith.subf %get3A_1636, %mul3A_830 : vector<16xf32>
        %get3A_1638 = arith.constant 528 : index
        %get3A_1639 = tpu.vector_load %arg9[%get3A_1638] {strides = array<i32>} : memref<768xf32, #tpu.memory_space<vmem>>, vector<16xf32>,
        %get3A_1640 = vector.shape_cast %get3A_1639 : vector<16xf32> to vector<16xf32>
        %mul3A_1641 = arith.mulf %div3A_1004, %get3A_1640 : vector<16xf32>
        %mul3A_1642 = arith.mulf %sub3A_1637, %mul3A_1641 : vector<16xf32>
        %get3A_1643 = arith.constant 528 : index
        %get3A_1644 = tpu.vector_load %arg10[%get3A_1643] {strides = array<i32>} : memref<768xf32, #tpu.memory_space<vmem>>, vector<16xf32>,
        %get3A_1645 = vector.shape_cast %get3A_1644 : vector<16xf32> to vector<16xf32>
        %add3A_1646 = arith.addf %mul3A_1642, %get3A_1645 : vector<16xf32>
        %swap3A_1647 = arith.index_cast %add3A_1633 : i32 to index
        %swap3A_1648 = tpu.vector_load %arg7[%swap3A_1647] {strides = array<i32>} : memref<49152xf32, #tpu.memory_space<vmem>>, vector<16xf32>,
        %swap3A_1649 = vector.shape_cast %swap3A_1648 : vector<16xf32> to vector<16xf32>
        %swap3A_1650 = vector.shape_cast %add3A_1646 : vector<16xf32> to vector<16xf32>
        tpu.vector_store %arg7[%swap3A_1647], %swap3A_1650 {strides = array<i32>} : memref<49152xf32, #tpu.memory_space<vmem>>, vector<16xf32>,
        %add3A_1651 = arith.constant 544 : i32
        %add3A_1652 = arith.addi %mul3A_32, %add3A_1651 : i32
        %get3A_1653 = arith.index_cast %add3A_1652 : i32 to index
        %get3A_1654 = tpu.vector_load %arg7[%get3A_1653] {strides = array<i32>} : memref<49152xf32, #tpu.memory_space<vmem>>, vector<16xf32>,
        %get3A_1655 = vector.shape_cast %get3A_1654 : vector<16xf32> to vector<16xf32>
        %sub3A_1656 = arith.subf %get3A_1655, %mul3A_830 : vector<16xf32>
        %get3A_1657 = arith.constant 544 : index
        %get3A_1658 = tpu.vector_load %arg9[%get3A_1657] {strides = array<i32>} : memref<768xf32, #tpu.memory_space<vmem>>, vector<16xf32>,
        %get3A_1659 = vector.shape_cast %get3A_1658 : vector<16xf32> to vector<16xf32>
        %mul3A_1660 = arith.mulf %div3A_1004, %get3A_1659 : vector<16xf32>
        %mul3A_1661 = arith.mulf %sub3A_1656, %mul3A_1660 : vector<16xf32>
        %get3A_1662 = arith.constant 544 : index
        %get3A_1663 = tpu.vector_load %arg10[%get3A_1662] {strides = array<i32>} : memref<768xf32, #tpu.memory_space<vmem>>, vector<16xf32>,
        %get3A_1664 = vector.shape_cast %get3A_1663 : vector<16xf32> to vector<16xf32>
        %add3A_1665 = arith.addf %mul3A_1661, %get3A_1664 : vector<16xf32>
        %swap3A_1666 = arith.index_cast %add3A_1652 : i32 to index
        %swap3A_1667 = tpu.vector_load %arg7[%swap3A_1666] {strides = array<i32>} : memref<49152xf32, #tpu.memory_space<vmem>>, vector<16xf32>,
        %swap3A_1668 = vector.shape_cast %swap3A_1667 : vector<16xf32> to vector<16xf32>
        %swap3A_1669 = vector.shape_cast %add3A_1665 : vector<16xf32> to vector<16xf32>
        tpu.vector_store %arg7[%swap3A_1666], %swap3A_1669 {strides = array<i32>} : memref<49152xf32, #tpu.memory_space<vmem>>, vector<16xf32>,
        %add3A_1670 = arith.constant 560 : i32
        %add3A_1671 = arith.addi %mul3A_32, %add3A_1670 : i32
        %get3A_1672 = arith.index_cast %add3A_1671 : i32 to index
        %get3A_1673 = tpu.vector_load %arg7[%get3A_1672] {strides = array<i32>} : memref<49152xf32, #tpu.memory_space<vmem>>, vector<16xf32>,
        %get3A_1674 = vector.shape_cast %get3A_1673 : vector<16xf32> to vector<16xf32>
        %sub3A_1675 = arith.subf %get3A_1674, %mul3A_830 : vector<16xf32>
        %get3A_1676 = arith.constant 560 : index
        %get3A_1677 = tpu.vector_load %arg9[%get3A_1676] {strides = array<i32>} : memref<768xf32, #tpu.memory_space<vmem>>, vector<16xf32>,
        %get3A_1678 = vector.shape_cast %get3A_1677 : vector<16xf32> to vector<16xf32>
        %mul3A_1679 = arith.mulf %div3A_1004, %get3A_1678 : vector<16xf32>
        %mul3A_1680 = arith.mulf %sub3A_1675, %mul3A_1679 : vector<16xf32>
        %get3A_1681 = arith.constant 560 : index
        %get3A_1682 = tpu.vector_load %arg10[%get3A_1681] {strides = array<i32>} : memref<768xf32, #tpu.memory_space<vmem>>, vector<16xf32>,
        %get3A_1683 = vector.shape_cast %get3A_1682 : vector<16xf32> to vector<16xf32>
        %add3A_1684 = arith.addf %mul3A_1680, %get3A_1683 : vector<16xf32>
        %swap3A_1685 = arith.index_cast %add3A_1671 : i32 to index
        %swap3A_1686 = tpu.vector_load %arg7[%swap3A_1685] {strides = array<i32>} : memref<49152xf32, #tpu.memory_space<vmem>>, vector<16xf32>,
        %swap3A_1687 = vector.shape_cast %swap3A_1686 : vector<16xf32> to vector<16xf32>
        %swap3A_1688 = vector.shape_cast %add3A_1684 : vector<16xf32> to vector<16xf32>
        tpu.vector_store %arg7[%swap3A_1685], %swap3A_1688 {strides = array<i32>} : memref<49152xf32, #tpu.memory_space<vmem>>, vector<16xf32>,
        %add3A_1689 = arith.constant 576 : i32
        %add3A_1690 = arith.addi %mul3A_32, %add3A_1689 : i32
        %get3A_1691 = arith.index_cast %add3A_1690 : i32 to index
        %get3A_1692 = tpu.vector_load %arg7[%get3A_1691] {strides = array<i32>} : memref<49152xf32, #tpu.memory_space<vmem>>, vector<16xf32>,
        %get3A_1693 = vector.shape_cast %get3A_1692 : vector<16xf32> to vector<16xf32>
        %sub3A_1694 = arith.subf %get3A_1693, %mul3A_830 : vector<16xf32>
        %get3A_1695 = arith.constant 576 : index
        %get3A_1696 = tpu.vector_load %arg9[%get3A_1695] {strides = array<i32>} : memref<768xf32, #tpu.memory_space<vmem>>, vector<16xf32>,
        %get3A_1697 = vector.shape_cast %get3A_1696 : vector<16xf32> to vector<16xf32>
        %mul3A_1698 = arith.mulf %div3A_1004, %get3A_1697 : vector<16xf32>
        %mul3A_1699 = arith.mulf %sub3A_1694, %mul3A_1698 : vector<16xf32>
        %get3A_1700 = arith.constant 576 : index
        %get3A_1701 = tpu.vector_load %arg10[%get3A_1700] {strides = array<i32>} : memref<768xf32, #tpu.memory_space<vmem>>, vector<16xf32>,
        %get3A_1702 = vector.shape_cast %get3A_1701 : vector<16xf32> to vector<16xf32>
        %add3A_1703 = arith.addf %mul3A_1699, %get3A_1702 : vector<16xf32>
        %swap3A_1704 = arith.index_cast %add3A_1690 : i32 to index
        %swap3A_1705 = tpu.vector_load %arg7[%swap3A_1704] {strides = array<i32>} : memref<49152xf32, #tpu.memory_space<vmem>>, vector<16xf32>,
        %swap3A_1706 = vector.shape_cast %swap3A_1705 : vector<16xf32> to vector<16xf32>
        %swap3A_1707 = vector.shape_cast %add3A_1703 : vector<16xf32> to vector<16xf32>
        tpu.vector_store %arg7[%swap3A_1704], %swap3A_1707 {strides = array<i32>} : memref<49152xf32, #tpu.memory_space<vmem>>, vector<16xf32>,
        %add3A_1708 = arith.constant 592 : i32
        %add3A_1709 = arith.addi %mul3A_32, %add3A_1708 : i32
        %get3A_1710 = arith.index_cast %add3A_1709 : i32 to index
        %get3A_1711 = tpu.vector_load %arg7[%get3A_1710] {strides = array<i32>} : memref<49152xf32, #tpu.memory_space<vmem>>, vector<16xf32>,
        %get3A_1712 = vector.shape_cast %get3A_1711 : vector<16xf32> to vector<16xf32>
        %sub3A_1713 = arith.subf %get3A_1712, %mul3A_830 : vector<16xf32>
        %get3A_1714 = arith.constant 592 : index
        %get3A_1715 = tpu.vector_load %arg9[%get3A_1714] {strides = array<i32>} : memref<768xf32, #tpu.memory_space<vmem>>, vector<16xf32>,
        %get3A_1716 = vector.shape_cast %get3A_1715 : vector<16xf32> to vector<16xf32>
        %mul3A_1717 = arith.mulf %div3A_1004, %get3A_1716 : vector<16xf32>
        %mul3A_1718 = arith.mulf %sub3A_1713, %mul3A_1717 : vector<16xf32>
        %get3A_1719 = arith.constant 592 : index
        %get3A_1720 = tpu.vector_load %arg10[%get3A_1719] {strides = array<i32>} : memref<768xf32, #tpu.memory_space<vmem>>, vector<16xf32>,
        %get3A_1721 = vector.shape_cast %get3A_1720 : vector<16xf32> to vector<16xf32>
        %add3A_1722 = arith.addf %mul3A_1718, %get3A_1721 : vector<16xf32>
        %swap3A_1723 = arith.index_cast %add3A_1709 : i32 to index
        %swap3A_1724 = tpu.vector_load %arg7[%swap3A_1723] {strides = array<i32>} : memref<49152xf32, #tpu.memory_space<vmem>>, vector<16xf32>,
        %swap3A_1725 = vector.shape_cast %swap3A_1724 : vector<16xf32> to vector<16xf32>
        %swap3A_1726 = vector.shape_cast %add3A_1722 : vector<16xf32> to vector<16xf32>
        tpu.vector_store %arg7[%swap3A_1723], %swap3A_1726 {strides = array<i32>} : memref<49152xf32, #tpu.memory_space<vmem>>, vector<16xf32>,
        %add3A_1727 = arith.constant 608 : i32
        %add3A_1728 = arith.addi %mul3A_32, %add3A_1727 : i32
        %get3A_1729 = arith.index_cast %add3A_1728 : i32 to index
        %get3A_1730 = tpu.vector_load %arg7[%get3A_1729] {strides = array<i32>} : memref<49152xf32, #tpu.memory_space<vmem>>, vector<16xf32>,
        %get3A_1731 = vector.shape_cast %get3A_1730 : vector<16xf32> to vector<16xf32>
        %sub3A_1732 = arith.subf %get3A_1731, %mul3A_830 : vector<16xf32>
        %get3A_1733 = arith.constant 608 : index
        %get3A_1734 = tpu.vector_load %arg9[%get3A_1733] {strides = array<i32>} : memref<768xf32, #tpu.memory_space<vmem>>, vector<16xf32>,
        %get3A_1735 = vector.shape_cast %get3A_1734 : vector<16xf32> to vector<16xf32>
        %mul3A_1736 = arith.mulf %div3A_1004, %get3A_1735 : vector<16xf32>
        %mul3A_1737 = arith.mulf %sub3A_1732, %mul3A_1736 : vector<16xf32>
        %get3A_1738 = arith.constant 608 : index
        %get3A_1739 = tpu.vector_load %arg10[%get3A_1738] {strides = array<i32>} : memref<768xf32, #tpu.memory_space<vmem>>, vector<16xf32>,
        %get3A_1740 = vector.shape_cast %get3A_1739 : vector<16xf32> to vector<16xf32>
        %add3A_1741 = arith.addf %mul3A_1737, %get3A_1740 : vector<16xf32>
        %swap3A_1742 = arith.index_cast %add3A_1728 : i32 to index
        %swap3A_1743 = tpu.vector_load %arg7[%swap3A_1742] {strides = array<i32>} : memref<49152xf32, #tpu.memory_space<vmem>>, vector<16xf32>,
        %swap3A_1744 = vector.shape_cast %swap3A_1743 : vector<16xf32> to vector<16xf32>
        %swap3A_1745 = vector.shape_cast %add3A_1741 : vector<16xf32> to vector<16xf32>
        tpu.vector_store %arg7[%swap3A_1742], %swap3A_1745 {strides = array<i32>} : memref<49152xf32, #tpu.memory_space<vmem>>, vector<16xf32>,
        %add3A_1746 = arith.constant 624 : i32
        %add3A_1747 = arith.addi %mul3A_32, %add3A_1746 : i32
        %get3A_1748 = arith.index_cast %add3A_1747 : i32 to index
        %get3A_1749 = tpu.vector_load %arg7[%get3A_1748] {strides = array<i32>} : memref<49152xf32, #tpu.memory_space<vmem>>, vector<16xf32>,
        %get3A_1750 = vector.shape_cast %get3A_1749 : vector<16xf32> to vector<16xf32>
        %sub3A_1751 = arith.subf %get3A_1750, %mul3A_830 : vector<16xf32>
        %get3A_1752 = arith.constant 624 : index
        %get3A_1753 = tpu.vector_load %arg9[%get3A_1752] {strides = array<i32>} : memref<768xf32, #tpu.memory_space<vmem>>, vector<16xf32>,
        %get3A_1754 = vector.shape_cast %get3A_1753 : vector<16xf32> to vector<16xf32>
        %mul3A_1755 = arith.mulf %div3A_1004, %get3A_1754 : vector<16xf32>
        %mul3A_1756 = arith.mulf %sub3A_1751, %mul3A_1755 : vector<16xf32>
        %get3A_1757 = arith.constant 624 : index
        %get3A_1758 = tpu.vector_load %arg10[%get3A_1757] {strides = array<i32>} : memref<768xf32, #tpu.memory_space<vmem>>, vector<16xf32>,
        %get3A_1759 = vector.shape_cast %get3A_1758 : vector<16xf32> to vector<16xf32>
        %add3A_1760 = arith.addf %mul3A_1756, %get3A_1759 : vector<16xf32>
        %swap3A_1761 = arith.index_cast %add3A_1747 : i32 to index
        %swap3A_1762 = tpu.vector_load %arg7[%swap3A_1761] {strides = array<i32>} : memref<49152xf32, #tpu.memory_space<vmem>>, vector<16xf32>,
        %swap3A_1763 = vector.shape_cast %swap3A_1762 : vector<16xf32> to vector<16xf32>
        %swap3A_1764 = vector.shape_cast %add3A_1760 : vector<16xf32> to vector<16xf32>
        tpu.vector_store %arg7[%swap3A_1761], %swap3A_1764 {strides = array<i32>} : memref<49152xf32, #tpu.memory_space<vmem>>, vector<16xf32>,
        %add3A_1765 = arith.constant 640 : i32
        %add3A_1766 = arith.addi %mul3A_32, %add3A_1765 : i32
        %get3A_1767 = arith.index_cast %add3A_1766 : i32 to index
        %get3A_1768 = tpu.vector_load %arg7[%get3A_1767] {strides = array<i32>} : memref<49152xf32, #tpu.memory_space<vmem>>, vector<16xf32>,
        %get3A_1769 = vector.shape_cast %get3A_1768 : vector<16xf32> to vector<16xf32>
        %sub3A_1770 = arith.subf %get3A_1769, %mul3A_830 : vector<16xf32>
        %get3A_1771 = arith.constant 640 : index
        %get3A_1772 = tpu.vector_load %arg9[%get3A_1771] {strides = array<i32>} : memref<768xf32, #tpu.memory_space<vmem>>, vector<16xf32>,
        %get3A_1773 = vector.shape_cast %get3A_1772 : vector<16xf32> to vector<16xf32>
        %mul3A_1774 = arith.mulf %div3A_1004, %get3A_1773 : vector<16xf32>
        %mul3A_1775 = arith.mulf %sub3A_1770, %mul3A_1774 : vector<16xf32>
        %get3A_1776 = arith.constant 640 : index
        %get3A_1777 = tpu.vector_load %arg10[%get3A_1776] {strides = array<i32>} : memref<768xf32, #tpu.memory_space<vmem>>, vector<16xf32>,
        %get3A_1778 = vector.shape_cast %get3A_1777 : vector<16xf32> to vector<16xf32>
        %add3A_1779 = arith.addf %mul3A_1775, %get3A_1778 : vector<16xf32>
        %swap3A_1780 = arith.index_cast %add3A_1766 : i32 to index
        %swap3A_1781 = tpu.vector_load %arg7[%swap3A_1780] {strides = array<i32>} : memref<49152xf32, #tpu.memory_space<vmem>>, vector<16xf32>,
        %swap3A_1782 = vector.shape_cast %swap3A_1781 : vector<16xf32> to vector<16xf32>
        %swap3A_1783 = vector.shape_cast %add3A_1779 : vector<16xf32> to vector<16xf32>
        tpu.vector_store %arg7[%swap3A_1780], %swap3A_1783 {strides = array<i32>} : memref<49152xf32, #tpu.memory_space<vmem>>, vector<16xf32>,
        %add3A_1784 = arith.constant 656 : i32
        %add3A_1785 = arith.addi %mul3A_32, %add3A_1784 : i32
        %get3A_1786 = arith.index_cast %add3A_1785 : i32 to index
        %get3A_1787 = tpu.vector_load %arg7[%get3A_1786] {strides = array<i32>} : memref<49152xf32, #tpu.memory_space<vmem>>, vector<16xf32>,
        %get3A_1788 = vector.shape_cast %get3A_1787 : vector<16xf32> to vector<16xf32>
        %sub3A_1789 = arith.subf %get3A_1788, %mul3A_830 : vector<16xf32>
        %get3A_1790 = arith.constant 656 : index
        %get3A_1791 = tpu.vector_load %arg9[%get3A_1790] {strides = array<i32>} : memref<768xf32, #tpu.memory_space<vmem>>, vector<16xf32>,
        %get3A_1792 = vector.shape_cast %get3A_1791 : vector<16xf32> to vector<16xf32>
        %mul3A_1793 = arith.mulf %div3A_1004, %get3A_1792 : vector<16xf32>
        %mul3A_1794 = arith.mulf %sub3A_1789, %mul3A_1793 : vector<16xf32>
        %get3A_1795 = arith.constant 656 : index
        %get3A_1796 = tpu.vector_load %arg10[%get3A_1795] {strides = array<i32>} : memref<768xf32, #tpu.memory_space<vmem>>, vector<16xf32>,
        %get3A_1797 = vector.shape_cast %get3A_1796 : vector<16xf32> to vector<16xf32>
        %add3A_1798 = arith.addf %mul3A_1794, %get3A_1797 : vector<16xf32>
        %swap3A_1799 = arith.index_cast %add3A_1785 : i32 to index
        %swap3A_1800 = tpu.vector_load %arg7[%swap3A_1799] {strides = array<i32>} : memref<49152xf32, #tpu.memory_space<vmem>>, vector<16xf32>,
        %swap3A_1801 = vector.shape_cast %swap3A_1800 : vector<16xf32> to vector<16xf32>
        %swap3A_1802 = vector.shape_cast %add3A_1798 : vector<16xf32> to vector<16xf32>
        tpu.vector_store %arg7[%swap3A_1799], %swap3A_1802 {strides = array<i32>} : memref<49152xf32, #tpu.memory_space<vmem>>, vector<16xf32>,
        %add3A_1803 = arith.constant 672 : i32
        %add3A_1804 = arith.addi %mul3A_32, %add3A_1803 : i32
        %get3A_1805 = arith.index_cast %add3A_1804 : i32 to index
        %get3A_1806 = tpu.vector_load %arg7[%get3A_1805] {strides = array<i32>} : memref<49152xf32, #tpu.memory_space<vmem>>, vector<16xf32>,
        %get3A_1807 = vector.shape_cast %get3A_1806 : vector<16xf32> to vector<16xf32>
        %sub3A_1808 = arith.subf %get3A_1807, %mul3A_830 : vector<16xf32>
        %get3A_1809 = arith.constant 672 : index
        %get3A_1810 = tpu.vector_load %arg9[%get3A_1809] {strides = array<i32>} : memref<768xf32, #tpu.memory_space<vmem>>, vector<16xf32>,
        %get3A_1811 = vector.shape_cast %get3A_1810 : vector<16xf32> to vector<16xf32>
        %mul3A_1812 = arith.mulf %div3A_1004, %get3A_1811 : vector<16xf32>
        %mul3A_1813 = arith.mulf %sub3A_1808, %mul3A_1812 : vector<16xf32>
        %get3A_1814 = arith.constant 672 : index
        %get3A_1815 = tpu.vector_load %arg10[%get3A_1814] {strides = array<i32>} : memref<768xf32, #tpu.memory_space<vmem>>, vector<16xf32>,
        %get3A_1816 = vector.shape_cast %get3A_1815 : vector<16xf32> to vector<16xf32>
        %add3A_1817 = arith.addf %mul3A_1813, %get3A_1816 : vector<16xf32>
        %swap3A_1818 = arith.index_cast %add3A_1804 : i32 to index
        %swap3A_1819 = tpu.vector_load %arg7[%swap3A_1818] {strides = array<i32>} : memref<49152xf32, #tpu.memory_space<vmem>>, vector<16xf32>,
        %swap3A_1820 = vector.shape_cast %swap3A_1819 : vector<16xf32> to vector<16xf32>
        %swap3A_1821 = vector.shape_cast %add3A_1817 : vector<16xf32> to vector<16xf32>
        tpu.vector_store %arg7[%swap3A_1818], %swap3A_1821 {strides = array<i32>} : memref<49152xf32, #tpu.memory_space<vmem>>, vector<16xf32>,
        %add3A_1822 = arith.constant 688 : i32
        %add3A_1823 = arith.addi %mul3A_32, %add3A_1822 : i32
        %get3A_1824 = arith.index_cast %add3A_1823 : i32 to index
        %get3A_1825 = tpu.vector_load %arg7[%get3A_1824] {strides = array<i32>} : memref<49152xf32, #tpu.memory_space<vmem>>, vector<16xf32>,
        %get3A_1826 = vector.shape_cast %get3A_1825 : vector<16xf32> to vector<16xf32>
        %sub3A_1827 = arith.subf %get3A_1826, %mul3A_830 : vector<16xf32>
        %get3A_1828 = arith.constant 688 : index
        %get3A_1829 = tpu.vector_load %arg9[%get3A_1828] {strides = array<i32>} : memref<768xf32, #tpu.memory_space<vmem>>, vector<16xf32>,
        %get3A_1830 = vector.shape_cast %get3A_1829 : vector<16xf32> to vector<16xf32>
        %mul3A_1831 = arith.mulf %div3A_1004, %get3A_1830 : vector<16xf32>
        %mul3A_1832 = arith.mulf %sub3A_1827, %mul3A_1831 : vector<16xf32>
        %get3A_1833 = arith.constant 688 : index
        %get3A_1834 = tpu.vector_load %arg10[%get3A_1833] {strides = array<i32>} : memref<768xf32, #tpu.memory_space<vmem>>, vector<16xf32>,
        %get3A_1835 = vector.shape_cast %get3A_1834 : vector<16xf32> to vector<16xf32>
        %add3A_1836 = arith.addf %mul3A_1832, %get3A_1835 : vector<16xf32>
        %swap3A_1837 = arith.index_cast %add3A_1823 : i32 to index
        %swap3A_1838 = tpu.vector_load %arg7[%swap3A_1837] {strides = array<i32>} : memref<49152xf32, #tpu.memory_space<vmem>>, vector<16xf32>,
        %swap3A_1839 = vector.shape_cast %swap3A_1838 : vector<16xf32> to vector<16xf32>
        %swap3A_1840 = vector.shape_cast %add3A_1836 : vector<16xf32> to vector<16xf32>
        tpu.vector_store %arg7[%swap3A_1837], %swap3A_1840 {strides = array<i32>} : memref<49152xf32, #tpu.memory_space<vmem>>, vector<16xf32>,
        %add3A_1841 = arith.constant 704 : i32
        %add3A_1842 = arith.addi %mul3A_32, %add3A_1841 : i32
        %get3A_1843 = arith.index_cast %add3A_1842 : i32 to index
        %get3A_1844 = tpu.vector_load %arg7[%get3A_1843] {strides = array<i32>} : memref<49152xf32, #tpu.memory_space<vmem>>, vector<16xf32>,
        %get3A_1845 = vector.shape_cast %get3A_1844 : vector<16xf32> to vector<16xf32>
        %sub3A_1846 = arith.subf %get3A_1845, %mul3A_830 : vector<16xf32>
        %get3A_1847 = arith.constant 704 : index
        %get3A_1848 = tpu.vector_load %arg9[%get3A_1847] {strides = array<i32>} : memref<768xf32, #tpu.memory_space<vmem>>, vector<16xf32>,
        %get3A_1849 = vector.shape_cast %get3A_1848 : vector<16xf32> to vector<16xf32>
        %mul3A_1850 = arith.mulf %div3A_1004, %get3A_1849 : vector<16xf32>
        %mul3A_1851 = arith.mulf %sub3A_1846, %mul3A_1850 : vector<16xf32>
        %get3A_1852 = arith.constant 704 : index
        %get3A_1853 = tpu.vector_load %arg10[%get3A_1852] {strides = array<i32>} : memref<768xf32, #tpu.memory_space<vmem>>, vector<16xf32>,
        %get3A_1854 = vector.shape_cast %get3A_1853 : vector<16xf32> to vector<16xf32>
        %add3A_1855 = arith.addf %mul3A_1851, %get3A_1854 : vector<16xf32>
        %swap3A_1856 = arith.index_cast %add3A_1842 : i32 to index
        %swap3A_1857 = tpu.vector_load %arg7[%swap3A_1856] {strides = array<i32>} : memref<49152xf32, #tpu.memory_space<vmem>>, vector<16xf32>,
        %swap3A_1858 = vector.shape_cast %swap3A_1857 : vector<16xf32> to vector<16xf32>
        %swap3A_1859 = vector.shape_cast %add3A_1855 : vector<16xf32> to vector<16xf32>
        tpu.vector_store %arg7[%swap3A_1856], %swap3A_1859 {strides = array<i32>} : memref<49152xf32, #tpu.memory_space<vmem>>, vector<16xf32>,
        %add3A_1860 = arith.constant 720 : i32
        %add3A_1861 = arith.addi %mul3A_32, %add3A_1860 : i32
        %get3A_1862 = arith.index_cast %add3A_1861 : i32 to index
        %get3A_1863 = tpu.vector_load %arg7[%get3A_1862] {strides = array<i32>} : memref<49152xf32, #tpu.memory_space<vmem>>, vector<16xf32>,
        %get3A_1864 = vector.shape_cast %get3A_1863 : vector<16xf32> to vector<16xf32>
        %sub3A_1865 = arith.subf %get3A_1864, %mul3A_830 : vector<16xf32>
        %get3A_1866 = arith.constant 720 : index
        %get3A_1867 = tpu.vector_load %arg9[%get3A_1866] {strides = array<i32>} : memref<768xf32, #tpu.memory_space<vmem>>, vector<16xf32>,
        %get3A_1868 = vector.shape_cast %get3A_1867 : vector<16xf32> to vector<16xf32>
        %mul3A_1869 = arith.mulf %div3A_1004, %get3A_1868 : vector<16xf32>
        %mul3A_1870 = arith.mulf %sub3A_1865, %mul3A_1869 : vector<16xf32>
        %get3A_1871 = arith.constant 720 : index
        %get3A_1872 = tpu.vector_load %arg10[%get3A_1871] {strides = array<i32>} : memref<768xf32, #tpu.memory_space<vmem>>, vector<16xf32>,
        %get3A_1873 = vector.shape_cast %get3A_1872 : vector<16xf32> to vector<16xf32>
        %add3A_1874 = arith.addf %mul3A_1870, %get3A_1873 : vector<16xf32>
        %swap3A_1875 = arith.index_cast %add3A_1861 : i32 to index
        %swap3A_1876 = tpu.vector_load %arg7[%swap3A_1875] {strides = array<i32>} : memref<49152xf32, #tpu.memory_space<vmem>>, vector<16xf32>,
        %swap3A_1877 = vector.shape_cast %swap3A_1876 : vector<16xf32> to vector<16xf32>
        %swap3A_1878 = vector.shape_cast %add3A_1874 : vector<16xf32> to vector<16xf32>
        tpu.vector_store %arg7[%swap3A_1875], %swap3A_1878 {strides = array<i32>} : memref<49152xf32, #tpu.memory_space<vmem>>, vector<16xf32>,
        %add3A_1879 = arith.constant 736 : i32
        %add3A_1880 = arith.addi %mul3A_32, %add3A_1879 : i32
        %get3A_1881 = arith.index_cast %add3A_1880 : i32 to index
        %get3A_1882 = tpu.vector_load %arg7[%get3A_1881] {strides = array<i32>} : memref<49152xf32, #tpu.memory_space<vmem>>, vector<16xf32>,
        %get3A_1883 = vector.shape_cast %get3A_1882 : vector<16xf32> to vector<16xf32>
        %sub3A_1884 = arith.subf %get3A_1883, %mul3A_830 : vector<16xf32>
        %get3A_1885 = arith.constant 736 : index
        %get3A_1886 = tpu.vector_load %arg9[%get3A_1885] {strides = array<i32>} : memref<768xf32, #tpu.memory_space<vmem>>, vector<16xf32>,
        %get3A_1887 = vector.shape_cast %get3A_1886 : vector<16xf32> to vector<16xf32>
        %mul3A_1888 = arith.mulf %div3A_1004, %get3A_1887 : vector<16xf32>
        %mul3A_1889 = arith.mulf %sub3A_1884, %mul3A_1888 : vector<16xf32>
        %get3A_1890 = arith.constant 736 : index
        %get3A_1891 = tpu.vector_load %arg10[%get3A_1890] {strides = array<i32>} : memref<768xf32, #tpu.memory_space<vmem>>, vector<16xf32>,
        %get3A_1892 = vector.shape_cast %get3A_1891 : vector<16xf32> to vector<16xf32>
        %add3A_1893 = arith.addf %mul3A_1889, %get3A_1892 : vector<16xf32>
        %swap3A_1894 = arith.index_cast %add3A_1880 : i32 to index
        %swap3A_1895 = tpu.vector_load %arg7[%swap3A_1894] {strides = array<i32>} : memref<49152xf32, #tpu.memory_space<vmem>>, vector<16xf32>,
        %swap3A_1896 = vector.shape_cast %swap3A_1895 : vector<16xf32> to vector<16xf32>
        %swap3A_1897 = vector.shape_cast %add3A_1893 : vector<16xf32> to vector<16xf32>
        tpu.vector_store %arg7[%swap3A_1894], %swap3A_1897 {strides = array<i32>} : memref<49152xf32, #tpu.memory_space<vmem>>, vector<16xf32>,
        %add3A_1898 = arith.constant 752 : i32
        %add3A_1899 = arith.addi %mul3A_32, %add3A_1898 : i32
        %get3A_1900 = arith.index_cast %add3A_1899 : i32 to index
        %get3A_1901 = tpu.vector_load %arg7[%get3A_1900] {strides = array<i32>} : memref<49152xf32, #tpu.memory_space<vmem>>, vector<16xf32>,
        %get3A_1902 = vector.shape_cast %get3A_1901 : vector<16xf32> to vector<16xf32>
        %sub3A_1903 = arith.subf %get3A_1902, %mul3A_830 : vector<16xf32>
        %get3A_1904 = arith.constant 752 : index
        %get3A_1905 = tpu.vector_load %arg9[%get3A_1904] {strides = array<i32>} : memref<768xf32, #tpu.memory_space<vmem>>, vector<16xf32>,
        %get3A_1906 = vector.shape_cast %get3A_1905 : vector<16xf32> to vector<16xf32>
        %mul3A_1907 = arith.mulf %div3A_1004, %get3A_1906 : vector<16xf32>
        %mul3A_1908 = arith.mulf %sub3A_1903, %mul3A_1907 : vector<16xf32>
        %get3A_1909 = arith.constant 752 : index
        %get3A_1910 = tpu.vector_load %arg10[%get3A_1909] {strides = array<i32>} : memref<768xf32, #tpu.memory_space<vmem>>, vector<16xf32>,
        %get3A_1911 = vector.shape_cast %get3A_1910 : vector<16xf32> to vector<16xf32>
        %add3A_1912 = arith.addf %mul3A_1908, %get3A_1911 : vector<16xf32>
        %swap3A_1913 = arith.index_cast %add3A_1899 : i32 to index
        %swap3A_1914 = tpu.vector_load %arg7[%swap3A_1913] {strides = array<i32>} : memref<49152xf32, #tpu.memory_space<vmem>>, vector<16xf32>,
        %swap3A_1915 = vector.shape_cast %swap3A_1914 : vector<16xf32> to vector<16xf32>
        %swap3A_1916 = vector.shape_cast %add3A_1912 : vector<16xf32> to vector<16xf32>
        tpu.vector_store %arg7[%swap3A_1913], %swap3A_1916 {strides = array<i32>} : memref<49152xf32, #tpu.memory_space<vmem>>, vector<16xf32>,
        %scan3A_1917 = arith.constant 0 : i32
        scf.yield %scan3A_1917 : i32
      }
      %scan3A_25 = arith.constant 64 : i32
      %mul3A_26 = arith.constant 768 : i32
      %mul3A_27 = arith.muli %add3A_13, %mul3A_26 : i32
      "tpu.region"() ({
        %run_scoped3A = tpu.sem_alloc : memref<!tpu.dma_semaphore, #tpu.memory_space<semaphore_mem>>
        %dma_start3A = tpu.memref_slice %arg6[%mul3A_27] : memref<25165824xf32, #tpu.memory_space<hbm>> -> memref<49152xf32, #tpu.memory_space<hbm>>
        %dma_start3A_29 = tpu.memref_slice %arg6[%mul3A_27] : memref<25165824xf32, #tpu.memory_space<hbm>> -> memref<49152xf32, #tpu.memory_space<hbm>>
        tpu.enqueue_dma source(%arg7 : memref<49152xf32, #tpu.memory_space<vmem>>) target(%dma_start3A_29 : memref<49152xf32, #tpu.memory_space<hbm>>) target_semaphore(%run_scoped3A : memref<!tpu.dma_semaphore, #tpu.memory_space<semaphore_mem>>)
        %dma_wait3A = tpu.memref_slice %arg6[%mul3A_27] : memref<25165824xf32, #tpu.memory_space<hbm>> -> memref<49152xf32, #tpu.memory_space<hbm>>
        %dma_wait3A_30 = tpu.memref_slice %arg6[%mul3A_27] : memref<25165824xf32, #tpu.memory_space<hbm>> -> memref<49152xf32, #tpu.memory_space<hbm>>
        tpu.wait_dma2 semaphore(%run_scoped3A : memref<!tpu.dma_semaphore, #tpu.memory_space<semaphore_mem>>) src(%arg7 : memref<49152xf32, #tpu.memory_space<vmem>>) dst(%dma_wait3A_30 : memref<49152xf32, #tpu.memory_space<hbm>>)
        tpu.yield
      }) : () -> ()
      %scan3A_28 = arith.constant 0 : i32
      scf.yield %scan3A_28 : i32
    }
    %scan3A_6 = arith.constant 16 : i32
    return
  }
}

</mosaic_0001>

<sc_bundles>
// kernel: kernel.3.cloned.1.call-start
scs
__scs_entry_jumppad:
0x0: {  	(pc) =	sbr.rel $0x88, $3  }
0x1: {  	(tag) =	ssettag $0x0;
	lr =	simm.s32 $0x1  }
0x2: {  	[smem:$0x3F9D] =	sst lr;
	_ =	strace $0xD0000000  }
0x3: {  	_ = 	snop  }
0x4: {  	_ = 	snop  }
0x5: {  	_ = 	snop  }
0x6: {  	_ = 	snop  }
0x7: {  	_ = 	snop  }
__scs_overlays_trampoline_lowered:
0x8: {  	[smem:$0x3FAC] =	sst s0  }
0x9: {  	[smem:$0x3FAD] =	sst s1  }
0xa: {  	[smem:$0x3FAE] =	sst s2  }
0xb: {  	[smem:$0x3FAF] =	sst s3  }
0xc: {  	[smem:$0x3FB0] =	sst s4  }
0xd: {  	[smem:$0x3FB1] =	sst s5  }
0xe: {  	[smem:$0x3FB2] =	sst s6  }
0xf: {  	[smem:$0x3FB3] =	sst s7  }
0x10: {  	[smem:$0x3FB4] =	sst s8  }
0x11: {  	[smem:$0x3FB5] =	sst s9;
	s0 =	simm.s32 @!p0 $0x0  }
0x12: {  	s1 =	sld [smem:$0x3F9B];
	s0 =	simm.s32 @p0 $0x1  }
0x13: {  	[smem:$0x3FB6] =	sst s0;
	s0 =	simm.s32 @!p1 $0x0  }
0x14: {  	s2 =	sld [smem:$0x3F9A];
	s0 =	simm.s32 @p1 $0x1  }
0x15: {  	[smem:$0x3FB7] =	sst s0;
	s0 =	simm.s32 @!p2 $0x0  }
0x16: {  	s3 =	sld [smem:$0x3FDB];
	s0 =	simm.s32 @p2 $0x1  }
0x17: {  	s4 =	simm.s32 $0x1BF5;
	[smem:$0x3FB9] =	sst s0  }
0x18: {  	s0 =	sld [smem:$0x3F9C];
	_ =	swait.ge [sflag:s4], $0x0  }
0x19: {  	s7 =	sld [smem:$0x3F9D]  }
0x1a: {  	s8 =	sadd.s32 $0xFFFFE003, lr  }
0x1b: {  	s9 =	sadd.s32 $0xFFFFFEF7, lr;
	s5 =	simm.s32 $0xFFFFFFFF;
	p2 =	slt.u32 s8, $0xFFFFF086  }
0x1c: {  	p1 =	slt.u32 s9, $0xF7A;
	s5 =	simm.s32 @!p2 $0x0  }
0x1d: {  	s5 =	simm.s32 @p1 $0x1;
	p0 =	seq.s32 s7, s2  }
0x1e: {  	s7 =	smul.u32 @!p0 $0xF7A, s2;
	p2 =	seq.s32 @!p0 s5, $0x0  }
0x1f: {  	s9 =	smul.u32 $0xF7A, s1;
	s8 =	simm.s32 @!p0 $0x1BF5;
	p2 =	por !p2, p0  }
0x20: {  	[sflag:s8] =	ssyncset.s32 @!p0 $0xFFFFF086;
	s6 =	sadd.s32 @!p0 s3, s7;
	s7 =	simm.s32 @!p0 $0x108  }
0x21: {  	s3 =	sadd.s32 s3, s9;
	s6 =	sadd.s32 @!p0 $0x88, s6;
	s7 =	simm.s32 @p2 $0x1082  }
0x22: {  	[simem:s7], [sflag:s8] =	dma.local @!p0 [hbm:s6], $0xF7A  }
0x23: {  	s9 =	sor.u32 $0xD0000000, s2;
	s6 =	simm.s32 $0x108;
	_ =	swait.ge @!p0 [sflag:s8], $0x0  }
0x24: {  	s3 =	sadd.s32 $0x88, s3;
	s6 =	simm.s32 @!p1 $0x1082;
	[sflag:s4] =	ssyncset.s32 $0xFFFFF086  }
0x25: {  	[simem:s6], [sflag:s4] =	dma.local [hbm:s3], $0xF7A  }
0x26: {  	[smem:$0x3F9D] =	sst s1;
	(tag) =	ssettag s2;
	_ =	strace s9  }
0x27: {  	s1 =	sld [smem:$0x3FAD]  }
0x28: {  	s2 =	sld [smem:$0x3FAE]  }
0x29: {  	s4 =	sld [smem:$0x3FB0]  }
0x2a: {  	p0 =	seq.s32 s5, $0x0;
	s5 =	sld [smem:$0x3FB1]  }
0x2b: {  	s6 =	sld [smem:$0x3FB2]  }
0x2c: {  	s7 =	sld [smem:$0x3FB3]  }
0x2d: {  	s3 =	simm.s32 $0x108;
	s8 =	sld [smem:$0x3FB4]  }
0x2e: {  	s3 =	simm.s32 @!p0 $0x1082;
	s9 =	sld [smem:$0x3FB5]  }
0x2f: {  	lr =	sadd.s32 s0, s3;
	s0 =	sld [smem:$0x3FAC]  }
0x30: {  	s3 =	sld [smem:$0x3FAF]  }
0x31: {  	[smem:$0x3FB8] =	sst s10  }
0x32: {  	s10 =	sld [smem:$0x3FB6];
	_ =	sdelay $0x3  }
0x33: {  	p0 =	seq.s32 s10, $0x1;
	s10 =	sld [smem:$0x3FB8];
	_ =	sdelay $0x3  }
0x34: {  	[smem:$0x3FB8] =	sst s10  }
0x35: {  	s10 =	sld [smem:$0x3FB7];
	_ =	sdelay $0x3  }
0x36: {  	p1 =	seq.s32 s10, $0x1;
	s10 =	sld [smem:$0x3FB8];
	_ =	sdelay $0x3  }
0x37: {  	[smem:$0x3FB8] =	sst s10  }
0x38: {  	s10 =	sld [smem:$0x3FB9]  }
0x39: {  	_ = 	snop;
	(pc) =	sbr.ind lr, $3  }
0x3a: {  	_ = 	snop  }
0x3b: {  	_ = 	snop  }
0x3c: {  	p2 =	seq.s32 s10, $0x1;
	s10 =	sld [smem:$0x3FB8]  }
0x3d: {  	_ =	shalt  }
0x3e: {  	_ =	shalt  }
0x3f: {  	_ =	shalt  }
0x40: {  	_ =	shalt  }
0x41: {  	_ =	shalt  }
0x42: {  	_ =	shalt  }
0x43: {  	_ =	shalt  }
0x44: {  	_ =	shalt  }
0x45: {  	_ =	shalt  }
0x46: {  	_ =	shalt  }
0x47: {  	_ =	shalt  }
0x48: {  	_ =	shalt  }
0x49: {  	_ =	shalt  }
0x4a: {  	_ =	shalt  }
0x4b: {  	_ =	shalt  }
0x4c: {  	_ =	shalt  }
0x4d: {  	_ =	shalt  }
0x4e: {  	_ =	shalt  }
0x4f: {  	_ =	shalt  }
0x50: {  	_ =	shalt  }
0x51: {  	_ =	shalt  }
0x52: {  	_ =	shalt  }
0x53: {  	_ =	shalt  }
0x54: {  	_ =	shalt  }
0x55: {  	_ =	shalt  }
0x56: {  	_ =	shalt  }
0x57: {  	_ =	shalt  }
0x58: {  	_ =	shalt  }
0x59: {  	_ =	shalt  }
0x5a: {  	_ =	shalt  }
0x5b: {  	_ =	shalt  }
0x5c: {  	_ =	shalt  }
0x5d: {  	_ =	shalt  }
0x5e: {  	_ =	shalt  }
0x5f: {  	_ =	shalt  }
0x60: {  	_ =	shalt  }
0x61: {  	_ =	shalt  }
0x62: {  	_ =	shalt  }
0x63: {  	_ =	shalt  }
0x64: {  	_ =	shalt  }
0x65: {  	_ =	shalt  }
0x66: {  	_ =	shalt  }
0x67: {  	_ =	shalt  }
0x68: {  	_ =	shalt  }
0x69: {  	_ =	shalt  }
0x6a: {  	_ =	shalt  }
0x6b: {  	_ =	shalt  }
0x6c: {  	_ =	shalt  }
0x6d: {  	_ =	shalt  }
0x6e: {  	_ =	shalt  }
0x6f: {  	_ =	shalt  }
0x70: {  	_ =	shalt  }
0x71: {  	_ =	shalt  }
0x72: {  	_ =	shalt  }
0x73: {  	_ =	shalt  }
0x74: {  	_ =	shalt  }
0x75: {  	_ =	shalt  }
0x76: {  	_ =	shalt  }
0x77: {  	_ =	shalt  }
0x78: {  	_ =	shalt  }
0x79: {  	_ =	shalt  }
0x7a: {  	_ =	shalt  }
0x7b: {  	_ =	shalt  }
0x7c: {  	_ =	shalt  }
0x7d: {  	_ =	shalt  }
0x7e: {  	_ =	shalt  }
0x7f: {  	_ =	shalt  }
0x80: {  	_ =	shalt  }
0x81: {  	_ =	shalt  }
0x82: {  	_ =	shalt  }
0x83: {  	_ =	shalt  }
0x84: {  	_ =	shalt  }
0x85: {  	_ =	shalt  }
0x86: {  	_ =	shalt  }
0x87: {  	_ =	shalt  }
.Lfunc_end0:
.L_simem_size_0:
called_computation_lowered:
.L_overlay_start_0:
0x88: {  	s2 =	sld [smem:$0x3FD9]  }
0x89: {  	s3 =	sld [smem:$0x3FFE];
	_ =	sdelay $0x1  }
0x8a: {  	s1 =	srdreg.scid  }
0x8b: {  	s0 =	sand.u32 $0x1, s1  }
0x8c: {  	s17 =	sshll.u32 s0, $0xA;
	s2 =	sadd.s32 s3, s2  }
0x8d: {  	s2 =	sadd.s32 s2, s17  }
0x8e: {  	[smem:$0x3FC4] =	sst s2  }
0x8f: {  	_ = 	snop  }
0x90: {  	s2 =	sld [smem:$0x3FC7]  }
0x91: {  	s18 =	sld [smem:$0x3FC6]  }
0x92: {  	s4 =	sld [smem:$0x3FD0];
	(tm) =	ssettm $0x1  }
0x93: {  	s5 =	sld [smem:$0x3FFB];
	_ =	sdelay $0x3  }
0x94: {  	_ =	strace s5  }
0x95: {  	s5 =	sld [smem:$0x3FFC];
	_ =	sdelay $0x3  }
0x96: {  	_ =	strace s5  }
0x97: {  	s5 =	sld [smem:$0x3FFD];
	_ =	sdelay $0x3  }
0x98: {  	_ =	strace s5  }
0x99: {  	_ =	strace $0x8FFFFFFF  }
0x9a: {  	s19 =	sld [smem:$0x3FDB];
	_ =	sdelay $0x1  }
0x9b: {  	s6 =	simm.s32 $_scs_section_size  }
0x9c: {  	s7 =	simm.s32 $_size__tile_overlayer_lowered;
	s8 =	simm.s32 $_tile_overlayer_lowered  }
0x9d: {  	s22 =	simm.s32 $0x1BFF;
	s21 =	sshll.u32 s8, $0x1;
	s5 =	sadd.s32 s6, s19  }
0x9e: {  	s9 =	simm.s32 $0x0;
	s20 =	sshll.u32 s7, $0x1;
	s7 =	sadd.s32 s21, s5  }
0x9f: {  	[timem:s9], [sflag:s22] =	dma.local [hbm:s7], s20  }
0xa0: {  	_ =	swait.ge [sflag:s22], s20  }
0xa1: {  	s6 =	ssub.s32 $0x0, s20;
	[sflag:s22] =	ssyncset.done $0x0  }
0xa2: {  	[sflag:s22] =	ssyncadd.s32 s6;
	_ =	sdelay $0x1  }
0xa3: {  	s23 =	simm.s32 $0x1B8B  }
0xa4: {  	_ =	swait.ge [sflag:s23], $0x1  }
0xa5: {  	[sflag:s23] =	ssyncset.done $0x0  }
0xa6: {  	s25 =	simm.s32 $0x1B8E;
	s24 =	sld [smem:$0x3FFE];
	[sflag:s23] =	ssyncadd.s32 $0xFFFFFFFF  }
0xa7: {  	s26 =	simm.s32 $execute0_lowered;
	[smem:$0x3FD2] =	sst s25  }
0xa8: {  	s7 =	sshll.u32 s26, $0x1;
	_ =	strace $0x80000046;
	[dreg:$0x1] =	wrdreg $0xFFFFFFFF  }
0xa9: {  	s28 =	simm.s32 $_size_execute0_lowered;
	s5 =	sadd.s32 s5, s7;
	[dreg:$0x0] =	wrdreg $0x0  }
0xaa: {  	s7 =	sshll.u32 s28, $0x1;
	[dreg:$0x2] =	wrdreg s5  }
0xab: {  	[dreg:$0x3] =	wrdreg s7  }
0xac: {  	[dreg:$0x4] =	wrdreg $0xC0  }
0xad: {  	_ =	task [dreg:s9], $0x5FFFF  }
0xae: {  	[dreg:$0x1] =	wrdreg $0xFFFFFFFF  }
0xaf: {  	[dreg:$0x0] =	wrdreg $0x60  }
0xb0: {  	[dreg:$0x2] =	wrdreg s4  }
0xb1: {  	[dreg:$0x3] =	wrdreg s24  }
0xb2: {  	[dreg:$0x4] =	wrdreg s2  }
0xb3: {  	[dreg:$0x5] =	wrdreg s18  }
0xb4: {  	[dreg:$0x6] =	wrdreg $0x9  }
0xb5: {  	_ =	task.clear_ibuf [dreg:s9], $0x7FFFF;
	_ =	strace $0x90000046  }
0xb6: {  	s29 =	simm.s32 $0x9;
	_ =	strace $0x80000048  }
0xb7: {  	_ =	swait.ge [sflag:s29], $0x1  }
0xb8: {  	[sflag:s29] =	ssyncadd.s32 $0xFFFFFFFF  }
0xb9: {  	_ =	strace $0x90000048  }
0xba: {  	_ =	sfence  }
0xbb: {  	s30 =	sld [smem:$0x0];
	_ =	sdelay $0x2  }
0xbc: {  	s31 =	sshll.u32 s1, $0xD;
	s1 =	sshrl.u32 s1, $0x2  }
0xbd: {  	s3 =	sand.u32 $0x4000, s31;
	s1 =	sadd.s32 s1, s30  }
0xbe: {  	s0 =	sor.u32 s3, s0;
	s1 =	sshll.u32 s1, $0x11  }
0xbf: {  	s0 =	sor.u32 s1, s0  }
0xc0: {  	s0 =	sadd.s32 $0x8F2B, s0  }
0xc1: {  	[sflag:s0] =	ssyncadd.remote.s32 $0x1  }
0xc2: {  	_ =	sfence.sel $0xFFFF  }
0xc3: {  	[dreg:$0x0] =	wrdreg $0xFFFFFFFF;
	(pc) =	sbr.abs _section_cstart, $3  }
0xc4: {  	[dreg:$0x1] =	wrdreg $0xFFFFFFFF  }
0xc5: {  	_ =	task.clear_ibuf [dreg:s9], $0x2FFFF;
	_ =	strace $0x9FFFFFFF  }
0xc6: {  	(tm) =	ssettm $0x7FFFFFFF  }
0xc7: {  	_ =	shalt  }
tec
execute0_lowered:
.L_overlay_start_1:
0x0: {  	(tag) =	ssettag $0x1  }
0x1: {  	v0 =	vimm.s32 $0xFEDCBA98;
	v1 =	vimm.s32 $0x76543210  }
0x2: {  	s0 =	rddreg [dreg:$0x0];
	v2 =	vimm.s32 $0xBA98FEDC;
	v3 =	vimm.s32 $0x32107654;
	v4 =	vimm.s32 $0xDCFE98BA  }
0x3: {  	s7 =	rddreg [dreg:$0x1];
	v5 =	vimm.s32 $0x54761032;
	v6 =	vimm.s32 $0xEFCDAB89;
	v7 =	vimm.s32 $0x67452301  }
0x4: {  	s1 =	rddreg [dreg:$0x2];
	v0 =	vunpack.c.l.s4.s8 v0;
	v1 =	vunpack.c.l.s4.s8 v1;
	v2 =	vunpack.c.l.s4.s8 v2  }
0x5: {  	s3 =	rddreg [dreg:$0x3];
	v3 =	vunpack.c.l.s4.s8 v3;
	v4 =	vunpack.c.l.s4.s8 v4;
	v5 =	vunpack.c.l.s4.s8 v5  }
0x6: {  	s2 =	rddreg [dreg:$0x4];
	s4 =	simm.s32 $0x0;
	s5 =	srdreg.scid;
	v6 =	vunpack.c.l.s4.s8 v6;
	v7 =	vunpack.c.l.s4.s8 v7;
	v0 =	vunpack.c.0.s8.s32 v0  }
0x7: {  	s12 =	simm.s32 $0x18300;
	s13 =	simm.s32 $0xC000;
	s14 =	simm.s32 $0x0;
	v2 =	vunpack.c.0.s8.s32 v2;
	v3 =	vunpack.c.0.s8.s32 v3;
	v4 =	vunpack.c.0.s8.s32 v4  }
0x8: {  	[smem:$0x7FF] =	sst s4;
	s8 =	sand.u32 $0x1, s5;
	s6 =	sadd.s32 $0x400, s7;
	v5 =	vunpack.c.0.s8.s32 v5;
	v6 =	vunpack.c.0.s8.s32 v6;
	v7 =	vunpack.c.0.s8.s32 v7  }
0x9: {  	s5 =	stileid.u32;
	s7 =	sadd.s32 $0xC0400, s7;
	s9 =	ssub.s32 $0x2, s8;
	v1 =	vunpack.c.0.s8.s32 v1;
	v2 =	vcombine.low v3, v2  }
0xa: {  	s11 =	sshll.u32 s5, $0xB;
	s8 =	sshll.u32 s8, $0xA;
	s10 =	sshrl.u32 s9, $0x1;
	v3 =	vcombine.low v5, v4;
	v4 =	vcombine.low v7, v6;
	v0 =	vand.u32 $0xF, v0  }
0xb: {  	_ =	strace $0x80000047;
	s8 =	sor.u32 s8, s11;
	s9 =	ssub.s32 s9, s10;
	v0 =	vcombine.low v0, v1  }
0xc: {  	s11 =	simm.s32 $0x1;
	s10 =	simm.s32 $0x18000;
	s9 =	smax.u32 s9, $0x1;
	v1 =	vand.u32 $0xF, v2;
	v2 =	vand.u32 $0xF, v3;
	v3 =	vand.u32 $0xF, v4  }
.LBB2_1:
0xd: {  	[tilespmem:s10], [sflag:$0x1] =	stream.linear.gather [hbm4b:s1+s4], $0x300, $0x38;
	[tilespmem:$0x18600] =	vst v63  }
0xe: {  	_ =	swait.ge [sflag:s11], $0x300  }
0xf: {  	[sflag:s11] =	ssyncset.done $0x0  }
0x10: {  	[sflag:s11] =	ssyncadd.s32 $0xFFFFFD00  }
0x11: {  	[tilespmem:s12], [sflag:$0x1] =	stream.linear.gather [hbm4b:s3+s4], $0x300, $0x38;
	[tilespmem:$0x18600] =	vst v63  }
0x12: {  	_ =	swait.ge [sflag:s11], $0x300  }
0x13: {  	[sflag:s11] =	ssyncset.done $0x0  }
0x14: {  	s15 =	simm.s32 $0x0;
	[sflag:s11] =	ssyncadd.s32 $0xFFFFFD00  }
.LBB2_2:
0x15: {  	s16 =	sshll.u32 s15, $0x6  }
0x16: {  	s18 =	sadd.s32 s8, s16  }
0x17: {  	s16 =	smul.u32 $0x60, s18;
	_ =	sdelay $0x1  }
0x18: {  	s17 =	simm.s32 $0x0;
	s18 =	sand.u32 $0x1FC0, s18;
	s19 =	sadd.s32 s0, s16  }
0x19: {  	[tilespmem:s17], [sflag:$0x1] =	stream.linear.gather [hbm4b:s19+s17], $0xC000, $0x38;
	[tilespmem:$0x18600] =	vst v63  }
0x1a: {  	s18 =	smul.u32 $0x60, s18;
	_ =	swait.ge [sflag:s11], $0xC000  }
0x1b: {  	[sflag:s11] =	ssyncset.done $0x0  }
0x1c: {  	s18 =	sadd.s32 s6, s18;
	[sflag:s11] =	ssyncadd.s32 $0xFFFF4000  }
0x1d: {  	[tilespmem:s13], [sflag:$0x1] =	stream.linear.gather [hbm4b:s18+s17], $0xC000, $0x38;
	[tilespmem:$0x18600] =	vst v63  }
0x1e: {  	_ =	swait.ge [sflag:s11], $0xC000  }
0x1f: {  	[sflag:s11] =	ssyncset.done $0x0  }
0x20: {  	[sflag:s11] =	ssyncadd.s32 $0xFFFF4000  }
.LBB2_3:
0x21: {  	s18 =	sshra.s32 s17, $0x2  }
0x22: {  	v4 =	vld [tilespmem:s18+$0x0]  }
0x23: {  	v5 =	vld [tilespmem:s18+$0xC000]  }
0x24: {  	v6 =	vld [tilespmem:s18+$0x10]  }
0x25: {  	v7 =	vld [tilespmem:s18+$0xC010]  }
0x26: {  	v8 =	vld [tilespmem:s18+$0x20]  }
0x27: {  	v9 =	vld [tilespmem:s18+$0xC020]  }
0x28: {  	v10 =	vld [tilespmem:s18+$0x30]  }
0x29: {  	v60 =	vld [tilespmem:s18+$0xC040]  }
0x2a: {  	v61 =	vld [tilespmem:s18+$0x50]  }
0x2b: {  	v52 =	vadd.f32 v5, v4;
	v4 =	vld [tilespmem:s18+$0xC030]  }
0x2c: {  	v62 =	vld [tilespmem:s18+$0xC050];
	v51 =	vadd.f32 v7, v6  }
0x2d: {  	v5 =	vld [tilespmem:s18+$0x40];
	v59 =	vadd.f32 $0.0e+00, v52  }
0x2e: {  	v16 =	vld [tilespmem:s18+$0xC060];
	v50 =	vadd.f32 v9, v8;
	v11 =	vmul.f32 v52, v52;
	v12 =	vmul.f32 v51, v51  }
0x2f: {  	v18 =	vld [tilespmem:s18+$0xC070];
	v6 =	vadd.f32 v51, v59  }
0x30: {  	v20 =	vld [tilespmem:s18+$0x80];
	v63 =	vmul.f32 v50, v50;
	v11 =	vadd.f32 v12, v11;
	v49 =	vadd.f32 v4, v10  }
0x31: {  	v4 =	vld [tilespmem:s18+$0x60];
	v6 =	vadd.f32 v50, v6  }
0x32: {  	v21 =	vld [tilespmem:s18+$0xC080];
	v48 =	vadd.f32 v60, v5;
	v11 =	vadd.f32 v63, v11;
	v17 =	vmul.f32 v49, v49  }
0x33: {  	v5 =	vld [tilespmem:s18+$0x70];
	v6 =	vadd.f32 v49, v6  }
0x34: {  	v23 =	vld [tilespmem:s18+$0xC090];
	v47 =	vadd.f32 v62, v61;
	v19 =	vmul.f32 v48, v48;
	v11 =	vadd.f32 v17, v11  }
0x35: {  	v25 =	vld [tilespmem:s18+$0xC0A0];
	v6 =	vadd.f32 v48, v6  }
0x36: {  	v27 =	vld [tilespmem:s18+$0xB0];
	v22 =	vmul.f32 v47, v47;
	v46 =	vadd.f32 v16, v4;
	v11 =	vadd.f32 v19, v11  }
0x37: {  	v4 =	vld [tilespmem:s18+$0x90];
	v6 =	vadd.f32 v47, v6  }
0x38: {  	v28 =	vld [tilespmem:s18+$0xC0B0];
	v45 =	vadd.f32 v18, v5;
	v24 =	vmul.f32 v46, v46;
	v11 =	vadd.f32 v22, v11  }
0x39: {  	v5 =	vld [tilespmem:s18+$0xA0];
	v6 =	vadd.f32 v46, v6  }
0x3a: {  	v30 =	vld [tilespmem:s18+$0xC0C0];
	v44 =	vadd.f32 v21, v20;
	v26 =	vmul.f32 v45, v45;
	v11 =	vadd.f32 v24, v11  }
0x3b: {  	v32 =	vld [tilespmem:s18+$0xC0D0];
	v6 =	vadd.f32 v45, v6  }
0x3c: {  	v34 =	vld [tilespmem:s18+$0xE0];
	v29 =	vmul.f32 v44, v44;
	v43 =	vadd.f32 v23, v4;
	v11 =	vadd.f32 v26, v11  }
0x3d: {  	v4 =	vld [tilespmem:s18+$0xC0];
	v6 =	vadd.f32 v44, v6  }
0x3e: {  	v35 =	vld [tilespmem:s18+$0xC0E0];
	v42 =	vadd.f32 v25, v5;
	v31 =	vmul.f32 v43, v43;
	v11 =	vadd.f32 v29, v11  }
0x3f: {  	v5 =	vld [tilespmem:s18+$0xD0];
	v6 =	vadd.f32 v43, v6  }
0x40: {  	v53 =	vld [tilespmem:s18+$0xC0F0];
	v41 =	vadd.f32 v28, v27;
	v33 =	vmul.f32 v42, v42;
	v11 =	vadd.f32 v31, v11  }
0x41: {  	v55 =	vld [tilespmem:s18+$0xC100];
	v6 =	vadd.f32 v42, v6  }
0x42: {  	v57 =	vld [tilespmem:s18+$0x110];
	v38 =	vmul.f32 v41, v41;
	v40 =	vadd.f32 v30, v4;
	v11 =	vadd.f32 v33, v11  }
0x43: {  	v4 =	vld [tilespmem:s18+$0xF0];
	v6 =	vadd.f32 v41, v6  }
0x44: {  	v58 =	vld [tilespmem:s18+$0xC110];
	v39 =	vadd.f32 v32, v5;
	v54 =	vmul.f32 v40, v40;
	v11 =	vadd.f32 v38, v11  }
0x45: {  	v5 =	vld [tilespmem:s18+$0x100];
	v6 =	vadd.f32 v40, v6  }
0x46: {  	v62 =	vld [tilespmem:s18+$0xC130];
	v56 =	vmul.f32 v39, v39;
	v38 =	vadd.f32 v35, v34;
	v11 =	vadd.f32 v54, v11  }
0x47: {  	v21 =	vld [tilespmem:s18+$0xC160];
	v6 =	vadd.f32 v39, v6  }
0x48: {  	v60 =	vld [tilespmem:s18+$0xC120];
	v37 =	vadd.f32 v53, v4;
	v59 =	vmul.f32 v38, v38;
	v11 =	vadd.f32 v56, v11  }
0x49: {  	v4 =	vld [tilespmem:s18+$0x120];
	v6 =	vadd.f32 v38, v6  }
0x4a: {  	v17 =	vld [tilespmem:s18+$0xC140];
	v36 =	vadd.f32 v55, v5;
	v61 =	vmul.f32 v37, v37;
	v11 =	vadd.f32 v59, v11  }
0x4b: {  	v5 =	vld [tilespmem:s18+$0x130];
	v6 =	vadd.f32 v37, v6  }
0x4c: {  	v16 =	vld [tilespmem:s18+$0x140];
	v35 =	vadd.f32 v58, v57;
	v63 =	vmul.f32 v36, v36;
	v11 =	vadd.f32 v61, v11  }
0x4d: {  	v19 =	vld [tilespmem:s18+$0xC150];
	v6 =	vadd.f32 v36, v6  }
0x4e: {  	v23 =	vld [tilespmem:s18+$0x170];
	v18 =	vmul.f32 v35, v35;
	v34 =	vadd.f32 v60, v4;
	v11 =	vadd.f32 v63, v11  }
0x4f: {  	v4 =	vld [tilespmem:s18+$0x150];
	v6 =	vadd.f32 v35, v6  }
0x50: {  	v24 =	vld [tilespmem:s18+$0xC170];
	v33 =	vadd.f32 v62, v5;
	v20 =	vmul.f32 v34, v34;
	v11 =	vadd.f32 v18, v11  }
0x51: {  	v5 =	vld [tilespmem:s18+$0x160];
	v6 =	vadd.f32 v34, v6  }
0x52: {  	v26 =	vld [tilespmem:s18+$0xC180];
	v32 =	vadd.f32 v17, v16;
	v22 =	vmul.f32 v33, v33;
	v11 =	vadd.f32 v20, v11  }
0x53: {  	v53 =	vld [tilespmem:s18+$0xC190];
	v6 =	vadd.f32 v33, v6  }
0x54: {  	v25 =	vmul.f32 v32, v32;
	v55 =	vld [tilespmem:s18+$0x1A0];
	v31 =	vadd.f32 v19, v4;
	v11 =	vadd.f32 v22, v11  }
0x55: {  	v4 =	vld [tilespmem:s18+$0x180];
	v6 =	vadd.f32 v32, v6  }
0x56: {  	v58 =	vld [tilespmem:s18+$0xC1B0];
	v30 =	vadd.f32 v21, v5;
	v27 =	vmul.f32 v31, v31;
	v11 =	vadd.f32 v25, v11  }
0x57: {  	v5 =	vld [tilespmem:s18+$0x190];
	v6 =	vadd.f32 v31, v6  }
0x58: {  	v29 =	vadd.f32 v24, v23;
	v56 =	vld [tilespmem:s18+$0xC1A0];
	v54 =	vmul.f32 v30, v30;
	v11 =	vadd.f32 v27, v11  }
0x59: {  	v60 =	vld [tilespmem:s18+$0xC1C0];
	v6 =	vadd.f32 v30, v6  }
0x5a: {  	v57 =	vmul.f32 v29, v29;
	v62 =	vld [tilespmem:s18+$0x1D0];
	v28 =	vadd.f32 v26, v4;
	v11 =	vadd.f32 v54, v11  }
0x5b: {  	v4 =	vld [tilespmem:s18+$0x1B0];
	v6 =	vadd.f32 v29, v6  }
0x5c: {  	v63 =	vld [tilespmem:s18+$0xC1D0];
	v59 =	vmul.f32 v28, v28;
	v27 =	vadd.f32 v53, v5;
	v11 =	vadd.f32 v57, v11  }
0x5d: {  	v5 =	vld [tilespmem:s18+$0x1C0];
	v6 =	vadd.f32 v28, v6  }
0x5e: {  	v17 =	vld [tilespmem:s18+$0xC1E0];
	v26 =	vadd.f32 v56, v55;
	v61 =	vmul.f32 v27, v27;
	v11 =	vadd.f32 v59, v11  }
0x5f: {  	v19 =	vld [tilespmem:s18+$0xC1F0];
	v6 =	vadd.f32 v27, v6  }
0x60: {  	v55 =	vld [tilespmem:s18+$0xC200];
	v16 =	vmul.f32 v26, v26;
	v25 =	vadd.f32 v58, v4;
	v11 =	vadd.f32 v61, v11  }
0x61: {  	v23 =	vadd.f32 v63, v62;
	v4 =	vld [tilespmem:s18+$0x1E0];
	v6 =	vadd.f32 v26, v6  }
0x62: {  	v62 =	vld [tilespmem:s18+$0xC230];
	v18 =	vmul.f32 v25, v25;
	v24 =	vadd.f32 v60, v5;
	v11 =	vadd.f32 v16, v11  }
0x63: {  	v5 =	vld [tilespmem:s18+$0x1F0];
	v6 =	vadd.f32 v25, v6  }
0x64: {  	v22 =	vld [tilespmem:s18+$0xC240];
	v53 =	vmul.f32 v24, v24;
	v11 =	vadd.f32 v18, v11  }
0x65: {  	v54 =	vld [tilespmem:s18+$0x200];
	v6 =	vadd.f32 v24, v6  }
0x66: {  	v56 =	vmul.f32 v23, v23;
	v57 =	vld [tilespmem:s18+$0xC210];
	v21 =	vadd.f32 v17, v4;
	v11 =	vadd.f32 v53, v11  }
0x67: {  	v4 =	vld [tilespmem:s18+$0x210];
	v6 =	vadd.f32 v23, v6  }
0x68: {  	v59 =	vld [tilespmem:s18+$0xC220];
	v58 =	vmul.f32 v21, v21;
	v20 =	vadd.f32 v19, v5;
	v11 =	vadd.f32 v56, v11  }
0x69: {  	v5 =	vld [tilespmem:s18+$0x220];
	v6 =	vadd.f32 v21, v6  }
0x6a: {  	v61 =	vld [tilespmem:s18+$0x230];
	v19 =	vadd.f32 v55, v54;
	v60 =	vmul.f32 v20, v20;
	v11 =	vadd.f32 v58, v11  }
0x6b: {  	v54 =	vld [tilespmem:s18+$0xC250];
	v6 =	vadd.f32 v20, v6  }
0x6c: {  	v63 =	vmul.f32 v19, v19;
	v18 =	vadd.f32 v57, v4;
	v4 =	vld [tilespmem:s18+$0x240];
	v11 =	vadd.f32 v60, v11  }
0x6d: {  	v57 =	vld [tilespmem:s18+$0xC260];
	v6 =	vadd.f32 v19, v6  }
0x6e: {  	v53 =	vmul.f32 v18, v18;
	v17 =	vadd.f32 v59, v5;
	v5 =	vld [tilespmem:s18+$0x250];
	v11 =	vadd.f32 v63, v11  }
0x6f: {  	v56 =	vld [tilespmem:s18+$0x260];
	v6 =	vadd.f32 v18, v6  }
0x70: {  	v16 =	vadd.f32 v62, v61;
	v59 =	vld [tilespmem:s18+$0xC270];
	v55 =	vmul.f32 v17, v17;
	v11 =	vadd.f32 v53, v11  }
0x71: {  	v15 =	vadd.f32 v22, v4;
	v4 =	vld [tilespmem:s18+$0x270];
	v6 =	vadd.f32 v17, v6  }
0x72: {  	v61 =	vld [tilespmem:s18+$0xC280];
	v58 =	vmul.f32 v16, v16;
	v11 =	vadd.f32 v55, v11  }
0x73: {  	v14 =	vadd.f32 v54, v5;
	v5 =	vld [tilespmem:s18+$0x280];
	v6 =	vadd.f32 v16, v6  }
0x74: {  	v60 =	vmul.f32 v15, v15;
	v13 =	vadd.f32 v57, v56;
	v57 =	vld [tilespmem:s18+$0xC290];
	v11 =	vadd.f32 v58, v11  }
0x75: {  	v63 =	vld [tilespmem:s18+$0x290];
	v6 =	vadd.f32 v15, v6  }
0x76: {  	v62 =	vmul.f32 v14, v14;
	v12 =	vadd.f32 v59, v4;
	v4 =	vld [tilespmem:s18+$0x2A0];
	v11 =	vadd.f32 v60, v11  }
0x77: {  	v53 =	vld [tilespmem:s18+$0xC2A0];
	v6 =	vadd.f32 v14, v6  }
0x78: {  	v7 =	vld [tilespmem:s18+$0xC2B0];
	v22 =	vmul.f32 v13, v13;
	v11 =	vadd.f32 v62, v11  }
0x79: {  	v56 =	vld [tilespmem:s18+$0xC2C0];
	v6 =	vadd.f32 v13, v6  }
0x7a: {  	v55 =	vld [tilespmem:s18+$0x2C0];
	v58 =	vadd.f32 v22, v11  }
0x7b: {  	v59 =	vmul.f32 v12, v12;
	v11 =	vadd.f32 v61, v5;
	v5 =	vld [tilespmem:s18+$0x2B0];
	v6 =	vadd.f32 v12, v6  }
0x7c: {  	v10 =	vadd.f32 v57, v63;
	v9 =	vadd.f32 v53, v4;
	v4 =	vld [tilespmem:s18+$0x2D0]  }
0x7d: {  	v62 =	vld [tilespmem:s18+$0xC2D0];
	v22 =	vadd.f32 v59, v58;
	v54 =	vmul.f32 v11, v11;
	v6 =	vadd.f32 v11, v6;
	_ =	sdelay $0x1  }
0x7e: {  	v61 =	vmul.f32 v10, v10;
	v60 =	vadd.f32 v54, v22;
	v6 =	vadd.f32 v10, v6  }
0x7f: {  	v57 =	vld [tilespmem:s18+$0x2E0];
	v8 =	vadd.f32 v7, v5  }
0x80: {  	v63 =	vmul.f32 v9, v9;
	v22 =	vadd.f32 v61, v60;
	v60 =	vld [tilespmem:s18+$0xC2E0];
	v5 =	vadd.f32 v9, v6  }
0x81: {  	v7 =	vadd.f32 v56, v55;
	v61 =	vld [tilespmem:s18+$0x2F0];
	v6 =	vadd.f32 v62, v4  }
0x82: {  	v59 =	vmul.f32 v8, v8;
	v4 =	vld [tilespmem:s18+$0xC2F0];
	v58 =	vadd.f32 v63, v22;
	v5 =	vadd.f32 v8, v5;
	_ =	sdelay $0x1  }
0x83: {  	v56 =	vmul.f32 v7, v7;
	v22 =	vadd.f32 v59, v58;
	v62 =	vadd.f32 v7, v5  }
0x84: {  	v5 =	vadd.f32 v60, v57  }
0x85: {  	v63 =	vmul.f32 v6, v6;
	v22 =	vadd.f32 v56, v22;
	v53 =	vadd.f32 v6, v62  }
0x86: {  	v4 =	vadd.f32 v4, v61  }
0x87: {  	v54 =	vmul.f32 v5, v5;
	v22 =	vadd.f32 v63, v22;
	v53 =	vadd.f32 v5, v53;
	_ =	sdelay $0x1  }
0x88: {  	v57 =	vmul.f32 v4, v4;
	v22 =	vadd.f32 v54, v22;
	v53 =	vadd.f32 v4, v53;
	_ =	sdelay $0x1  }
0x89: {  	v22 =	vadd.f32 v57, v22;
	v58 =	vperm.xlane v53, v0;
	_ =	sdelay $0x1  }
0x8a: {  	v59 =	vperm.xlane v22, v0;
	v53 =	vadd.f32 v58, v53;
	_ =	sdelay $0x1  }
0x8b: {  	v22 =	vadd.f32 v59, v22;
	v60 =	vperm.xlane v53, v1;
	_ =	sdelay $0x1  }
0x8c: {  	v54 =	vperm.xlane v22, v1;
	v53 =	vadd.f32 v60, v53;
	_ =	sdelay $0x1  }
0x8d: {  	v22 =	vadd.f32 v54, v22;
	v55 =	vperm.xlane v53, v2;
	_ =	sdelay $0x1  }
0x8e: {  	v54 =	vperm.xlane v22, v2;
	v53 =	vadd.f32 v55, v53;
	_ =	sdelay $0x1  }
0x8f: {  	v54 =	vadd.f32 v54, v22;
	v55 =	vperm.xlane v53, v3;
	_ =	sdelay $0x1  }
0x90: {  	v62 =	vperm.xlane v54, v3;
	v61 =	vadd.f32 v55, v53;
	_ =	sdelay $0x1  }
0x91: {  	v53 =	vadd.f32 v62, v54;
	v22 =	vmul.f32 $1.302083370e-03, v61;
	_ =	sdelay $0x1  }
0x92: {  	v53 =	vmul.f32 $1.302083370e-03, v53;
	v63 =	vmul.f32 v22, v22;
	_ =	sdelay $0x1  }
0x93: {  	v53 =	vsub.f32 v53, v63;
	_ =	sdelay $0x1  }
0x94: {  	v53 =	vadd.f32 $9.999999960e-13, v53;
	_ =	sdelay $0x1  }
0x95: {  	v57 =	vadd.f32 $1.000000000e+00, v53;
	_ =	sdelay $0x1  }
0x96: {  	v54 =	vmul.f32 $5.000000000e-01, v57;
	_ =	sdelay $0x1  }
0x97: {  	(erf) = vrcp.f32 v54;
	_ =	sdelay $0x8  }
0x98: {  	v58 =	vpop (erf)  }
0x99: {  	v55 =	vmul.f32 v58, v53;
	_ =	sdelay $0x1  }
0x9a: {  	v54 =	vadd.f32 v55, v54;
	_ =	sdelay $0x1  }
0x9b: {  	v54 =	vmul.f32 $5.000000000e-01, v54;
	_ =	sdelay $0x1  }
0x9c: {  	(erf) = vrcp.f32 v54;
	_ =	sdelay $0x8  }
0x9d: {  	v59 =	vpop (erf)  }
0x9e: {  	v55 =	vmul.f32 v59, v53;
	_ =	sdelay $0x1  }
0x9f: {  	v54 =	vadd.f32 v55, v54;
	_ =	sdelay $0x1  }
0xa0: {  	v54 =	vmul.f32 $5.000000000e-01, v54;
	_ =	sdelay $0x1  }
0xa1: {  	(erf) = vrcp.f32 v54;
	_ =	sdelay $0x8  }
0xa2: {  	v60 =	vpop (erf)  }
0xa3: {  	v55 =	vmul.f32 v60, v53;
	_ =	sdelay $0x1  }
0xa4: {  	v54 =	vadd.f32 v55, v54;
	_ =	sdelay $0x1  }
0xa5: {  	v54 =	vmul.f32 $5.000000000e-01, v54;
	_ =	sdelay $0x1  }
0xa6: {  	(erf) = vrcp.f32 v54;
	_ =	sdelay $0x8  }
0xa7: {  	v61 =	vpop (erf)  }
0xa8: {  	v55 =	vmul.f32 v61, v53;
	_ =	sdelay $0x1  }
0xa9: {  	v54 =	vadd.f32 v55, v54;
	_ =	sdelay $0x1  }
0xaa: {  	v54 =	vmul.f32 $5.000000000e-01, v54;
	_ =	sdelay $0x1  }
0xab: {  	(erf) = vrcp.f32 v54;
	_ =	sdelay $0x8  }
0xac: {  	v62 =	vpop (erf)  }
0xad: {  	v55 =	vmul.f32 v62, v53;
	_ =	sdelay $0x1  }
0xae: {  	v54 =	vadd.f32 v55, v54;
	_ =	sdelay $0x1  }
0xaf: {  	v54 =	vmul.f32 $5.000000000e-01, v54;
	_ =	sdelay $0x1  }
0xb0: {  	(erf) = vrcp.f32 v54;
	_ =	sdelay $0x8  }
0xb1: {  	v63 =	vpop (erf)  }
0xb2: {  	v55 =	vmul.f32 v63, v53;
	_ =	sdelay $0x1  }
0xb3: {  	v54 =	vadd.f32 v55, v54;
	_ =	sdelay $0x1  }
0xb4: {  	v54 =	vmul.f32 $5.000000000e-01, v54;
	_ =	sdelay $0x1  }
0xb5: {  	(erf) = vrcp.f32 v54;
	_ =	sdelay $0x8  }
0xb6: {  	v57 =	vpop (erf)  }
0xb7: {  	v55 =	vmul.f32 v57, v53;
	_ =	sdelay $0x1  }
0xb8: {  	v54 =	vadd.f32 v55, v54;
	_ =	sdelay $0x1  }
0xb9: {  	v54 =	vmul.f32 $5.000000000e-01, v54;
	_ =	sdelay $0x1  }
0xba: {  	(erf) = vrcp.f32 v54;
	_ =	sdelay $0x8  }
0xbb: {  	v58 =	vpop (erf)  }
0xbc: {  	v55 =	vmul.f32 v58, v53;
	_ =	sdelay $0x1  }
0xbd: {  	v54 =	vadd.f32 v55, v54;
	_ =	sdelay $0x1  }
0xbe: {  	v54 =	vmul.f32 $5.000000000e-01, v54;
	_ =	sdelay $0x1  }
0xbf: {  	(erf) = vrcp.f32 v54;
	_ =	sdelay $0x8  }
0xc0: {  	v59 =	vpop (erf)  }
0xc1: {  	v55 =	vmul.f32 v59, v53;
	_ =	sdelay $0x1  }
0xc2: {  	v54 =	vadd.f32 v55, v54;
	_ =	sdelay $0x1  }
0xc3: {  	v54 =	vmul.f32 $5.000000000e-01, v54;
	_ =	sdelay $0x1  }
0xc4: {  	(erf) = vrcp.f32 v54;
	_ =	sdelay $0x8  }
0xc5: {  	v60 =	vpop (erf)  }
0xc6: {  	v55 =	vmul.f32 v60, v53;
	_ =	sdelay $0x1  }
0xc7: {  	v54 =	vadd.f32 v55, v54;
	_ =	sdelay $0x1  }
0xc8: {  	v54 =	vmul.f32 $5.000000000e-01, v54;
	_ =	sdelay $0x1  }
0xc9: {  	(erf) = vrcp.f32 v54;
	_ =	sdelay $0x8  }
0xca: {  	v61 =	vpop (erf)  }
0xcb: {  	v55 =	vmul.f32 v61, v53;
	_ =	sdelay $0x1  }
0xcc: {  	v54 =	vadd.f32 v55, v54;
	_ =	sdelay $0x1  }
0xcd: {  	v54 =	vmul.f32 $5.000000000e-01, v54;
	_ =	sdelay $0x1  }
0xce: {  	(erf) = vrcp.f32 v54;
	_ =	sdelay $0x8  }
0xcf: {  	v62 =	vpop (erf)  }
0xd0: {  	v55 =	vmul.f32 v62, v53;
	_ =	sdelay $0x1  }
0xd1: {  	v54 =	vadd.f32 v55, v54;
	_ =	sdelay $0x1  }
0xd2: {  	v54 =	vmul.f32 $5.000000000e-01, v54;
	_ =	sdelay $0x1  }
0xd3: {  	(erf) = vrcp.f32 v54;
	_ =	sdelay $0x8  }
0xd4: {  	v63 =	vpop (erf)  }
0xd5: {  	v55 =	vmul.f32 v63, v53;
	_ =	sdelay $0x1  }
0xd6: {  	v54 =	vadd.f32 v55, v54;
	_ =	sdelay $0x1  }
0xd7: {  	v54 =	vmul.f32 $5.000000000e-01, v54;
	_ =	sdelay $0x1  }
0xd8: {  	(erf) = vrcp.f32 v54;
	_ =	sdelay $0x8  }
0xd9: {  	v57 =	vpop (erf)  }
0xda: {  	v55 =	vmul.f32 v57, v53;
	_ =	sdelay $0x1  }
0xdb: {  	v54 =	vadd.f32 v55, v54;
	_ =	sdelay $0x1  }
0xdc: {  	v54 =	vmul.f32 $5.000000000e-01, v54;
	_ =	sdelay $0x1  }
0xdd: {  	(erf) = vrcp.f32 v54;
	_ =	sdelay $0x8  }
0xde: {  	v58 =	vpop (erf)  }
0xdf: {  	v55 =	vmul.f32 v58, v53;
	_ =	sdelay $0x1  }
0xe0: {  	v54 =	vadd.f32 v55, v54;
	_ =	sdelay $0x1  }
0xe1: {  	v54 =	vmul.f32 $5.000000000e-01, v54;
	_ =	sdelay $0x1  }
0xe2: {  	(erf) = vrcp.f32 v54;
	_ =	sdelay $0x8  }
0xe3: {  	v59 =	vpop (erf)  }
0xe4: {  	v55 =	vmul.f32 v59, v53;
	_ =	sdelay $0x1  }
0xe5: {  	v54 =	vadd.f32 v55, v54;
	_ =	sdelay $0x1  }
0xe6: {  	v54 =	vmul.f32 $5.000000000e-01, v54;
	_ =	sdelay $0x1  }
0xe7: {  	(erf) = vrcp.f32 v54;
	_ =	sdelay $0x8  }
0xe8: {  	v60 =	vpop (erf)  }
0xe9: {  	v55 =	vmul.f32 v60, v53;
	_ =	sdelay $0x1  }
0xea: {  	v54 =	vadd.f32 v55, v54;
	_ =	sdelay $0x1  }
0xeb: {  	v54 =	vmul.f32 $5.000000000e-01, v54;
	_ =	sdelay $0x1  }
0xec: {  	(erf) = vrcp.f32 v54;
	_ =	sdelay $0x8  }
0xed: {  	v61 =	vpop (erf)  }
0xee: {  	v55 =	vmul.f32 v61, v53;
	_ =	sdelay $0x1  }
0xef: {  	v54 =	vadd.f32 v55, v54;
	_ =	sdelay $0x1  }
0xf0: {  	v54 =	vmul.f32 $5.000000000e-01, v54;
	_ =	sdelay $0x1  }
0xf1: {  	(erf) = vrcp.f32 v54;
	_ =	sdelay $0x8  }
0xf2: {  	v62 =	vpop (erf)  }
0xf3: {  	v55 =	vmul.f32 v62, v53;
	_ =	sdelay $0x1  }
0xf4: {  	v54 =	vadd.f32 v55, v54;
	_ =	sdelay $0x1  }
0xf5: {  	v54 =	vmul.f32 $5.000000000e-01, v54;
	_ =	sdelay $0x1  }
0xf6: {  	(erf) = vrcp.f32 v54;
	_ =	sdelay $0x8  }
0xf7: {  	v63 =	vpop (erf)  }
0xf8: {  	v55 =	vmul.f32 v63, v53;
	_ =	sdelay $0x1  }
0xf9: {  	v54 =	vadd.f32 v55, v54;
	_ =	sdelay $0x1  }
0xfa: {  	v54 =	vmul.f32 $5.000000000e-01, v54;
	_ =	sdelay $0x1  }
0xfb: {  	(erf) = vrcp.f32 v54;
	_ =	sdelay $0x8  }
0xfc: {  	v57 =	vpop (erf)  }
0xfd: {  	v55 =	vmul.f32 v57, v53;
	_ =	sdelay $0x1  }
0xfe: {  	v54 =	vadd.f32 v55, v54;
	_ =	sdelay $0x1  }
0xff: {  	v54 =	vmul.f32 $5.000000000e-01, v54;
	_ =	sdelay $0x1  }
0x100: {  	(erf) = vrcp.f32 v54;
	_ =	sdelay $0x8  }
0x101: {  	v58 =	vpop (erf)  }
0x102: {  	v55 =	vmul.f32 v58, v53;
	_ =	sdelay $0x1  }
0x103: {  	v54 =	vadd.f32 v55, v54;
	_ =	sdelay $0x1  }
0x104: {  	v54 =	vmul.f32 $5.000000000e-01, v54;
	_ =	sdelay $0x1  }
0x105: {  	(erf) = vrcp.f32 v54;
	_ =	sdelay $0x8  }
0x106: {  	v59 =	vpop (erf)  }
0x107: {  	v55 =	vmul.f32 v59, v53;
	_ =	sdelay $0x1  }
0x108: {  	v54 =	vadd.f32 v55, v54;
	_ =	sdelay $0x1  }
0x109: {  	v54 =	vmul.f32 $5.000000000e-01, v54;
	_ =	sdelay $0x1  }
0x10a: {  	(erf) = vrcp.f32 v54;
	_ =	sdelay $0x4  }
0x10b: {  	[tilespmem:s18+$0x0] =	vst v52  }
0x10c: {  	[tilespmem:s18+$0x10] =	vst v51  }
0x10d: {  	[tilespmem:s18+$0x20] =	vst v50  }
0x10e: {  	[tilespmem:s18+$0x30] =	vst v49  }
0x10f: {  	[tilespmem:s18+$0x40] =	vst v48;
	v60 =	vpop (erf)  }
0x110: {  	[tilespmem:s18+$0x50] =	vst v47;
	v55 =	vmul.f32 v60, v53  }
0x111: {  	[tilespmem:s18+$0x60] =	vst v46  }
0x112: {  	[tilespmem:s18+$0x70] =	vst v45;
	v54 =	vadd.f32 v55, v54  }
0x113: {  	[tilespmem:s18+$0x80] =	vst v44  }
0x114: {  	[tilespmem:s18+$0x90] =	vst v43;
	v54 =	vmul.f32 $5.000000000e-01, v54  }
0x115: {  	[tilespmem:s18+$0xA0] =	vst v42  }
0x116: {  	[tilespmem:s18+$0xB0] =	vst v41;
	(erf) = vrcp.f32 v54  }
0x117: {  	[tilespmem:s18+$0xC0] =	vst v40  }
0x118: {  	[tilespmem:s18+$0xD0] =	vst v39  }
0x119: {  	[tilespmem:s18+$0xE0] =	vst v38  }
0x11a: {  	[tilespmem:s18+$0xF0] =	vst v37  }
0x11b: {  	[tilespmem:s18+$0x100] =	vst v36  }
0x11c: {  	[tilespmem:s18+$0x110] =	vst v35  }
0x11d: {  	[tilespmem:s18+$0x120] =	vst v34  }
0x11e: {  	[tilespmem:s18+$0x130] =	vst v33  }
0x11f: {  	[tilespmem:s18+$0x140] =	vst v32;
	v61 =	vpop (erf)  }
0x120: {  	[tilespmem:s18+$0x150] =	vst v31;
	v55 =	vmul.f32 v61, v53  }
0x121: {  	[tilespmem:s18+$0x160] =	vst v30  }
0x122: {  	[tilespmem:s18+$0x170] =	vst v29;
	v54 =	vadd.f32 v55, v54  }
0x123: {  	[tilespmem:s18+$0x180] =	vst v28  }
0x124: {  	[tilespmem:s18+$0x190] =	vst v27;
	v54 =	vmul.f32 $5.000000000e-01, v54  }
0x125: {  	[tilespmem:s18+$0x1A0] =	vst v26  }
0x126: {  	[tilespmem:s18+$0x1B0] =	vst v25;
	(erf) = vrcp.f32 v54  }
0x127: {  	[tilespmem:s18+$0x1C0] =	vst v24  }
0x128: {  	[tilespmem:s18+$0x1D0] =	vst v23  }
0x129: {  	[tilespmem:s18+$0x1E0] =	vst v21  }
0x12a: {  	[tilespmem:s18+$0x1F0] =	vst v20  }
0x12b: {  	[tilespmem:s18+$0x200] =	vst v19  }
0x12c: {  	[tilespmem:s18+$0x210] =	vst v18  }
0x12d: {  	[tilespmem:s18+$0x230] =	vst v16  }
0x12e: {  	[tilespmem:s18+$0x220] =	vst v17  }
0x12f: {  	[tilespmem:s18+$0x240] =	vst v15;
	v62 =	vpop (erf)  }
0x130: {  	[tilespmem:s18+$0x250] =	vst v14;
	v53 =	vmul.f32 v62, v53  }
0x131: {  	[tilespmem:s18+$0x260] =	vst v13  }
0x132: {  	[tilespmem:s18+$0x270] =	vst v12;
	v53 =	vadd.f32 v53, v54  }
0x133: {  	[tilespmem:s18+$0x290] =	vst v10  }
0x134: {  	[tilespmem:s18+$0x2A0] =	vst v9;
	v53 =	vmul.f32 $5.000000000e-01, v53  }
0x135: {  	[tilespmem:s18+$0x280] =	vst v11  }
0x136: {  	[tilespmem:s18+$0x2B0] =	vst v8;
	(erf) = vrcp.f32 v53  }
0x137: {  	[tilespmem:s18+$0x2C0] =	vst v7  }
0x138: {  	[tilespmem:s18+$0x2D0] =	vst v6  }
0x139: {  	[tilespmem:s18+$0x2E0] =	vst v5  }
0x13a: {  	[tilespmem:s18+$0x2F0] =	vst v4  }
0x13b: {  	v63 =	vld [tilespmem:$0x18000];
	_ =	sdelay $0x3  }
0x13c: {  	v57 =	vld [tilespmem:$0x18300];
	v53 =	vpop (erf)  }
0x13d: {  	v52 =	vsub.f32 v52, v22;
	v54 =	vmul.f32 v53, v63;
	_ =	sdelay $0x1  }
0x13e: {  	v52 =	vmul.f32 v54, v52;
	_ =	sdelay $0x1  }
0x13f: {  	v52 =	vadd.f32 v52, v57;
	_ =	sdelay $0x1  }
0x140: {  	[tilespmem:s18+$0x0] =	vst v52  }
0x141: {  	v52 =	vld [tilespmem:$0x18010];
	_ =	sdelay $0x3  }
0x142: {  	v58 =	vld [tilespmem:$0x18310]  }
0x143: {  	v51 =	vsub.f32 v51, v22;
	v52 =	vmul.f32 v53, v52;
	_ =	sdelay $0x1  }
0x144: {  	v51 =	vmul.f32 v52, v51;
	_ =	sdelay $0x1  }
0x145: {  	v51 =	vadd.f32 v51, v58;
	_ =	sdelay $0x1  }
0x146: {  	[tilespmem:s18+$0x10] =	vst v51  }
0x147: {  	v51 =	vld [tilespmem:$0x18020];
	_ =	sdelay $0x3  }
0x148: {  	v59 =	vld [tilespmem:$0x18320]  }
0x149: {  	v50 =	vsub.f32 v50, v22;
	v51 =	vmul.f32 v53, v51;
	_ =	sdelay $0x1  }
0x14a: {  	v50 =	vmul.f32 v51, v50;
	_ =	sdelay $0x1  }
0x14b: {  	v50 =	vadd.f32 v50, v59;
	_ =	sdelay $0x1  }
0x14c: {  	[tilespmem:s18+$0x20] =	vst v50  }
0x14d: {  	v50 =	vld [tilespmem:$0x18030];
	_ =	sdelay $0x3  }
0x14e: {  	v60 =	vld [tilespmem:$0x18330]  }
0x14f: {  	v49 =	vsub.f32 v49, v22;
	v50 =	vmul.f32 v53, v50;
	_ =	sdelay $0x1  }
0x150: {  	v49 =	vmul.f32 v50, v49;
	_ =	sdelay $0x1  }
0x151: {  	v49 =	vadd.f32 v49, v60;
	_ =	sdelay $0x1  }
0x152: {  	[tilespmem:s18+$0x30] =	vst v49  }
0x153: {  	v49 =	vld [tilespmem:$0x18040];
	_ =	sdelay $0x3  }
0x154: {  	v61 =	vld [tilespmem:$0x18340]  }
0x155: {  	v48 =	vsub.f32 v48, v22;
	v49 =	vmul.f32 v53, v49;
	_ =	sdelay $0x1  }
0x156: {  	v48 =	vmul.f32 v49, v48;
	_ =	sdelay $0x1  }
0x157: {  	v48 =	vadd.f32 v48, v61;
	_ =	sdelay $0x1  }
0x158: {  	[tilespmem:s18+$0x40] =	vst v48  }
0x159: {  	v48 =	vld [tilespmem:$0x18050];
	_ =	sdelay $0x3  }
0x15a: {  	v62 =	vld [tilespmem:$0x18350]  }
0x15b: {  	v47 =	vsub.f32 v47, v22;
	v48 =	vmul.f32 v53, v48;
	_ =	sdelay $0x1  }
0x15c: {  	v47 =	vmul.f32 v48, v47;
	_ =	sdelay $0x1  }
0x15d: {  	v47 =	vadd.f32 v47, v62;
	_ =	sdelay $0x1  }
0x15e: {  	[tilespmem:s18+$0x50] =	vst v47  }
0x15f: {  	v47 =	vld [tilespmem:$0x18060];
	_ =	sdelay $0x3  }
0x160: {  	v63 =	vld [tilespmem:$0x18360]  }
0x161: {  	v46 =	vsub.f32 v46, v22;
	v47 =	vmul.f32 v53, v47;
	_ =	sdelay $0x1  }
0x162: {  	v46 =	vmul.f32 v47, v46;
	_ =	sdelay $0x1  }
0x163: {  	v46 =	vadd.f32 v46, v63;
	_ =	sdelay $0x1  }
0x164: {  	[tilespmem:s18+$0x60] =	vst v46  }
0x165: {  	v46 =	vld [tilespmem:$0x18070];
	_ =	sdelay $0x3  }
0x166: {  	v49 =	vld [tilespmem:$0x18370]  }
0x167: {  	v45 =	vsub.f32 v45, v22;
	v46 =	vmul.f32 v53, v46;
	_ =	sdelay $0x1  }
0x168: {  	v45 =	vmul.f32 v46, v45;
	_ =	sdelay $0x1  }
0x169: {  	v45 =	vadd.f32 v45, v49;
	_ =	sdelay $0x1  }
0x16a: {  	[tilespmem:s18+$0x70] =	vst v45  }
0x16b: {  	v45 =	vld [tilespmem:$0x18080];
	_ =	sdelay $0x3  }
0x16c: {  	v50 =	vld [tilespmem:$0x18380]  }
0x16d: {  	v44 =	vsub.f32 v44, v22;
	v45 =	vmul.f32 v53, v45;
	_ =	sdelay $0x1  }
0x16e: {  	v44 =	vmul.f32 v45, v44;
	_ =	sdelay $0x1  }
0x16f: {  	v44 =	vadd.f32 v44, v50;
	_ =	sdelay $0x1  }
0x170: {  	[tilespmem:s18+$0x80] =	vst v44  }
0x171: {  	v44 =	vld [tilespmem:$0x18090];
	_ =	sdelay $0x3  }
0x172: {  	v51 =	vld [tilespmem:$0x18390]  }
0x173: {  	v43 =	vsub.f32 v43, v22;
	v44 =	vmul.f32 v53, v44;
	_ =	sdelay $0x1  }
0x174: {  	v43 =	vmul.f32 v44, v43;
	_ =	sdelay $0x1  }
0x175: {  	v43 =	vadd.f32 v43, v51;
	_ =	sdelay $0x1  }
0x176: {  	[tilespmem:s18+$0x90] =	vst v43  }
0x177: {  	v43 =	vld [tilespmem:$0x180A0];
	_ =	sdelay $0x3  }
0x178: {  	v52 =	vld [tilespmem:$0x183A0]  }
0x179: {  	v42 =	vsub.f32 v42, v22;
	v43 =	vmul.f32 v53, v43;
	_ =	sdelay $0x1  }
0x17a: {  	v42 =	vmul.f32 v43, v42;
	_ =	sdelay $0x1  }
0x17b: {  	v42 =	vadd.f32 v42, v52;
	_ =	sdelay $0x1  }
0x17c: {  	[tilespmem:s18+$0xA0] =	vst v42  }
0x17d: {  	v42 =	vld [tilespmem:$0x180B0];
	_ =	sdelay $0x3  }
0x17e: {  	v54 =	vld [tilespmem:$0x183B0]  }
0x17f: {  	v41 =	vsub.f32 v41, v22;
	v42 =	vmul.f32 v53, v42;
	_ =	sdelay $0x1  }
0x180: {  	v41 =	vmul.f32 v42, v41;
	_ =	sdelay $0x1  }
0x181: {  	v41 =	vadd.f32 v41, v54;
	_ =	sdelay $0x1  }
0x182: {  	[tilespmem:s18+$0xB0] =	vst v41  }
0x183: {  	v41 =	vld [tilespmem:$0x180C0];
	_ =	sdelay $0x3  }
0x184: {  	v55 =	vld [tilespmem:$0x183C0]  }
0x185: {  	v40 =	vsub.f32 v40, v22;
	v41 =	vmul.f32 v53, v41;
	_ =	sdelay $0x1  }
0x186: {  	v40 =	vmul.f32 v41, v40;
	_ =	sdelay $0x1  }
0x187: {  	v40 =	vadd.f32 v40, v55;
	_ =	sdelay $0x1  }
0x188: {  	[tilespmem:s18+$0xC0] =	vst v40  }
0x189: {  	v40 =	vld [tilespmem:$0x180D0];
	_ =	sdelay $0x3  }
0x18a: {  	v56 =	vld [tilespmem:$0x183D0]  }
0x18b: {  	v39 =	vsub.f32 v39, v22;
	v40 =	vmul.f32 v53, v40;
	_ =	sdelay $0x1  }
0x18c: {  	v39 =	vmul.f32 v40, v39;
	_ =	sdelay $0x1  }
0x18d: {  	v39 =	vadd.f32 v39, v56;
	_ =	sdelay $0x1  }
0x18e: {  	[tilespmem:s18+$0xD0] =	vst v39  }
0x18f: {  	v39 =	vld [tilespmem:$0x180E0];
	_ =	sdelay $0x3  }
0x190: {  	v57 =	vld [tilespmem:$0x183E0]  }
0x191: {  	v38 =	vsub.f32 v38, v22;
	v39 =	vmul.f32 v53, v39;
	_ =	sdelay $0x1  }
0x192: {  	v38 =	vmul.f32 v39, v38;
	_ =	sdelay $0x1  }
0x193: {  	v38 =	vadd.f32 v38, v57;
	_ =	sdelay $0x1  }
0x194: {  	[tilespmem:s18+$0xE0] =	vst v38  }
0x195: {  	v38 =	vld [tilespmem:$0x180F0];
	_ =	sdelay $0x3  }
0x196: {  	v58 =	vld [tilespmem:$0x183F0]  }
0x197: {  	v37 =	vsub.f32 v37, v22;
	v38 =	vmul.f32 v53, v38;
	_ =	sdelay $0x1  }
0x198: {  	v37 =	vmul.f32 v38, v37;
	_ =	sdelay $0x1  }
0x199: {  	v37 =	vadd.f32 v37, v58;
	_ =	sdelay $0x1  }
0x19a: {  	[tilespmem:s18+$0xF0] =	vst v37  }
0x19b: {  	v37 =	vld [tilespmem:$0x18100];
	_ =	sdelay $0x3  }
0x19c: {  	v59 =	vld [tilespmem:$0x18400]  }
0x19d: {  	v36 =	vsub.f32 v36, v22;
	v37 =	vmul.f32 v53, v37;
	_ =	sdelay $0x1  }
0x19e: {  	v36 =	vmul.f32 v37, v36;
	_ =	sdelay $0x1  }
0x19f: {  	v36 =	vadd.f32 v36, v59;
	_ =	sdelay $0x1  }
0x1a0: {  	[tilespmem:s18+$0x100] =	vst v36  }
0x1a1: {  	v36 =	vld [tilespmem:$0x18110];
	_ =	sdelay $0x3  }
0x1a2: {  	v60 =	vld [tilespmem:$0x18410]  }
0x1a3: {  	v35 =	vsub.f32 v35, v22;
	v36 =	vmul.f32 v53, v36;
	_ =	sdelay $0x1  }
0x1a4: {  	v35 =	vmul.f32 v36, v35;
	_ =	sdelay $0x1  }
0x1a5: {  	v35 =	vadd.f32 v35, v60;
	_ =	sdelay $0x1  }
0x1a6: {  	[tilespmem:s18+$0x110] =	vst v35  }
0x1a7: {  	v35 =	vld [tilespmem:$0x18120];
	_ =	sdelay $0x3  }
0x1a8: {  	v61 =	vld [tilespmem:$0x18420]  }
0x1a9: {  	v34 =	vsub.f32 v34, v22;
	v35 =	vmul.f32 v53, v35;
	_ =	sdelay $0x1  }
0x1aa: {  	v34 =	vmul.f32 v35, v34;
	_ =	sdelay $0x1  }
0x1ab: {  	v34 =	vadd.f32 v34, v61;
	_ =	sdelay $0x1  }
0x1ac: {  	[tilespmem:s18+$0x120] =	vst v34  }
0x1ad: {  	v34 =	vld [tilespmem:$0x18130];
	_ =	sdelay $0x3  }
0x1ae: {  	v62 =	vld [tilespmem:$0x18430]  }
0x1af: {  	v33 =	vsub.f32 v33, v22;
	v34 =	vmul.f32 v53, v34;
	_ =	sdelay $0x1  }
0x1b0: {  	v33 =	vmul.f32 v34, v33;
	_ =	sdelay $0x1  }
0x1b1: {  	v33 =	vadd.f32 v33, v62;
	_ =	sdelay $0x1  }
0x1b2: {  	[tilespmem:s18+$0x130] =	vst v33  }
0x1b3: {  	v33 =	vld [tilespmem:$0x18140];
	_ =	sdelay $0x3  }
0x1b4: {  	v63 =	vld [tilespmem:$0x18440]  }
0x1b5: {  	v32 =	vsub.f32 v32, v22;
	v33 =	vmul.f32 v53, v33;
	_ =	sdelay $0x1  }
0x1b6: {  	v32 =	vmul.f32 v33, v32;
	_ =	sdelay $0x1  }
0x1b7: {  	v32 =	vadd.f32 v32, v63;
	_ =	sdelay $0x1  }
0x1b8: {  	[tilespmem:s18+$0x140] =	vst v32  }
0x1b9: {  	v32 =	vld [tilespmem:$0x18150];
	_ =	sdelay $0x3  }
0x1ba: {  	v36 =	vld [tilespmem:$0x18450]  }
0x1bb: {  	v31 =	vsub.f32 v31, v22;
	v32 =	vmul.f32 v53, v32;
	_ =	sdelay $0x1  }
0x1bc: {  	v31 =	vmul.f32 v32, v31;
	_ =	sdelay $0x1  }
0x1bd: {  	v31 =	vadd.f32 v31, v36;
	_ =	sdelay $0x1  }
0x1be: {  	[tilespmem:s18+$0x150] =	vst v31  }
0x1bf: {  	v31 =	vld [tilespmem:$0x18160];
	_ =	sdelay $0x3  }
0x1c0: {  	v37 =	vld [tilespmem:$0x18460]  }
0x1c1: {  	v30 =	vsub.f32 v30, v22;
	v31 =	vmul.f32 v53, v31;
	_ =	sdelay $0x1  }
0x1c2: {  	v30 =	vmul.f32 v31, v30;
	_ =	sdelay $0x1  }
0x1c3: {  	v30 =	vadd.f32 v30, v37;
	_ =	sdelay $0x1  }
0x1c4: {  	[tilespmem:s18+$0x160] =	vst v30  }
0x1c5: {  	v30 =	vld [tilespmem:$0x18170];
	_ =	sdelay $0x3  }
0x1c6: {  	v38 =	vld [tilespmem:$0x18470]  }
0x1c7: {  	v29 =	vsub.f32 v29, v22;
	v30 =	vmul.f32 v53, v30;
	_ =	sdelay $0x1  }
0x1c8: {  	v29 =	vmul.f32 v30, v29;
	_ =	sdelay $0x1  }
0x1c9: {  	v29 =	vadd.f32 v29, v38;
	_ =	sdelay $0x1  }
0x1ca: {  	[tilespmem:s18+$0x170] =	vst v29  }
0x1cb: {  	v29 =	vld [tilespmem:$0x18180];
	_ =	sdelay $0x3  }
0x1cc: {  	v39 =	vld [tilespmem:$0x18480]  }
0x1cd: {  	v28 =	vsub.f32 v28, v22;
	v29 =	vmul.f32 v53, v29;
	_ =	sdelay $0x1  }
0x1ce: {  	v28 =	vmul.f32 v29, v28;
	_ =	sdelay $0x1  }
0x1cf: {  	v28 =	vadd.f32 v28, v39;
	_ =	sdelay $0x1  }
0x1d0: {  	[tilespmem:s18+$0x180] =	vst v28  }
0x1d1: {  	v28 =	vld [tilespmem:$0x18190];
	_ =	sdelay $0x3  }
0x1d2: {  	v40 =	vld [tilespmem:$0x18490]  }
0x1d3: {  	v27 =	vsub.f32 v27, v22;
	v28 =	vmul.f32 v53, v28;
	_ =	sdelay $0x1  }
0x1d4: {  	v27 =	vmul.f32 v28, v27;
	_ =	sdelay $0x1  }
0x1d5: {  	v27 =	vadd.f32 v27, v40;
	_ =	sdelay $0x1  }
0x1d6: {  	[tilespmem:s18+$0x190] =	vst v27  }
0x1d7: {  	v27 =	vld [tilespmem:$0x181A0];
	_ =	sdelay $0x3  }
0x1d8: {  	v41 =	vld [tilespmem:$0x184A0]  }
0x1d9: {  	v26 =	vsub.f32 v26, v22;
	v27 =	vmul.f32 v53, v27;
	_ =	sdelay $0x1  }
0x1da: {  	v26 =	vmul.f32 v27, v26;
	_ =	sdelay $0x1  }
0x1db: {  	v26 =	vadd.f32 v26, v41;
	_ =	sdelay $0x1  }
0x1dc: {  	[tilespmem:s18+$0x1A0] =	vst v26  }
0x1dd: {  	v26 =	vld [tilespmem:$0x181B0];
	_ =	sdelay $0x3  }
0x1de: {  	v42 =	vld [tilespmem:$0x184B0]  }
0x1df: {  	v25 =	vsub.f32 v25, v22;
	v26 =	vmul.f32 v53, v26;
	_ =	sdelay $0x1  }
0x1e0: {  	v25 =	vmul.f32 v26, v25;
	_ =	sdelay $0x1  }
0x1e1: {  	v25 =	vadd.f32 v25, v42;
	_ =	sdelay $0x1  }
0x1e2: {  	[tilespmem:s18+$0x1B0] =	vst v25  }
0x1e3: {  	v25 =	vld [tilespmem:$0x181C0];
	_ =	sdelay $0x3  }
0x1e4: {  	v43 =	vld [tilespmem:$0x184C0]  }
0x1e5: {  	v24 =	vsub.f32 v24, v22;
	v25 =	vmul.f32 v53, v25;
	_ =	sdelay $0x1  }
0x1e6: {  	v24 =	vmul.f32 v25, v24;
	_ =	sdelay $0x1  }
0x1e7: {  	v24 =	vadd.f32 v24, v43;
	_ =	sdelay $0x1  }
0x1e8: {  	[tilespmem:s18+$0x1C0] =	vst v24  }
0x1e9: {  	v24 =	vld [tilespmem:$0x181D0];
	_ =	sdelay $0x3  }
0x1ea: {  	v44 =	vld [tilespmem:$0x184D0]  }
0x1eb: {  	v23 =	vsub.f32 v23, v22;
	v24 =	vmul.f32 v53, v24;
	_ =	sdelay $0x1  }
0x1ec: {  	v23 =	vmul.f32 v24, v23;
	_ =	sdelay $0x1  }
0x1ed: {  	v23 =	vadd.f32 v23, v44;
	_ =	sdelay $0x1  }
0x1ee: {  	[tilespmem:s18+$0x1D0] =	vst v23  }
0x1ef: {  	v23 =	vld [tilespmem:$0x181E0];
	_ =	sdelay $0x3  }
0x1f0: {  	v45 =	vld [tilespmem:$0x184E0]  }
0x1f1: {  	v21 =	vsub.f32 v21, v22;
	v23 =	vmul.f32 v53, v23;
	_ =	sdelay $0x1  }
0x1f2: {  	v21 =	vmul.f32 v23, v21;
	_ =	sdelay $0x1  }
0x1f3: {  	v21 =	vadd.f32 v21, v45;
	_ =	sdelay $0x1  }
0x1f4: {  	[tilespmem:s18+$0x1E0] =	vst v21  }
0x1f5: {  	v21 =	vld [tilespmem:$0x181F0];
	_ =	sdelay $0x3  }
0x1f6: {  	v46 =	vld [tilespmem:$0x184F0]  }
0x1f7: {  	v20 =	vsub.f32 v20, v22;
	v21 =	vmul.f32 v53, v21;
	_ =	sdelay $0x1  }
0x1f8: {  	v20 =	vmul.f32 v21, v20;
	_ =	sdelay $0x1  }
0x1f9: {  	v20 =	vadd.f32 v20, v46;
	_ =	sdelay $0x1  }
0x1fa: {  	[tilespmem:s18+$0x1F0] =	vst v20  }
0x1fb: {  	v20 =	vld [tilespmem:$0x18200];
	_ =	sdelay $0x3  }
0x1fc: {  	v47 =	vld [tilespmem:$0x18500]  }
0x1fd: {  	v19 =	vsub.f32 v19, v22;
	v20 =	vmul.f32 v53, v20;
	_ =	sdelay $0x1  }
0x1fe: {  	v19 =	vmul.f32 v20, v19;
	_ =	sdelay $0x1  }
0x1ff: {  	v19 =	vadd.f32 v19, v47;
	_ =	sdelay $0x1  }
0x200: {  	[tilespmem:s18+$0x200] =	vst v19  }
0x201: {  	v19 =	vld [tilespmem:$0x18210];
	_ =	sdelay $0x3  }
0x202: {  	v48 =	vld [tilespmem:$0x18510]  }
0x203: {  	v18 =	vsub.f32 v18, v22;
	v19 =	vmul.f32 v53, v19;
	_ =	sdelay $0x1  }
0x204: {  	v18 =	vmul.f32 v19, v18;
	_ =	sdelay $0x1  }
0x205: {  	v18 =	vadd.f32 v18, v48;
	_ =	sdelay $0x1  }
0x206: {  	[tilespmem:s18+$0x210] =	vst v18  }
0x207: {  	v18 =	vld [tilespmem:$0x18220];
	_ =	sdelay $0x3  }
0x208: {  	v49 =	vld [tilespmem:$0x18520]  }
0x209: {  	v17 =	vsub.f32 v17, v22;
	v18 =	vmul.f32 v53, v18;
	_ =	sdelay $0x1  }
0x20a: {  	v17 =	vmul.f32 v18, v17;
	_ =	sdelay $0x1  }
0x20b: {  	v17 =	vadd.f32 v17, v49;
	_ =	sdelay $0x1  }
0x20c: {  	[tilespmem:s18+$0x220] =	vst v17  }
0x20d: {  	v17 =	vld [tilespmem:$0x18230];
	_ =	sdelay $0x3  }
0x20e: {  	v50 =	vld [tilespmem:$0x18530]  }
0x20f: {  	v16 =	vsub.f32 v16, v22;
	v17 =	vmul.f32 v53, v17;
	_ =	sdelay $0x1  }
0x210: {  	v16 =	vmul.f32 v17, v16;
	_ =	sdelay $0x1  }
0x211: {  	v16 =	vadd.f32 v16, v50;
	_ =	sdelay $0x1  }
0x212: {  	[tilespmem:s18+$0x230] =	vst v16  }
0x213: {  	v16 =	vld [tilespmem:$0x18240];
	_ =	sdelay $0x3  }
0x214: {  	v51 =	vld [tilespmem:$0x18540]  }
0x215: {  	v15 =	vsub.f32 v15, v22;
	v16 =	vmul.f32 v53, v16;
	_ =	sdelay $0x1  }
0x216: {  	v15 =	vmul.f32 v16, v15;
	_ =	sdelay $0x1  }
0x217: {  	v15 =	vadd.f32 v15, v51;
	_ =	sdelay $0x1  }
0x218: {  	[tilespmem:s18+$0x240] =	vst v15  }
0x219: {  	v15 =	vld [tilespmem:$0x18250];
	_ =	sdelay $0x3  }
0x21a: {  	v52 =	vld [tilespmem:$0x18550]  }
0x21b: {  	v14 =	vsub.f32 v14, v22;
	v15 =	vmul.f32 v15, v53;
	_ =	sdelay $0x1  }
0x21c: {  	v14 =	vmul.f32 v15, v14;
	_ =	sdelay $0x1  }
0x21d: {  	v14 =	vadd.f32 v14, v52;
	_ =	sdelay $0x1  }
0x21e: {  	[tilespmem:s18+$0x250] =	vst v14  }
0x21f: {  	v14 =	vld [tilespmem:$0x18260];
	_ =	sdelay $0x3  }
0x220: {  	v54 =	vld [tilespmem:$0x18560]  }
0x221: {  	v13 =	vsub.f32 v13, v22;
	v14 =	vmul.f32 v14, v53;
	_ =	sdelay $0x1  }
0x222: {  	v13 =	vmul.f32 v14, v13;
	_ =	sdelay $0x1  }
0x223: {  	v13 =	vadd.f32 v13, v54;
	_ =	sdelay $0x1  }
0x224: {  	[tilespmem:s18+$0x260] =	vst v13  }
0x225: {  	v13 =	vld [tilespmem:$0x18270];
	_ =	sdelay $0x3  }
0x226: {  	v55 =	vld [tilespmem:$0x18570]  }
0x227: {  	v12 =	vsub.f32 v12, v22;
	v13 =	vmul.f32 v13, v53;
	_ =	sdelay $0x1  }
0x228: {  	v12 =	vmul.f32 v13, v12;
	_ =	sdelay $0x1  }
0x229: {  	v12 =	vadd.f32 v12, v55;
	_ =	sdelay $0x1  }
0x22a: {  	[tilespmem:s18+$0x270] =	vst v12  }
0x22b: {  	v12 =	vld [tilespmem:$0x18280];
	_ =	sdelay $0x3  }
0x22c: {  	v56 =	vld [tilespmem:$0x18580]  }
0x22d: {  	v11 =	vsub.f32 v11, v22;
	v12 =	vmul.f32 v12, v53;
	_ =	sdelay $0x1  }
0x22e: {  	v11 =	vmul.f32 v12, v11;
	_ =	sdelay $0x1  }
0x22f: {  	v11 =	vadd.f32 v11, v56;
	_ =	sdelay $0x1  }
0x230: {  	[tilespmem:s18+$0x280] =	vst v11  }
0x231: {  	v11 =	vld [tilespmem:$0x18290];
	_ =	sdelay $0x3  }
0x232: {  	v57 =	vld [tilespmem:$0x18590]  }
0x233: {  	v10 =	vsub.f32 v10, v22;
	v11 =	vmul.f32 v11, v53;
	_ =	sdelay $0x1  }
0x234: {  	v10 =	vmul.f32 v11, v10;
	_ =	sdelay $0x1  }
0x235: {  	v10 =	vadd.f32 v10, v57;
	_ =	sdelay $0x1  }
0x236: {  	[tilespmem:s18+$0x290] =	vst v10  }
0x237: {  	v10 =	vld [tilespmem:$0x182A0];
	_ =	sdelay $0x3  }
0x238: {  	v58 =	vld [tilespmem:$0x185A0]  }
0x239: {  	v9 =	vsub.f32 v9, v22;
	v10 =	vmul.f32 v10, v53;
	_ =	sdelay $0x1  }
0x23a: {  	v9 =	vmul.f32 v10, v9;
	_ =	sdelay $0x1  }
0x23b: {  	v9 =	vadd.f32 v9, v58;
	_ =	sdelay $0x1  }
0x23c: {  	[tilespmem:s18+$0x2A0] =	vst v9  }
0x23d: {  	v9 =	vld [tilespmem:$0x182B0];
	_ =	sdelay $0x3  }
0x23e: {  	v59 =	vld [tilespmem:$0x185B0]  }
0x23f: {  	v8 =	vsub.f32 v8, v22;
	v9 =	vmul.f32 v9, v53;
	_ =	sdelay $0x1  }
0x240: {  	v8 =	vmul.f32 v9, v8;
	_ =	sdelay $0x1  }
0x241: {  	v8 =	vadd.f32 v8, v59;
	_ =	sdelay $0x1  }
0x242: {  	[tilespmem:s18+$0x2B0] =	vst v8  }
0x243: {  	v8 =	vld [tilespmem:$0x182C0];
	_ =	sdelay $0x3  }
0x244: {  	v60 =	vld [tilespmem:$0x185C0]  }
0x245: {  	v7 =	vsub.f32 v7, v22;
	v8 =	vmul.f32 v8, v53;
	_ =	sdelay $0x1  }
0x246: {  	v7 =	vmul.f32 v8, v7;
	_ =	sdelay $0x1  }
0x247: {  	v7 =	vadd.f32 v7, v60;
	_ =	sdelay $0x1  }
0x248: {  	[tilespmem:s18+$0x2C0] =	vst v7  }
0x249: {  	v7 =	vld [tilespmem:$0x182D0];
	_ =	sdelay $0x3  }
0x24a: {  	v61 =	vld [tilespmem:$0x185D0]  }
0x24b: {  	v6 =	vsub.f32 v6, v22;
	v7 =	vmul.f32 v7, v53;
	_ =	sdelay $0x1  }
0x24c: {  	v6 =	vmul.f32 v7, v6;
	_ =	sdelay $0x1  }
0x24d: {  	v6 =	vadd.f32 v6, v61;
	_ =	sdelay $0x1  }
0x24e: {  	[tilespmem:s18+$0x2D0] =	vst v6  }
0x24f: {  	v6 =	vld [tilespmem:$0x182E0];
	_ =	sdelay $0x3  }
0x250: {  	v62 =	vld [tilespmem:$0x185E0]  }
0x251: {  	v5 =	vsub.f32 v5, v22;
	v6 =	vmul.f32 v6, v53;
	_ =	sdelay $0x1  }
0x252: {  	v5 =	vmul.f32 v6, v5;
	_ =	sdelay $0x1  }
0x253: {  	v5 =	vadd.f32 v5, v62;
	_ =	sdelay $0x1  }
0x254: {  	[tilespmem:s18+$0x2E0] =	vst v5  }
0x255: {  	v5 =	vld [tilespmem:$0x182F0];
	_ =	sdelay $0x3  }
0x256: {  	v63 =	vld [tilespmem:$0x185F0]  }
0x257: {  	v4 =	vsub.f32 v4, v22;
	v5 =	vmul.f32 v5, v53  }
0x258: {  	p0 =	sne.s32 s17, $0x2F400  }
.Ltmp0:
0x259: {  	v4 =	vmul.f32 v5, v4;
	(pc) =	sbr.rel @p0 .LBB2_3-.Ltmp0, $3  }
0x25a: {  	_ = 	snop  }
0x25b: {  	v4 =	vadd.f32 v4, v63;
	_ =	sdelay $0x1  }
0x25c: {  	s17 =	sadd.s32 $0xC00, s17;
	[tilespmem:s18+$0x2F0] =	vst v4  }
0x25d: {  	s15 =	sadd.s32 $0x1, s15  }
0x25e: {  	p0 =	sne.s32 s15, $0x10  }
.Ltmp1:
0x25f: {  	s16 =	sadd.s32 s7, s16;
	(pc) =	sbr.rel @p0 .LBB2_2-.Ltmp1, $4  }
0x260: {  	[hbm4b:s16+s4] =	stream.linear.scatter [tilespmem:s4], [sflag:$0x1], $0xC000, $0x38;
	[tilespmem:$0x18600] =	vst v63  }
0x261: {  	_ =	swait.ge [sflag:s11], $0xC000  }
0x262: {  	[sflag:s11] =	ssyncset.done $0x0  }
0x263: {  	[sflag:s11] =	ssyncadd.s32 $0xFFFF4000  }
0x264: {  	s14 =	sadd.s32 $0x1, s14  }
0x265: {  	p0 =	sne.s32 s14, s9  }
.Ltmp2:
0x266: {  	_ = 	snop;
	(pc) =	sbr.rel @p0 .LBB2_1-.Ltmp2, $1  }
0x267: {  	_ =	sdelay $0x3  }
0x268: {  	_ =	sfence.sel $0x180000  }
0x269: {  	[bflag:$0x0] =	sbarrier.arrive $0xFFFF  }
0x26a: {  	p0 =	sne.s32 s5, $0x0;
	_ =	strace $0x90000047  }
0x26b: {  	s0 =	sadd.s32 @!p0 $0x100000, s2;
	[bflag:$0x2] =	sbarrier.arrive $0xFFFF  }
0x26c: {  	[sflag:s0] =	ssyncadd.tile.s32 @!p0 $0x1;
	_ =	shalt  }
.Lfunc_end2:
_tile_overlayer_lowered:
.L_overlay_start_2:
0x26d: {  	(tag) =	ssettag $0x2  }
0x26e: {  	s0 =	rddreg [dreg:$0x0];
	s2 =	stileid.u32  }
0x26f: {  	s1 =	rddreg [dreg:$0x1];
	p0 =	sne.s32 s2, $0x0  }
0x270: {  	s3 =	rddreg [dreg:$0x2];
	[bflag:$0x3] =	sbarrier.arrive $0xFFFF;
	s2 =	simm.s32 @!p0 $0x1C01  }
0x271: {  	[timem:s3], [sflag:s2] =	dma.local @!p0 [hbm:s0], s1  }
0x272: {  	s0 =	simm.s32 @!p0 $0x1  }
0x273: {  	_ =	swait.ge @!p0 [sflag:s0], s1  }
0x274: {  	s1 =	ssub.s32 @!p0 $0x0, s1;
	[sflag:s0] =	ssyncset.done @!p0 $0x0  }
0x275: {  	[sflag:s0] =	ssyncadd.s32 @!p0 s1  }
0x276: {  	[bflag:$0x3] =	sbarrier.arrive $0xFFFF  }
0x277: {  	_ =	shalt  }

</sc_bundles>
